<compile_context>
chip_gen: v7x
topology: tpu7x:2x2x1
jax: 0.10.2.dev20260603
libtpu: 0.0.44.dev20260713+nightly
codegen_flags: <defaults>
</compile_context>

<pallas_src>
import functools

import jax
import jax.numpy as jnp
from jax import lax
from jax.experimental import pallas as pl
from jax.experimental.pallas import tpu as pltpu
from jax.experimental.pallas import tpu_sc as plsc

N = 10000
E = 320000
D = 128
H = 64
G = 64
NP = 10240
W1 = 80
EPS = 1e-5

NC = 2
NS = 16
ROWS_PER_TILE = NP // NS
NACC = 10240
RPT_ACC = NACC // NS

EPT = E // NS
CH = 158


def _sc_mesh():
    return plsc.VectorSubcoreMesh(core_axis_name="c", subcore_axis_name="s")


def _chunk_loop(tab_h, src_v, dst_v, acc_sh, bufs, gs, ss, extra=None):
    b0, b1 = bufs[0], bufs[1]
    sem0, sem1 = gs[0], gs[1]
    pltpu.async_copy(tab_h.at[src_v.at[0]], b0, sem0)

    def step(j, b, sem, b_n, sem_n, nxt):
        if nxt is not None:
            pltpu.async_copy(tab_h.at[src_v.at[nxt]], b_n, sem_n)
        pltpu.make_async_copy(tab_h.at[src_v.at[j]], b, sem).wait()
        pltpu.sync_copy(b, acc_sh.at[dst_v.at[j]], add=True)
        if extra is not None:
            extra(j)

    def body(i, carry):
        j0 = 2 * i
        step(j0, b0, sem0, b1, sem1, j0 + 1)

        @pl.when(i < CH // 2 - 1)
        def _():
            pltpu.async_copy(tab_h.at[src_v.at[j0 + 2]], b0, sem0)

        pltpu.make_async_copy(tab_h.at[src_v.at[j0 + 1]], b1, sem1).wait()
        pltpu.sync_copy(b1, acc_sh.at[dst_v.at[j0 + 1]], add=True)
        if extra is not None:
            extra(j0 + 1)
        return carry

    lax.fori_loop(0, CH // 2, body, 0, unroll=False)


def _agg_one(table2, srcL3, srcR3, dst3, zeros, with_deg):
    out_type = [jax.ShapeDtypeStruct((NP, H), jnp.float32)] * 2
    scratch = [
        pltpu.VMEM((CH, 128), jnp.int32),
        pltpu.VMEM((CH, 128), jnp.int32),
    ] + [pltpu.VMEM((128, H), jnp.float32)] * 2 + [
        pltpu.VMEM_SHARED((NACC, H), jnp.float32),
    ] + [pltpu.SemaphoreType.DMA] * 2
    extra_in = ()
    if with_deg:
        out_type = out_type + [jax.ShapeDtypeStruct((NP, 8), jnp.float32)]
        scratch = scratch + [pltpu.VMEM((128, 8), jnp.float32),
                             pltpu.VMEM_SHARED((NACC, 8), jnp.float32),
                             pltpu.SemaphoreType.DMA]
        extra_in = (jnp.ones((128, 8), jnp.float32),
                    jnp.zeros((NP, 8), jnp.float32))

    @functools.partial(
        pl.kernel,
        out_type=out_type,
        mesh=_sc_mesh(),
        compiler_params=pltpu.CompilerParams(use_tc_tiling_on_sc=False),
        scratch_types=scratch,
    )
    def k(tab_h, srcL_h, srcR_h, dst_h, zero_h, *rest):
        if with_deg:
            ones_h, z8_h, outL_h, outR_h, deg_h = rest[:5]
            rest = rest[5:]
        else:
            outL_h, outR_h = rest[:2]
            rest = rest[2:]
        src_v, dst_v, b0, b1, acc_sh = rest[:5]
        gs = rest[5:7]
        ss = ()
        if with_deg:
            ones_v, dacc_sh, sd = rest[7:10]
        bufs = (b0, b1)
        cid = lax.axis_index("c")
        sid = lax.axis_index("s")
        r0 = sid * RPT_ACC
        pltpu.sync_copy(zero_h.at[pl.ds(r0, RPT_ACC)],
                        acc_sh.at[pl.ds(r0, RPT_ACC)])

        @pl.when(cid == 0)
        def _():
            pltpu.sync_copy(srcL_h.at[sid], src_v)

        @pl.when(cid == 1)
        def _():
            pltpu.sync_copy(srcR_h.at[sid], src_v)

        pltpu.sync_copy(dst_h.at[sid], dst_v)

        extra = None
        if with_deg:
            @pl.when(cid == 0)
            def _():
                pltpu.sync_copy(ones_h, ones_v)
                pltpu.sync_copy(z8_h.at[pl.ds(r0, RPT_ACC)],
                                dacc_sh.at[pl.ds(r0, RPT_ACC)])

            def extra(j):
                @pl.when(cid == 0)
                def _():
                    pltpu.async_copy(ones_v, dacc_sh.at[dst_v.at[j]], sd,
                                     add=True)

                    @pl.when(j >= 2)
                    def _():
                        pltpu.make_async_copy(
                            ones_v, dacc_sh.at[dst_v.at[0]], sd).wait()

        plsc.subcore_barrier()
        _chunk_loop(tab_h, src_v, dst_v, acc_sh, bufs, gs, ss, extra=extra)

        if with_deg:
            @pl.when(cid == 0)
            def _():
                for _i in range(2):
                    pltpu.make_async_copy(
                        ones_v, dacc_sh.at[dst_v.at[0]], sd).wait()
                pltpu.sync_copy(dacc_sh.at[pl.ds(r0, RPT_ACC)],
                                deg_h.at[pl.ds(r0, RPT_ACC)])

        plsc.subcore_barrier()

        @pl.when(cid == 0)
        def _():
            pltpu.sync_copy(acc_sh.at[pl.ds(r0, RPT_ACC)],
                            outL_h.at[pl.ds(r0, RPT_ACC)])

        @pl.when(cid == 1)
        def _():
            pltpu.sync_copy(acc_sh.at[pl.ds(r0, RPT_ACC)],
                            outR_h.at[pl.ds(r0, RPT_ACC)])

    return k(table2, srcL3, srcR3, dst3, zeros, *extra_in)


def _agg_two(tab2a, tab2b, srcL3, srcR3, dst3, zeros):
    @functools.partial(
        pl.kernel,
        out_type=[jax.ShapeDtypeStruct((NP, H), jnp.float32)] * 4,
        mesh=_sc_mesh(),
        compiler_params=pltpu.CompilerParams(use_tc_tiling_on_sc=False),
        scratch_types=[
            pltpu.VMEM((CH, 128), jnp.int32),
            pltpu.VMEM((CH, 128), jnp.int32),
        ] + [pltpu.VMEM((128, H), jnp.float32)] * 2 + [
            pltpu.VMEM_SHARED((NACC, H), jnp.float32),
        ] + [pltpu.SemaphoreType.DMA] * 2,
    )
    def k(ta_h, tb_h, srcL_h, srcR_h, dst_h, zero_h,
          outaL_h, outaR_h, outbL_h, outbR_h,
          src_v, dst_v, b0, b1, acc_sh, g0, g1):
        bufs = (b0, b1)
        gs = (g0, g1)
        ss = ()
        cid = lax.axis_index("c")
        sid = lax.axis_index("s")
        r0 = sid * RPT_ACC

        @pl.when(cid == 0)
        def _():
            pltpu.sync_copy(srcL_h.at[sid], src_v)

        @pl.when(cid == 1)
        def _():
            pltpu.sync_copy(srcR_h.at[sid], src_v)

        pltpu.sync_copy(dst_h.at[sid], dst_v)

        pltpu.sync_copy(zero_h.at[pl.ds(r0, RPT_ACC)],
                        acc_sh.at[pl.ds(r0, RPT_ACC)])
        plsc.subcore_barrier()
        _chunk_loop(ta_h, src_v, dst_v, acc_sh, bufs, gs, ss)
        plsc.subcore_barrier()

        @pl.when(cid == 0)
        def _():
            pltpu.sync_copy(acc_sh.at[pl.ds(r0, RPT_ACC)],
                            outaL_h.at[pl.ds(r0, RPT_ACC)])

        @pl.when(cid == 1)
        def _():
            pltpu.sync_copy(acc_sh.at[pl.ds(r0, RPT_ACC)],
                            outaR_h.at[pl.ds(r0, RPT_ACC)])

        plsc.subcore_barrier()
        pltpu.sync_copy(zero_h.at[pl.ds(r0, RPT_ACC)],
                        acc_sh.at[pl.ds(r0, RPT_ACC)])
        plsc.subcore_barrier()
        _chunk_loop(tb_h, src_v, dst_v, acc_sh, bufs, gs, ss)
        plsc.subcore_barrier()

        @pl.when(cid == 0)
        def _():
            pltpu.sync_copy(acc_sh.at[pl.ds(r0, RPT_ACC)],
                            outbL_h.at[pl.ds(r0, RPT_ACC)])

        @pl.when(cid == 1)
        def _():
            pltpu.sync_copy(acc_sh.at[pl.ds(r0, RPT_ACC)],
                            outbR_h.at[pl.ds(r0, RPT_ACC)])

    return k(tab2a, tab2b, srcL3, srcR3, dst3, zeros)


_BLK = 1024
_GRID = NP // _BLK


def _ln(h, g, b):
    mu = jnp.mean(h, axis=-1, keepdims=True)
    v = jnp.mean((h - mu) * (h - mu), axis=-1, keepdims=True)
    return (h - mu) * lax.rsqrt(v + EPS) * g + b


def _row_spec(w):
    return pl.BlockSpec((_BLK, w), lambda i: (i, 0))


def _full_spec(shape):
    nd = len(shape)
    return pl.BlockSpec(shape, lambda i: (0,) * nd)


def _tc_round1(xp, accL, accR, degp, wlin, ws1, wn1, bpack, lnpack):
    def body(x_r, al_r, ar_r, dp_r, wl_r, ws_r, wn_r, bp_r, ln_r,
             out1_r, z2_r, z3_r, inv_r):
        al = al_r[...]
        ar = ar_r[...]
        deg = dp_r[...][:, 0:1]
        pos = deg > 0.0
        inv = jnp.where(pos, 1.0 / jnp.maximum(deg, 1.0), 0.0)
        mcol = jnp.where(pos, 1.0, 0.0)
        accx = jnp.concatenate([al, ar], axis=1)
        ax = jnp.where(pos, accx * inv, 0.0)
        xb = x_r[...]
        wl = wl_r[...]
        ws = ws_r[...]
        wn = wn_r[...]
        bp = bp_r[...]
        lnp = ln_r[...]
        outs = []
        for l in range(3):
            linb = bp[l:l + 1, :]
            convb = bp[3 + l:4 + l, :]
            h = jnp.dot(xb, wl[l], preferred_element_type=jnp.float32) + linb
            a = jnp.dot(ax, wl[l], preferred_element_type=jnp.float32) + mcol * linb
            pre = (jnp.dot(h, ws[l], preferred_element_type=jnp.float32)
                   + jnp.dot(a, wn[l], preferred_element_type=jnp.float32) + convb)
            outs.append(pre)
        out1_r[...] = outs[0]
        z2_r[...] = jnp.maximum(_ln(outs[1], lnp[0:1, :], lnp[1:2, :]), 0.0)
        z3_r[...] = jnp.maximum(_ln(outs[2], lnp[2:3, :], lnp[3:4, :]), 0.0)
        inv_r[...] = jnp.broadcast_to(inv, (_BLK, D))

    out_shapes = [jax.ShapeDtypeStruct((NP, D), jnp.float32)] * 4
    return pl.pallas_call(
        body,
        grid=(_GRID,),
        in_specs=[
            _row_spec(D), _row_spec(H), _row_spec(H),
            pl.BlockSpec((_BLK, 8), lambda i: (i, 0)),
            _full_spec((3, D, D)), _full_spec((3, D, D)), _full_spec((3, D, D)),
            _full_spec((8, D)), _full_spec((8, D)),
        ],
        out_specs=[_row_spec(D)] * 4,
        out_shape=out_shapes,
    )(xp, accL, accR, degp, wlin, ws1, wn1, bpack, lnpack)


def _tc_round2(z2, z3a, a2L, a2R, a3L, a3R, inv, ws2, wn2, bp2):
    def body(z2_r, z3_r, a2l_r, a2r_r, a3l_r, a3r_r, inv_r, ws_r, wn_r, bp_r,
             out2_r, z3b_r):
        inv = inv_r[...][:, 0:1]
        pos = inv > 0.0
        ws = ws_r[...]
        wn = wn_r[...]
        bp = bp_r[...]
        a2 = jnp.concatenate([a2l_r[...], a2r_r[...]], axis=1)
        a3 = jnp.concatenate([a3l_r[...], a3r_r[...]], axis=1)
        a2 = jnp.where(pos, a2 * inv, 0.0)
        a3 = jnp.where(pos, a3 * inv, 0.0)
        out2_r[...] = (jnp.dot(z2_r[...], ws[0], preferred_element_type=jnp.float32)
                       + jnp.dot(a2, wn[0], preferred_element_type=jnp.float32)
                       + bp[0:1, :])
        pre = (jnp.dot(z3_r[...], ws[1], preferred_element_type=jnp.float32)
               + jnp.dot(a3, wn[1], preferred_element_type=jnp.float32)
               + bp[1:2, :])
        z3b_r[...] = jnp.maximum(_ln(pre, bp[2:3, :], bp[3:4, :]), 0.0)

    out_shapes = [jax.ShapeDtypeStruct((NP, D), jnp.float32)] * 2
    return pl.pallas_call(
        body,
        grid=(_GRID,),
        in_specs=[
            _row_spec(D), _row_spec(D),
            _row_spec(H), _row_spec(H), _row_spec(H), _row_spec(H),
            _row_spec(D),
            _full_spec((2, D, D)), _full_spec((2, D, D)), _full_spec((8, D)),
        ],
        out_specs=[_row_spec(D)] * 2,
        out_shape=out_shapes,
    )(z2, z3a, a2L, a2R, a3L, a3R, inv, ws2, wn2, bp2)


def _tc_round3(out1, out2, z3b, a4L, a4R, inv, batch2d, ws3, wn3, wf, fp):
    def body(o1_r, o2_r, z3_r, a4l_r, a4r_r, inv_r, b_r, ws_r, wn_r, wf_r, fp_r,
             node_r, graph_r, gsum):
        i = pl.program_id(0)
        inv = inv_r[...][:, 0:1]
        pos = inv > 0.0
        fp = fp_r[...]
        wf = wf_r[...]
        a4 = jnp.concatenate([a4l_r[...], a4r_r[...]], axis=1)
        a4 = jnp.where(pos, a4 * inv, 0.0)
        out3 = (jnp.dot(z3_r[...], ws_r[...], preferred_element_type=jnp.float32)
                + jnp.dot(a4, wn_r[...], preferred_element_type=jnp.float32)
                + fp[3:4, :])
        xf = o1_r[...] + o2_r[...] + out3
        node_r[...] = jnp.maximum(
            _ln(jnp.dot(xf, wf, preferred_element_type=jnp.float32) + fp[0:1, :],
                fp[1:2, :], fp[2:3, :]), 0.0)

        @pl.when(i == 0)
        def _():
            gsum[...] = jnp.zeros((G, D), jnp.float32)

        ids = b_r[...]
        iota = lax.broadcasted_iota(jnp.int32, (_BLK, G), 1)
        oh = (ids == iota).astype(jnp.float32)
        gsum[...] += lax.dot_general(oh, xf, (((0,), (0,)), ((), ())),
                                     preferred_element_type=jnp.float32)

        @pl.when(i == _GRID - 1)
        def _():
            gs = gsum[...]
            graph_r[...] = jnp.maximum(
                _ln(jnp.dot(gs, wf, preferred_element_type=jnp.float32) + fp[0:1, :],
                    fp[1:2, :], fp[2:3, :]), 0.0)

    out_shapes = [jax.ShapeDtypeStruct((NP, D), jnp.float32),
                  jax.ShapeDtypeStruct((G, D), jnp.float32)]
    return pl.pallas_call(
        body,
        grid=(_GRID,),
        in_specs=[
            _row_spec(D), _row_spec(D), _row_spec(D),
            _row_spec(H), _row_spec(H),
            _row_spec(D),
            pl.BlockSpec((_BLK, 1), lambda i: (i, 0)),
            _full_spec((D, D)), _full_spec((D, D)), _full_spec((D, D)),
            _full_spec((8, D)),
        ],
        out_specs=[_row_spec(D), _full_spec((G, D))],
        out_shape=out_shapes,
        scratch_shapes=[pltpu.VMEM((G, D), jnp.float32)],
    )(out1, out2, z3b, a4L, a4R, inv, batch2d, ws3, wn3, wf, fp)


def _edge_layout(idx, fill):
    a = idx.reshape(NS, EPT)
    a = jnp.pad(a, ((0, 0), (0, CH * 128 - EPT)), constant_values=fill)
    return a.reshape(NS, CH, 128)


def kernel(x, edge_index, batch, params):
    src = edge_index[0].astype(jnp.int32)
    dst = edge_index[1].astype(jnp.int32)

    xp = jnp.pad(x, ((0, NP - N), (0, 0)))

    srcL = _edge_layout(src * 2, 0)
    srcR = _edge_layout(src * 2 + 1, 1)
    dstB = _edge_layout(dst, N)

    z64 = jnp.zeros((NP, H), jnp.float32)

    batch2d = jnp.pad(batch.astype(jnp.int32), (0, NP - N),
                      constant_values=G).reshape(NP, 1)

    lv = params["levels"]
    f = params["fusion"]
    zrow = jnp.zeros((D,), jnp.float32)
    wlin = jnp.stack([l["lin_W"] for l in lv])
    ws1 = jnp.stack([l["convs"][0]["Ws"] for l in lv])
    wn1 = jnp.stack([l["convs"][0]["Wn"] for l in lv])
    bpack = jnp.stack(
        [lv[0]["lin_b"], lv[1]["lin_b"], lv[2]["lin_b"],
         lv[0]["convs"][0]["b"], lv[1]["convs"][0]["b"], lv[2]["convs"][0]["b"],
         zrow, zrow])
    lnpack = jnp.stack(
        [lv[1]["lns"][0]["g"], lv[1]["lns"][0]["b"],
         lv[2]["lns"][0]["g"], lv[2]["lns"][0]["b"], zrow, zrow, zrow, zrow])
    ws2 = jnp.stack([lv[1]["convs"][1]["Ws"], lv[2]["convs"][1]["Ws"]])
    wn2 = jnp.stack([lv[1]["convs"][1]["Wn"], lv[2]["convs"][1]["Wn"]])
    bp2 = jnp.stack(
        [lv[1]["convs"][1]["b"], lv[2]["convs"][1]["b"],
         lv[2]["lns"][1]["g"], lv[2]["lns"][1]["b"], zrow, zrow, zrow, zrow])
    ws3 = lv[2]["convs"][2]["Ws"]
    wn3 = lv[2]["convs"][2]["Wn"]
    fp = jnp.stack(
        [f["b"], f["ln_g"], f["ln_b"], lv[2]["convs"][2]["b"],
         zrow, zrow, zrow, zrow])

    accL, accR, degp = _agg_one(xp.reshape(NP * 2, H), srcL, srcR, dstB, z64,
                                with_deg=True)

    out1, z2, z3a, inv = _tc_round1(xp, accL, accR, degp,
                                    wlin, ws1, wn1, bpack, lnpack)

    a2L, a2R, a3L, a3R = _agg_two(z2.reshape(NP * 2, H), z3a.reshape(NP * 2, H),
                                  srcL, srcR, dstB, z64)

    out2, z3b = _tc_round2(z2, z3a, a2L, a2R, a3L, a3R, inv, ws2, wn2, bp2)

    a4L, a4R = _agg_one(z3b.reshape(NP * 2, H), srcL, srcR, dstB, z64,
                        with_deg=False)

    node_p, graph_out = _tc_round3(out1, out2, z3b, a4L, a4R, inv,
                                   batch2d, ws3, wn3, f["W"], fp)

    return (node_p[:N], graph_out)

# --- scband reference (transcript-rebuilt; emitter-appended) ---
"""Pipeline reference for scband-fpnet-83064667504980 (READ-ONLY COPY).

The authoritative reference and input builder live on the scoring server;
editing this copy changes nothing except your own understanding.
"""

import jax, jax.numpy as jnp
import numpy as np

N_NODES = 10000
N_EDGES = 320000
INPUT_DIM = 128
HIDDEN_DIM = 128
NUM_LAYERS_LIST = [1, 2, 3]
NUM_GRAPHS = 64
OUTPUT_DIM = 128
LN_EPS = 1e-5


def _dense(key, fan_in, fan_out):
    return jax.random.normal(key, (fan_in, fan_out), dtype=jnp.float32) / np.sqrt(fan_in)


def _make_params(key):
    ks = jax.random.split(key, 32)
    i = 0
    levels = []
    for nl in NUM_LAYERS_LIST:
        lin_W = _dense(ks[i], INPUT_DIM, HIDDEN_DIM); i += 1
        convs = []
        lns = []
        for l in range(nl):
            Ws = _dense(ks[i], HIDDEN_DIM, HIDDEN_DIM); i += 1
            Wn = _dense(ks[i], HIDDEN_DIM, HIDDEN_DIM); i += 1
            convs.append({"Ws": Ws, "Wn": Wn, "b": jnp.zeros((HIDDEN_DIM,), jnp.float32)})
            if l < nl - 1:
                lns.append({"g": jnp.ones((HIDDEN_DIM,), jnp.float32), "b": jnp.zeros((HIDDEN_DIM,), jnp.float32)})
        levels.append({"lin_W": lin_W, "lin_b": jnp.zeros((HIDDEN_DIM,), jnp.float32), "convs": convs, "lns": lns})
    fusion = {"W": _dense(ks[i], HIDDEN_DIM, OUTPUT_DIM), "b": jnp.zeros((OUTPUT_DIM,), jnp.float32), "ln_g": jnp.ones((OUTPUT_DIM,), jnp.float32), "ln_b": jnp.zeros((OUTPUT_DIM,), jnp.float32)}
    return {"levels": levels, "fusion": fusion}


def setup_inputs(seed: int = 0) -> dict:
    key = jax.random.key(seed)
    kx, ke, kb, kp = jax.random.split(key, 4)
    x = jax.random.normal(kx, (N_NODES, INPUT_DIM), dtype=jnp.float32)
    edge_index = jax.random.randint(ke, (2, N_EDGES), 0, N_NODES, dtype=jnp.int32)
    batch = jnp.sort(jax.random.randint(kb, (N_NODES,), 0, NUM_GRAPHS, dtype=jnp.int32))
    params = _make_params(kp)
    return {"x": x, "edge_index": edge_index, "batch": batch, "params": params}


def _layer_norm(h, g, b):
    m = h.mean(axis=-1, keepdims=True)
    v = ((h - m) ** 2).mean(axis=-1, keepdims=True)
    return (h - m) / jnp.sqrt(v + LN_EPS) * g + b


def _sage_conv(h, src, dst, c):
    # PyG-style SAGEConv with mean aggregation:
    # out = h @ W_self + mean_{j in N(i)} h_j @ W_neigh + b
    msg = h[src]                                   # gather (SparseCore)
    agg = jax.ops.segment_sum(msg, dst, num_segments=N_NODES)  # scatter-add
    deg = jax.ops.segment_sum(jnp.ones((src.shape[0],), h.dtype), dst, num_segments=N_NODES)
    agg = agg / jnp.maximum(deg, 1.0)[:, None]
    return h @ c["Ws"] + agg @ c["Wn"] + c["b"]


def _forward(params, x, edge_index, batch):
    src = edge_index[0]
    dst = edge_index[1]
    node_feats = []
    graph_feats = []
    # NOTE: the torch forward feeds the ORIGINAL x to every level's input Linear
    for lvl in params["levels"]:
        h = x @ lvl["lin_W"] + lvl["lin_b"]
        nl = len(lvl["convs"])
        for l, c in enumerate(lvl["convs"]):
            h = _sage_conv(h, src, dst, c)
            if l < nl - 1:
                ln = lvl["lns"][l]
                h = _layer_norm(h, ln["g"], ln["b"])
                h = jax.nn.relu(h)
        node_feats.append(h)
        graph_feats.append(jax.ops.segment_sum(h, batch, num_segments=NUM_GRAPHS))  # graph_aggr='add'
    # fusion_mode='add'; all hidden dims equal fusion dim so level projections are Identity
    x_fused = node_feats[0] + node_feats[1] + node_feats[2]
    g_fused = graph_feats[0] + graph_feats[1] + graph_feats[2]
    f = params["fusion"]
    node_out = jax.nn.relu(_layer_norm(x_fused @ f["W"] + f["b"], f["ln_g"], f["ln_b"]))
    graph_out = jax.nn.relu(_layer_norm(g_fused @ f["W"] + f["b"], f["ln_g"], f["ln_b"]))
    return (node_out, graph_out)


def reference(x, edge_index, batch, params):
    return _forward(params, x, edge_index, batch)

if __name__ == "__main__":
    import jax
    _d = setup_inputs()
    print(jax.jit(kernel)(*tuple(_d.values())))

</pallas_src>

<mosaic_0001>
#map = affine_map<(d0, d1) -> (0, 0)>
#map1 = affine_map<(d0, d1) -> (0, 0, 0)>
module attributes {stable_mosaic.version = 14 : i64} {
  func.func @k(%arg0: i32, %arg1: i32, %arg2: memref<20480x64xf32, #tpu.memory_space<hbm>>, %arg3: memref<16x158x128xi32, #tpu.memory_space<hbm>>, %arg4: memref<16x158x128xi32, #tpu.memory_space<hbm>>, %arg5: memref<16x158x128xi32, #tpu.memory_space<hbm>>, %arg6: memref<10240x64xf32, #tpu.memory_space<hbm>>, %arg7: memref<128x8xf32, #tpu.memory_space<hbm>>, %arg8: memref<10240x8xf32, #tpu.memory_space<hbm>>, %arg9: memref<10240x64xf32, #tpu.memory_space<hbm>>, %arg10: memref<10240x64xf32, #tpu.memory_space<hbm>>, %arg11: memref<10240x8xf32, #tpu.memory_space<hbm>>, %arg12: memref<158x128xi32, #tpu.memory_space<vmem>>, %arg13: memref<158x128xi32, #tpu.memory_space<vmem>>, %arg14: memref<128x64xf32, #tpu.memory_space<vmem>>, %arg15: memref<128x64xf32, #tpu.memory_space<vmem>>, %arg16: memref<10240x64xf32, #tpu.memory_space<vmem_shared>>, %arg17: memref<!tpu.dma_semaphore, #tpu.memory_space<semaphore_mem>>, %arg18: memref<!tpu.dma_semaphore, #tpu.memory_space<semaphore_mem>>, %arg19: memref<128x8xf32, #tpu.memory_space<vmem>>, %arg20: memref<10240x8xf32, #tpu.memory_space<vmem_shared>>, %arg21: memref<!tpu.dma_semaphore, #tpu.memory_space<semaphore_mem>>) attributes {dimension_semantics = [#tpu.dimension_semantics<core_parallel>, #tpu.dimension_semantics<subcore_parallel>], iteration_bounds = array<i64: 2, 16>, scalar_prefetch = 0 : i64, scratch_operands = 10 : i64, tpu.core_type = #tpu.core_type<sc_vector_subcore>, window_params = [{transform_indices = #map}, {transform_indices = #map1}, {transform_indices = #map1}, {transform_indices = #map1}, {transform_indices = #map}, {transform_indices = #map}, {transform_indices = #map}, {transform_indices = #map}, {transform_indices = #map}, {transform_indices = #map}]} {
    %mul3A = arith.constant 640 : i32
    %mul3A_0 = arith.muli %arg1, %mul3A : i32
    "tpu.region"() ({
      %run_scoped3A = tpu.sem_alloc : memref<!tpu.dma_semaphore, #tpu.memory_space<semaphore_mem>>
      %dma_start3A_40 = arith.constant 0 : i32
      %dma_start3A_41 = tpu.memref_slice %arg16[%mul3A_0, %dma_start3A_40] : memref<10240x64xf32, #tpu.memory_space<vmem_shared>> -> memref<640x64xf32, #tpu.memory_space<vmem_shared>>
      %dma_start3A_42 = arith.constant 0 : i32
      %dma_start3A_43 = tpu.memref_slice %arg6[%mul3A_0, %dma_start3A_42] : memref<10240x64xf32, #tpu.memory_space<hbm>> -> memref<640x64xf32, #tpu.memory_space<hbm>>
      tpu.enqueue_dma source(%dma_start3A_43 : memref<640x64xf32, #tpu.memory_space<hbm>>) target(%dma_start3A_41 : memref<640x64xf32, #tpu.memory_space<vmem_shared>>) target_semaphore(%run_scoped3A : memref<!tpu.dma_semaphore, #tpu.memory_space<semaphore_mem>>)
      %dma_wait3A = arith.constant 0 : i32
      %dma_wait3A_44 = tpu.memref_slice %arg16[%mul3A_0, %dma_wait3A] : memref<10240x64xf32, #tpu.memory_space<vmem_shared>> -> memref<640x64xf32, #tpu.memory_space<vmem_shared>>
      %dma_wait3A_45 = arith.constant 0 : i32
      %dma_wait3A_46 = tpu.memref_slice %arg6[%mul3A_0, %dma_wait3A_45] : memref<10240x64xf32, #tpu.memory_space<hbm>> -> memref<640x64xf32, #tpu.memory_space<hbm>>
      tpu.wait_dma2 semaphore(%run_scoped3A : memref<!tpu.dma_semaphore, #tpu.memory_space<semaphore_mem>>) src(%dma_wait3A_46 : memref<640x64xf32, #tpu.memory_space<hbm>>) dst(%dma_wait3A_44 : memref<640x64xf32, #tpu.memory_space<vmem_shared>>)
      tpu.yield
    }) : () -> ()
    %eq3A = arith.constant 0 : i32
    %eq3A_1 = arith.cmpi eq, %arg0, %eq3A : i32
    %convert_element_type3A = arith.extui %eq3A_1 : i1 to i32
    %cond3A = arith.constant 0 : i32
    %cond3A_2 = arith.cmpi ne, %convert_element_type3A, %cond3A : i32
    scf.if %cond3A_2 {
      "tpu.region"() ({
        %run_scoped3A = tpu.sem_alloc : memref<!tpu.dma_semaphore, #tpu.memory_space<semaphore_mem>>
        %dma_start3A_40 = arith.constant 0 : i32
        %dma_start3A_41 = arith.constant 0 : i32
        %dma_start3A_42 = tpu.memref_slice %arg3[%arg1, %dma_start3A_40, %dma_start3A_41] : memref<16x158x128xi32, #tpu.memory_space<hbm>> -> memref<1x158x128xi32, #tpu.memory_space<hbm>>
        %dma_start3A_43 = tpu.memref_squeeze %dma_start3A_42 : memref<1x158x128xi32, #tpu.memory_space<hbm>> -> memref<158x128xi32, #tpu.memory_space<hbm>>
        %dma_start3A_44 = arith.constant 0 : i32
        %dma_start3A_45 = arith.constant 0 : i32
        %dma_start3A_46 = tpu.memref_slice %arg3[%arg1, %dma_start3A_44, %dma_start3A_45] : memref<16x158x128xi32, #tpu.memory_space<hbm>> -> memref<1x158x128xi32, #tpu.memory_space<hbm>>
        %dma_start3A_47 = tpu.memref_squeeze %dma_start3A_46 : memref<1x158x128xi32, #tpu.memory_space<hbm>> -> memref<158x128xi32, #tpu.memory_space<hbm>>
        tpu.enqueue_dma source(%dma_start3A_47 : memref<158x128xi32, #tpu.memory_space<hbm>>) target(%arg12 : memref<158x128xi32, #tpu.memory_space<vmem>>) target_semaphore(%run_scoped3A : memref<!tpu.dma_semaphore, #tpu.memory_space<semaphore_mem>>)
        %dma_wait3A = arith.constant 0 : i32
        %dma_wait3A_48 = arith.constant 0 : i32
        %dma_wait3A_49 = tpu.memref_slice %arg3[%arg1, %dma_wait3A, %dma_wait3A_48] : memref<16x158x128xi32, #tpu.memory_space<hbm>> -> memref<1x158x128xi32, #tpu.memory_space<hbm>>
        %dma_wait3A_50 = tpu.memref_squeeze %dma_wait3A_49 : memref<1x158x128xi32, #tpu.memory_space<hbm>> -> memref<158x128xi32, #tpu.memory_space<hbm>>
        %dma_wait3A_51 = arith.constant 0 : i32
        %dma_wait3A_52 = arith.constant 0 : i32
        %dma_wait3A_53 = tpu.memref_slice %arg3[%arg1, %dma_wait3A_51, %dma_wait3A_52] : memref<16x158x128xi32, #tpu.memory_space<hbm>> -> memref<1x158x128xi32, #tpu.memory_space<hbm>>
        %dma_wait3A_54 = tpu.memref_squeeze %dma_wait3A_53 : memref<1x158x128xi32, #tpu.memory_space<hbm>> -> memref<158x128xi32, #tpu.memory_space<hbm>>
        tpu.wait_dma2 semaphore(%run_scoped3A : memref<!tpu.dma_semaphore, #tpu.memory_space<semaphore_mem>>) src(%dma_wait3A_54 : memref<158x128xi32, #tpu.memory_space<hbm>>) dst(%arg12 : memref<158x128xi32, #tpu.memory_space<vmem>>)
        tpu.yield
      }) : () -> ()
    } else {
    }
    %eq3A_3 = arith.constant 1 : i32
    %eq3A_4 = arith.cmpi eq, %arg0, %eq3A_3 : i32
    %convert_element_type3A_5 = arith.extui %eq3A_4 : i1 to i32
    %cond3A_6 = arith.constant 0 : i32
    %cond3A_7 = arith.cmpi ne, %convert_element_type3A_5, %cond3A_6 : i32
    scf.if %cond3A_7 {
      "tpu.region"() ({
        %run_scoped3A = tpu.sem_alloc : memref<!tpu.dma_semaphore, #tpu.memory_space<semaphore_mem>>
        %dma_start3A_40 = arith.constant 0 : i32
        %dma_start3A_41 = arith.constant 0 : i32
        %dma_start3A_42 = tpu.memref_slice %arg4[%arg1, %dma_start3A_40, %dma_start3A_41] : memref<16x158x128xi32, #tpu.memory_space<hbm>> -> memref<1x158x128xi32, #tpu.memory_space<hbm>>
        %dma_start3A_43 = tpu.memref_squeeze %dma_start3A_42 : memref<1x158x128xi32, #tpu.memory_space<hbm>> -> memref<158x128xi32, #tpu.memory_space<hbm>>
        %dma_start3A_44 = arith.constant 0 : i32
        %dma_start3A_45 = arith.constant 0 : i32
        %dma_start3A_46 = tpu.memref_slice %arg4[%arg1, %dma_start3A_44, %dma_start3A_45] : memref<16x158x128xi32, #tpu.memory_space<hbm>> -> memref<1x158x128xi32, #tpu.memory_space<hbm>>
        %dma_start3A_47 = tpu.memref_squeeze %dma_start3A_46 : memref<1x158x128xi32, #tpu.memory_space<hbm>> -> memref<158x128xi32, #tpu.memory_space<hbm>>
        tpu.enqueue_dma source(%dma_start3A_47 : memref<158x128xi32, #tpu.memory_space<hbm>>) target(%arg12 : memref<158x128xi32, #tpu.memory_space<vmem>>) target_semaphore(%run_scoped3A : memref<!tpu.dma_semaphore, #tpu.memory_space<semaphore_mem>>)
        %dma_wait3A = arith.constant 0 : i32
        %dma_wait3A_48 = arith.constant 0 : i32
        %dma_wait3A_49 = tpu.memref_slice %arg4[%arg1, %dma_wait3A, %dma_wait3A_48] : memref<16x158x128xi32, #tpu.memory_space<hbm>> -> memref<1x158x128xi32, #tpu.memory_space<hbm>>
        %dma_wait3A_50 = tpu.memref_squeeze %dma_wait3A_49 : memref<1x158x128xi32, #tpu.memory_space<hbm>> -> memref<158x128xi32, #tpu.memory_space<hbm>>
        %dma_wait3A_51 = arith.constant 0 : i32
        %dma_wait3A_52 = arith.constant 0 : i32
        %dma_wait3A_53 = tpu.memref_slice %arg4[%arg1, %dma_wait3A_51, %dma_wait3A_52] : memref<16x158x128xi32, #tpu.memory_space<hbm>> -> memref<1x158x128xi32, #tpu.memory_space<hbm>>
        %dma_wait3A_54 = tpu.memref_squeeze %dma_wait3A_53 : memref<1x158x128xi32, #tpu.memory_space<hbm>> -> memref<158x128xi32, #tpu.memory_space<hbm>>
        tpu.wait_dma2 semaphore(%run_scoped3A : memref<!tpu.dma_semaphore, #tpu.memory_space<semaphore_mem>>) src(%dma_wait3A_54 : memref<158x128xi32, #tpu.memory_space<hbm>>) dst(%arg12 : memref<158x128xi32, #tpu.memory_space<vmem>>)
        tpu.yield
      }) : () -> ()
    } else {
    }
    "tpu.region"() ({
      %run_scoped3A = tpu.sem_alloc : memref<!tpu.dma_semaphore, #tpu.memory_space<semaphore_mem>>
      %dma_start3A_40 = arith.constant 0 : i32
      %dma_start3A_41 = arith.constant 0 : i32
      %dma_start3A_42 = tpu.memref_slice %arg5[%arg1, %dma_start3A_40, %dma_start3A_41] : memref<16x158x128xi32, #tpu.memory_space<hbm>> -> memref<1x158x128xi32, #tpu.memory_space<hbm>>
      %dma_start3A_43 = tpu.memref_squeeze %dma_start3A_42 : memref<1x158x128xi32, #tpu.memory_space<hbm>> -> memref<158x128xi32, #tpu.memory_space<hbm>>
      %dma_start3A_44 = arith.constant 0 : i32
      %dma_start3A_45 = arith.constant 0 : i32
      %dma_start3A_46 = tpu.memref_slice %arg5[%arg1, %dma_start3A_44, %dma_start3A_45] : memref<16x158x128xi32, #tpu.memory_space<hbm>> -> memref<1x158x128xi32, #tpu.memory_space<hbm>>
      %dma_start3A_47 = tpu.memref_squeeze %dma_start3A_46 : memref<1x158x128xi32, #tpu.memory_space<hbm>> -> memref<158x128xi32, #tpu.memory_space<hbm>>
      tpu.enqueue_dma source(%dma_start3A_47 : memref<158x128xi32, #tpu.memory_space<hbm>>) target(%arg13 : memref<158x128xi32, #tpu.memory_space<vmem>>) target_semaphore(%run_scoped3A : memref<!tpu.dma_semaphore, #tpu.memory_space<semaphore_mem>>)
      %dma_wait3A = arith.constant 0 : i32
      %dma_wait3A_48 = arith.constant 0 : i32
      %dma_wait3A_49 = tpu.memref_slice %arg5[%arg1, %dma_wait3A, %dma_wait3A_48] : memref<16x158x128xi32, #tpu.memory_space<hbm>> -> memref<1x158x128xi32, #tpu.memory_space<hbm>>
      %dma_wait3A_50 = tpu.memref_squeeze %dma_wait3A_49 : memref<1x158x128xi32, #tpu.memory_space<hbm>> -> memref<158x128xi32, #tpu.memory_space<hbm>>
      %dma_wait3A_51 = arith.constant 0 : i32
      %dma_wait3A_52 = arith.constant 0 : i32
      %dma_wait3A_53 = tpu.memref_slice %arg5[%arg1, %dma_wait3A_51, %dma_wait3A_52] : memref<16x158x128xi32, #tpu.memory_space<hbm>> -> memref<1x158x128xi32, #tpu.memory_space<hbm>>
      %dma_wait3A_54 = tpu.memref_squeeze %dma_wait3A_53 : memref<1x158x128xi32, #tpu.memory_space<hbm>> -> memref<158x128xi32, #tpu.memory_space<hbm>>
      tpu.wait_dma2 semaphore(%run_scoped3A : memref<!tpu.dma_semaphore, #tpu.memory_space<semaphore_mem>>) src(%dma_wait3A_54 : memref<158x128xi32, #tpu.memory_space<hbm>>) dst(%arg13 : memref<158x128xi32, #tpu.memory_space<vmem>>)
      tpu.yield
    }) : () -> ()
    %eq3A_8 = arith.constant 0 : i32
    %eq3A_9 = arith.cmpi eq, %arg0, %eq3A_8 : i32
    %convert_element_type3A_10 = arith.extui %eq3A_9 : i1 to i32
    %cond3A_11 = arith.constant 0 : i32
    %cond3A_12 = arith.cmpi ne, %convert_element_type3A_10, %cond3A_11 : i32
    scf.if %cond3A_12 {
      "tpu.region"() ({
        %run_scoped3A = tpu.sem_alloc : memref<!tpu.dma_semaphore, #tpu.memory_space<semaphore_mem>>
        tpu.enqueue_dma source(%arg7 : memref<128x8xf32, #tpu.memory_space<hbm>>) target(%arg19 : memref<128x8xf32, #tpu.memory_space<vmem>>) target_semaphore(%run_scoped3A : memref<!tpu.dma_semaphore, #tpu.memory_space<semaphore_mem>>)
        tpu.wait_dma2 semaphore(%run_scoped3A : memref<!tpu.dma_semaphore, #tpu.memory_space<semaphore_mem>>) src(%arg7 : memref<128x8xf32, #tpu.memory_space<hbm>>) dst(%arg19 : memref<128x8xf32, #tpu.memory_space<vmem>>)
        tpu.yield
      }) : () -> ()
      "tpu.region"() ({
        %run_scoped3A = tpu.sem_alloc : memref<!tpu.dma_semaphore, #tpu.memory_space<semaphore_mem>>
        %dma_start3A_40 = arith.constant 0 : i32
        %dma_start3A_41 = tpu.memref_slice %arg20[%mul3A_0, %dma_start3A_40] : memref<10240x8xf32, #tpu.memory_space<vmem_shared>> -> memref<640x8xf32, #tpu.memory_space<vmem_shared>>
        %dma_start3A_42 = arith.constant 0 : i32
        %dma_start3A_43 = tpu.memref_slice %arg8[%mul3A_0, %dma_start3A_42] : memref<10240x8xf32, #tpu.memory_space<hbm>> -> memref<640x8xf32, #tpu.memory_space<hbm>>
        tpu.enqueue_dma source(%dma_start3A_43 : memref<640x8xf32, #tpu.memory_space<hbm>>) target(%dma_start3A_41 : memref<640x8xf32, #tpu.memory_space<vmem_shared>>) target_semaphore(%run_scoped3A : memref<!tpu.dma_semaphore, #tpu.memory_space<semaphore_mem>>)
        %dma_wait3A = arith.constant 0 : i32
        %dma_wait3A_44 = tpu.memref_slice %arg20[%mul3A_0, %dma_wait3A] : memref<10240x8xf32, #tpu.memory_space<vmem_shared>> -> memref<640x8xf32, #tpu.memory_space<vmem_shared>>
        %dma_wait3A_45 = arith.constant 0 : i32
        %dma_wait3A_46 = tpu.memref_slice %arg8[%mul3A_0, %dma_wait3A_45] : memref<10240x8xf32, #tpu.memory_space<hbm>> -> memref<640x8xf32, #tpu.memory_space<hbm>>
        tpu.wait_dma2 semaphore(%run_scoped3A : memref<!tpu.dma_semaphore, #tpu.memory_space<semaphore_mem>>) src(%dma_wait3A_46 : memref<640x8xf32, #tpu.memory_space<hbm>>) dst(%dma_wait3A_44 : memref<640x8xf32, #tpu.memory_space<vmem_shared>>)
        tpu.yield
      }) : () -> ()
    } else {
    }
    %barrier3A = arith.constant 0 : index
    tpu.barrier barrier_id(%barrier3A)
    %dma_start3A = arith.constant 0 : i32
    %dma_start3A_13 = arith.constant 0 : i32
    %dma_start3A_14 = tpu.memref_slice %arg12[%dma_start3A, %dma_start3A_13] : memref<158x128xi32, #tpu.memory_space<vmem>> -> memref<1x128xi32, #tpu.memory_space<vmem>>
    %dma_start3A_15 = tpu.memref_squeeze %dma_start3A_14 : memref<1x128xi32, #tpu.memory_space<vmem>> -> memref<128xi32, #tpu.memory_space<vmem>>
    %dma_start3A_16 = arith.constant 0 : i32
    %dma_start3A_17 = arith.constant 0 : i32
    %dma_start3A_18 = tpu.memref_slice %arg2[%dma_start3A_16, %dma_start3A_17] : memref<20480x64xf32, #tpu.memory_space<hbm>> -> memref<20480x64xf32, #tpu.memory_space<hbm>>
    tpu.enqueue_indirect_dma source(%dma_start3A_18 : memref<20480x64xf32, #tpu.memory_space<hbm>>) target(%arg14 : memref<128x64xf32, #tpu.memory_space<vmem>>) offsets(%dma_start3A_15 : memref<128xi32, #tpu.memory_space<vmem>>) semaphore(%arg17 : memref<!tpu.dma_semaphore, #tpu.memory_space<semaphore_mem>>)
    %scan3A = arith.constant 0 : i32
    %scan3A_19 = arith.constant 0 : i32
    %scan3A_20 = arith.constant 79 : i32
    %scan3A_21 = arith.addi %scan3A_19, %scan3A_20 : i32
    %scan3A_22 = arith.constant 1 : i32
    scf.for %scan3A_40 = %scan3A_19 to %scan3A_21 step %scan3A_22  : i32 {
      %mul3A_41 = arith.constant 2 : i32
      %mul3A_42 = arith.muli %mul3A_41, %scan3A_40 : i32
      %add3A = arith.constant 1 : i32
      %add3A_43 = arith.addi %mul3A_42, %add3A : i32
      %dma_start3A_44 = arith.constant 0 : i32
      %dma_start3A_45 = tpu.memref_slice %arg12[%add3A_43, %dma_start3A_44] : memref<158x128xi32, #tpu.memory_space<vmem>> -> memref<1x128xi32, #tpu.memory_space<vmem>>
      %dma_start3A_46 = tpu.memref_squeeze %dma_start3A_45 : memref<1x128xi32, #tpu.memory_space<vmem>> -> memref<128xi32, #tpu.memory_space<vmem>>
      %dma_start3A_47 = arith.constant 0 : i32
      %dma_start3A_48 = arith.constant 0 : i32
      %dma_start3A_49 = tpu.memref_slice %arg2[%dma_start3A_47, %dma_start3A_48] : memref<20480x64xf32, #tpu.memory_space<hbm>> -> memref<20480x64xf32, #tpu.memory_space<hbm>>
      tpu.enqueue_indirect_dma source(%dma_start3A_49 : memref<20480x64xf32, #tpu.memory_space<hbm>>) target(%arg15 : memref<128x64xf32, #tpu.memory_space<vmem>>) offsets(%dma_start3A_46 : memref<128xi32, #tpu.memory_space<vmem>>) semaphore(%arg18 : memref<!tpu.dma_semaphore, #tpu.memory_space<semaphore_mem>>)
      %dma_wait3A = arith.constant 0 : i32
      %dma_wait3A_50 = tpu.memref_slice %arg12[%mul3A_42, %dma_wait3A] : memref<158x128xi32, #tpu.memory_space<vmem>> -> memref<1x128xi32, #tpu.memory_space<vmem>>
      %dma_wait3A_51 = tpu.memref_squeeze %dma_wait3A_50 : memref<1x128xi32, #tpu.memory_space<vmem>> -> memref<128xi32, #tpu.memory_space<vmem>>
      %dma_wait3A_52 = arith.constant 0 : i32
      %dma_wait3A_53 = arith.constant 0 : i32
      %dma_wait3A_54 = tpu.memref_slice %arg2[%dma_wait3A_52, %dma_wait3A_53] : memref<20480x64xf32, #tpu.memory_space<hbm>> -> memref<20480x64xf32, #tpu.memory_space<hbm>>
      tpu.wait_indirect_dma semaphore(%arg17 : memref<!tpu.dma_semaphore, #tpu.memory_space<semaphore_mem>>) src(%dma_wait3A_54 : memref<20480x64xf32, #tpu.memory_space<hbm>>) dst(%arg14 : memref<128x64xf32, #tpu.memory_space<vmem>>)
      "tpu.region"() ({
        %run_scoped3A = tpu.sem_alloc : memref<!tpu.dma_semaphore, #tpu.memory_space<semaphore_mem>>
        %dma_start3A_81 = arith.constant 0 : i32
        %dma_start3A_82 = tpu.memref_slice %arg13[%mul3A_42, %dma_start3A_81] : memref<158x128xi32, #tpu.memory_space<vmem>> -> memref<1x128xi32, #tpu.memory_space<vmem>>
        %dma_start3A_83 = tpu.memref_squeeze %dma_start3A_82 : memref<1x128xi32, #tpu.memory_space<vmem>> -> memref<128xi32, #tpu.memory_space<vmem>>
        %dma_start3A_84 = arith.constant 0 : i32
        %dma_start3A_85 = arith.constant 0 : i32
        %dma_start3A_86 = tpu.memref_slice %arg16[%dma_start3A_84, %dma_start3A_85] : memref<10240x64xf32, #tpu.memory_space<vmem_shared>> -> memref<10240x64xf32, #tpu.memory_space<vmem_shared>>
        tpu.enqueue_indirect_dma source(%arg14 : memref<128x64xf32, #tpu.memory_space<vmem>>) target(%dma_start3A_86 : memref<10240x64xf32, #tpu.memory_space<vmem_shared>>) offsets(%dma_start3A_83 : memref<128xi32, #tpu.memory_space<vmem>>) semaphore(%run_scoped3A : memref<!tpu.dma_semaphore, #tpu.memory_space<semaphore_mem>>) {add = true}
        %dma_wait3A_87 = arith.constant 0 : i32
        %dma_wait3A_88 = tpu.memref_slice %arg13[%mul3A_42, %dma_wait3A_87] : memref<158x128xi32, #tpu.memory_space<vmem>> -> memref<1x128xi32, #tpu.memory_space<vmem>>
        %dma_wait3A_89 = tpu.memref_squeeze %dma_wait3A_88 : memref<1x128xi32, #tpu.memory_space<vmem>> -> memref<128xi32, #tpu.memory_space<vmem>>
        %dma_wait3A_90 = arith.constant 0 : i32
        %dma_wait3A_91 = arith.constant 0 : i32
        %dma_wait3A_92 = tpu.memref_slice %arg16[%dma_wait3A_90, %dma_wait3A_91] : memref<10240x64xf32, #tpu.memory_space<vmem_shared>> -> memref<10240x64xf32, #tpu.memory_space<vmem_shared>>
        tpu.wait_indirect_dma semaphore(%run_scoped3A : memref<!tpu.dma_semaphore, #tpu.memory_space<semaphore_mem>>) src(%arg14 : memref<128x64xf32, #tpu.memory_space<vmem>>) dst(%dma_wait3A_92 : memref<10240x64xf32, #tpu.memory_space<vmem_shared>>)
        tpu.yield
      }) : () -> ()
      %eq3A_55 = arith.constant 0 : i32
      %eq3A_56 = arith.cmpi eq, %arg0, %eq3A_55 : i32
      %convert_element_type3A_57 = arith.extui %eq3A_56 : i1 to i32
      %cond3A_58 = arith.constant 0 : i32
      %cond3A_59 = arith.cmpi ne, %convert_element_type3A_57, %cond3A_58 : i32
      scf.if %cond3A_59 {
        %dma_start3A_81 = arith.constant 0 : i32
        %dma_start3A_82 = tpu.memref_slice %arg13[%mul3A_42, %dma_start3A_81] : memref<158x128xi32, #tpu.memory_space<vmem>> -> memref<1x128xi32, #tpu.memory_space<vmem>>
        %dma_start3A_83 = tpu.memref_squeeze %dma_start3A_82 : memref<1x128xi32, #tpu.memory_space<vmem>> -> memref<128xi32, #tpu.memory_space<vmem>>
        %dma_start3A_84 = arith.constant 0 : i32
        %dma_start3A_85 = arith.constant 0 : i32
        %dma_start3A_86 = tpu.memref_slice %arg20[%dma_start3A_84, %dma_start3A_85] : memref<10240x8xf32, #tpu.memory_space<vmem_shared>> -> memref<10240x8xf32, #tpu.memory_space<vmem_shared>>
        tpu.enqueue_indirect_dma source(%arg19 : memref<128x8xf32, #tpu.memory_space<vmem>>) target(%dma_start3A_86 : memref<10240x8xf32, #tpu.memory_space<vmem_shared>>) offsets(%dma_start3A_83 : memref<128xi32, #tpu.memory_space<vmem>>) semaphore(%arg21 : memref<!tpu.dma_semaphore, #tpu.memory_space<semaphore_mem>>) {add = true}
        %ge3A = arith.constant 2 : i32
        %ge3A_87 = arith.cmpi sge, %mul3A_42, %ge3A : i32
        %convert_element_type3A_88 = arith.extui %ge3A_87 : i1 to i32
        %cond3A_89 = arith.constant 0 : i32
        %cond3A_90 = arith.cmpi ne, %convert_element_type3A_88, %cond3A_89 : i32
        scf.if %cond3A_90 {
          %dma_wait3A_91 = arith.constant 0 : i32
          %dma_wait3A_92 = arith.constant 0 : i32
          %dma_wait3A_93 = tpu.memref_slice %arg13[%dma_wait3A_91, %dma_wait3A_92] : memref<158x128xi32, #tpu.memory_space<vmem>> -> memref<1x128xi32, #tpu.memory_space<vmem>>
          %dma_wait3A_94 = tpu.memref_squeeze %dma_wait3A_93 : memref<1x128xi32, #tpu.memory_space<vmem>> -> memref<128xi32, #tpu.memory_space<vmem>>
          %dma_wait3A_95 = arith.constant 0 : i32
          %dma_wait3A_96 = arith.constant 0 : i32
          %dma_wait3A_97 = tpu.memref_slice %arg20[%dma_wait3A_95, %dma_wait3A_96] : memref<10240x8xf32, #tpu.memory_space<vmem_shared>> -> memref<10240x8xf32, #tpu.memory_space<vmem_shared>>
          tpu.wait_indirect_dma semaphore(%arg21 : memref<!tpu.dma_semaphore, #tpu.memory_space<semaphore_mem>>) src(%arg19 : memref<128x8xf32, #tpu.memory_space<vmem>>) dst(%dma_wait3A_97 : memref<10240x8xf32, #tpu.memory_space<vmem_shared>>)
        } else {
        }
      } else {
      }
      %lt3A = arith.constant 78 : i32
      %lt3A_60 = arith.cmpi slt, %scan3A_40, %lt3A : i32
      %convert_element_type3A_61 = arith.extui %lt3A_60 : i1 to i32
      %cond3A_62 = arith.constant 0 : i32
      %cond3A_63 = arith.cmpi ne, %convert_element_type3A_61, %cond3A_62 : i32
      scf.if %cond3A_63 {
        %add3A_81 = arith.constant 2 : i32
        %add3A_82 = arith.addi %mul3A_42, %add3A_81 : i32
        %dma_start3A_83 = arith.constant 0 : i32
        %dma_start3A_84 = tpu.memref_slice %arg12[%add3A_82, %dma_start3A_83] : memref<158x128xi32, #tpu.memory_space<vmem>> -> memref<1x128xi32, #tpu.memory_space<vmem>>
        %dma_start3A_85 = tpu.memref_squeeze %dma_start3A_84 : memref<1x128xi32, #tpu.memory_space<vmem>> -> memref<128xi32, #tpu.memory_space<vmem>>
        %dma_start3A_86 = arith.constant 0 : i32
        %dma_start3A_87 = arith.constant 0 : i32
        %dma_start3A_88 = tpu.memref_slice %arg2[%dma_start3A_86, %dma_start3A_87] : memref<20480x64xf32, #tpu.memory_space<hbm>> -> memref<20480x64xf32, #tpu.memory_space<hbm>>
        tpu.enqueue_indirect_dma source(%dma_start3A_88 : memref<20480x64xf32, #tpu.memory_space<hbm>>) target(%arg14 : memref<128x64xf32, #tpu.memory_space<vmem>>) offsets(%dma_start3A_85 : memref<128xi32, #tpu.memory_space<vmem>>) semaphore(%arg17 : memref<!tpu.dma_semaphore, #tpu.memory_space<semaphore_mem>>)
      } else {
      }
      %add3A_64 = arith.constant 1 : i32
      %add3A_65 = arith.addi %mul3A_42, %add3A_64 : i32
      %dma_wait3A_66 = arith.constant 0 : i32
      %dma_wait3A_67 = tpu.memref_slice %arg12[%add3A_65, %dma_wait3A_66] : memref<158x128xi32, #tpu.memory_space<vmem>> -> memref<1x128xi32, #tpu.memory_space<vmem>>
      %dma_wait3A_68 = tpu.memref_squeeze %dma_wait3A_67 : memref<1x128xi32, #tpu.memory_space<vmem>> -> memref<128xi32, #tpu.memory_space<vmem>>
      %dma_wait3A_69 = arith.constant 0 : i32
      %dma_wait3A_70 = arith.constant 0 : i32
      %dma_wait3A_71 = tpu.memref_slice %arg2[%dma_wait3A_69, %dma_wait3A_70] : memref<20480x64xf32, #tpu.memory_space<hbm>> -> memref<20480x64xf32, #tpu.memory_space<hbm>>
      tpu.wait_indirect_dma semaphore(%arg18 : memref<!tpu.dma_semaphore, #tpu.memory_space<semaphore_mem>>) src(%dma_wait3A_71 : memref<20480x64xf32, #tpu.memory_space<hbm>>) dst(%arg15 : memref<128x64xf32, #tpu.memory_space<vmem>>)
      %add3A_72 = arith.constant 1 : i32
      %add3A_73 = arith.addi %mul3A_42, %add3A_72 : i32
      "tpu.region"() ({
        %run_scoped3A = tpu.sem_alloc : memref<!tpu.dma_semaphore, #tpu.memory_space<semaphore_mem>>
        %dma_start3A_81 = arith.constant 0 : i32
        %dma_start3A_82 = tpu.memref_slice %arg13[%add3A_73, %dma_start3A_81] : memref<158x128xi32, #tpu.memory_space<vmem>> -> memref<1x128xi32, #tpu.memory_space<vmem>>
        %dma_start3A_83 = tpu.memref_squeeze %dma_start3A_82 : memref<1x128xi32, #tpu.memory_space<vmem>> -> memref<128xi32, #tpu.memory_space<vmem>>
        %dma_start3A_84 = arith.constant 0 : i32
        %dma_start3A_85 = arith.constant 0 : i32
        %dma_start3A_86 = tpu.memref_slice %arg16[%dma_start3A_84, %dma_start3A_85] : memref<10240x64xf32, #tpu.memory_space<vmem_shared>> -> memref<10240x64xf32, #tpu.memory_space<vmem_shared>>
        tpu.enqueue_indirect_dma source(%arg15 : memref<128x64xf32, #tpu.memory_space<vmem>>) target(%dma_start3A_86 : memref<10240x64xf32, #tpu.memory_space<vmem_shared>>) offsets(%dma_start3A_83 : memref<128xi32, #tpu.memory_space<vmem>>) semaphore(%run_scoped3A : memref<!tpu.dma_semaphore, #tpu.memory_space<semaphore_mem>>) {add = true}
        %dma_wait3A_87 = arith.constant 0 : i32
        %dma_wait3A_88 = tpu.memref_slice %arg13[%add3A_73, %dma_wait3A_87] : memref<158x128xi32, #tpu.memory_space<vmem>> -> memref<1x128xi32, #tpu.memory_space<vmem>>
        %dma_wait3A_89 = tpu.memref_squeeze %dma_wait3A_88 : memref<1x128xi32, #tpu.memory_space<vmem>> -> memref<128xi32, #tpu.memory_space<vmem>>
        %dma_wait3A_90 = arith.constant 0 : i32
        %dma_wait3A_91 = arith.constant 0 : i32
        %dma_wait3A_92 = tpu.memref_slice %arg16[%dma_wait3A_90, %dma_wait3A_91] : memref<10240x64xf32, #tpu.memory_space<vmem_shared>> -> memref<10240x64xf32, #tpu.memory_space<vmem_shared>>
        tpu.wait_indirect_dma semaphore(%run_scoped3A : memref<!tpu.dma_semaphore, #tpu.memory_space<semaphore_mem>>) src(%arg15 : memref<128x64xf32, #tpu.memory_space<vmem>>) dst(%dma_wait3A_92 : memref<10240x64xf32, #tpu.memory_space<vmem_shared>>)
        tpu.yield
      }) : () -> ()
      %add3A_74 = arith.constant 1 : i32
      %add3A_75 = arith.addi %mul3A_42, %add3A_74 : i32
      %eq3A_76 = arith.constant 0 : i32
      %eq3A_77 = arith.cmpi eq, %arg0, %eq3A_76 : i32
      %convert_element_type3A_78 = arith.extui %eq3A_77 : i1 to i32
      %cond3A_79 = arith.constant 0 : i32
      %cond3A_80 = arith.cmpi ne, %convert_element_type3A_78, %cond3A_79 : i32
      scf.if %cond3A_80 {
        %dma_start3A_81 = arith.constant 0 : i32
        %dma_start3A_82 = tpu.memref_slice %arg13[%add3A_75, %dma_start3A_81] : memref<158x128xi32, #tpu.memory_space<vmem>> -> memref<1x128xi32, #tpu.memory_space<vmem>>
        %dma_start3A_83 = tpu.memref_squeeze %dma_start3A_82 : memref<1x128xi32, #tpu.memory_space<vmem>> -> memref<128xi32, #tpu.memory_space<vmem>>
        %dma_start3A_84 = arith.constant 0 : i32
        %dma_start3A_85 = arith.constant 0 : i32
        %dma_start3A_86 = tpu.memref_slice %arg20[%dma_start3A_84, %dma_start3A_85] : memref<10240x8xf32, #tpu.memory_space<vmem_shared>> -> memref<10240x8xf32, #tpu.memory_space<vmem_shared>>
        tpu.enqueue_indirect_dma source(%arg19 : memref<128x8xf32, #tpu.memory_space<vmem>>) target(%dma_start3A_86 : memref<10240x8xf32, #tpu.memory_space<vmem_shared>>) offsets(%dma_start3A_83 : memref<128xi32, #tpu.memory_space<vmem>>) semaphore(%arg21 : memref<!tpu.dma_semaphore, #tpu.memory_space<semaphore_mem>>) {add = true}
        %ge3A = arith.constant 2 : i32
        %ge3A_87 = arith.cmpi sge, %add3A_75, %ge3A : i32
        %convert_element_type3A_88 = arith.extui %ge3A_87 : i1 to i32
        %cond3A_89 = arith.constant 0 : i32
        %cond3A_90 = arith.cmpi ne, %convert_element_type3A_88, %cond3A_89 : i32
        scf.if %cond3A_90 {
          %dma_wait3A_91 = arith.constant 0 : i32
          %dma_wait3A_92 = arith.constant 0 : i32
          %dma_wait3A_93 = tpu.memref_slice %arg13[%dma_wait3A_91, %dma_wait3A_92] : memref<158x128xi32, #tpu.memory_space<vmem>> -> memref<1x128xi32, #tpu.memory_space<vmem>>
          %dma_wait3A_94 = tpu.memref_squeeze %dma_wait3A_93 : memref<1x128xi32, #tpu.memory_space<vmem>> -> memref<128xi32, #tpu.memory_space<vmem>>
          %dma_wait3A_95 = arith.constant 0 : i32
          %dma_wait3A_96 = arith.constant 0 : i32
          %dma_wait3A_97 = tpu.memref_slice %arg20[%dma_wait3A_95, %dma_wait3A_96] : memref<10240x8xf32, #tpu.memory_space<vmem_shared>> -> memref<10240x8xf32, #tpu.memory_space<vmem_shared>>
          tpu.wait_indirect_dma semaphore(%arg21 : memref<!tpu.dma_semaphore, #tpu.memory_space<semaphore_mem>>) src(%arg19 : memref<128x8xf32, #tpu.memory_space<vmem>>) dst(%dma_wait3A_97 : memref<10240x8xf32, #tpu.memory_space<vmem_shared>>)
        } else {
        }
      } else {
      }
    }
    %scan3A_23 = arith.constant 79 : i32
    %eq3A_24 = arith.constant 0 : i32
    %eq3A_25 = arith.cmpi eq, %arg0, %eq3A_24 : i32
    %convert_element_type3A_26 = arith.extui %eq3A_25 : i1 to i32
    %cond3A_27 = arith.constant 0 : i32
    %cond3A_28 = arith.cmpi ne, %convert_element_type3A_26, %cond3A_27 : i32
    scf.if %cond3A_28 {
      %dma_wait3A = arith.constant 0 : i32
      %dma_wait3A_40 = arith.constant 0 : i32
      %dma_wait3A_41 = tpu.memref_slice %arg13[%dma_wait3A, %dma_wait3A_40] : memref<158x128xi32, #tpu.memory_space<vmem>> -> memref<1x128xi32, #tpu.memory_space<vmem>>
      %dma_wait3A_42 = tpu.memref_squeeze %dma_wait3A_41 : memref<1x128xi32, #tpu.memory_space<vmem>> -> memref<128xi32, #tpu.memory_space<vmem>>
      %dma_wait3A_43 = arith.constant 0 : i32
      %dma_wait3A_44 = arith.constant 0 : i32
      %dma_wait3A_45 = tpu.memref_slice %arg20[%dma_wait3A_43, %dma_wait3A_44] : memref<10240x8xf32, #tpu.memory_space<vmem_shared>> -> memref<10240x8xf32, #tpu.memory_space<vmem_shared>>
      tpu.wait_indirect_dma semaphore(%arg21 : memref<!tpu.dma_semaphore, #tpu.memory_space<semaphore_mem>>) src(%arg19 : memref<128x8xf32, #tpu.memory_space<vmem>>) dst(%dma_wait3A_45 : memref<10240x8xf32, #tpu.memory_space<vmem_shared>>)
      %dma_wait3A_46 = arith.constant 0 : i32
      %dma_wait3A_47 = arith.constant 0 : i32
      %dma_wait3A_48 = tpu.memref_slice %arg13[%dma_wait3A_46, %dma_wait3A_47] : memref<158x128xi32, #tpu.memory_space<vmem>> -> memref<1x128xi32, #tpu.memory_space<vmem>>
      %dma_wait3A_49 = tpu.memref_squeeze %dma_wait3A_48 : memref<1x128xi32, #tpu.memory_space<vmem>> -> memref<128xi32, #tpu.memory_space<vmem>>
      %dma_wait3A_50 = arith.constant 0 : i32
      %dma_wait3A_51 = arith.constant 0 : i32
      %dma_wait3A_52 = tpu.memref_slice %arg20[%dma_wait3A_50, %dma_wait3A_51] : memref<10240x8xf32, #tpu.memory_space<vmem_shared>> -> memref<10240x8xf32, #tpu.memory_space<vmem_shared>>
      tpu.wait_indirect_dma semaphore(%arg21 : memref<!tpu.dma_semaphore, #tpu.memory_space<semaphore_mem>>) src(%arg19 : memref<128x8xf32, #tpu.memory_space<vmem>>) dst(%dma_wait3A_52 : memref<10240x8xf32, #tpu.memory_space<vmem_shared>>)
      "tpu.region"() ({
        %run_scoped3A = tpu.sem_alloc : memref<!tpu.dma_semaphore, #tpu.memory_space<semaphore_mem>>
        %dma_start3A_53 = arith.constant 0 : i32
        %dma_start3A_54 = tpu.memref_slice %arg11[%mul3A_0, %dma_start3A_53] : memref<10240x8xf32, #tpu.memory_space<hbm>> -> memref<640x8xf32, #tpu.memory_space<hbm>>
        %dma_start3A_55 = arith.constant 0 : i32
        %dma_start3A_56 = tpu.memref_slice %arg20[%mul3A_0, %dma_start3A_55] : memref<10240x8xf32, #tpu.memory_space<vmem_shared>> -> memref<640x8xf32, #tpu.memory_space<vmem_shared>>
        tpu.enqueue_dma source(%dma_start3A_56 : memref<640x8xf32, #tpu.memory_space<vmem_shared>>) target(%dma_start3A_54 : memref<640x8xf32, #tpu.memory_space<hbm>>) target_semaphore(%run_scoped3A : memref<!tpu.dma_semaphore, #tpu.memory_space<semaphore_mem>>)
        %dma_wait3A_57 = arith.constant 0 : i32
        %dma_wait3A_58 = tpu.memref_slice %arg11[%mul3A_0, %dma_wait3A_57] : memref<10240x8xf32, #tpu.memory_space<hbm>> -> memref<640x8xf32, #tpu.memory_space<hbm>>
        %dma_wait3A_59 = arith.constant 0 : i32
        %dma_wait3A_60 = tpu.memref_slice %arg20[%mul3A_0, %dma_wait3A_59] : memref<10240x8xf32, #tpu.memory_space<vmem_shared>> -> memref<640x8xf32, #tpu.memory_space<vmem_shared>>
        tpu.wait_dma2 semaphore(%run_scoped3A : memref<!tpu.dma_semaphore, #tpu.memory_space<semaphore_mem>>) src(%dma_wait3A_60 : memref<640x8xf32, #tpu.memory_space<vmem_shared>>) dst(%dma_wait3A_58 : memref<640x8xf32, #tpu.memory_space<hbm>>)
        tpu.yield
      }) : () -> ()
    } else {
    }
    %barrier3A_29 = arith.constant 0 : index
    tpu.barrier barrier_id(%barrier3A_29)
    %eq3A_30 = arith.constant 0 : i32
    %eq3A_31 = arith.cmpi eq, %arg0, %eq3A_30 : i32
    %convert_element_type3A_32 = arith.extui %eq3A_31 : i1 to i32
    %cond3A_33 = arith.constant 0 : i32
    %cond3A_34 = arith.cmpi ne, %convert_element_type3A_32, %cond3A_33 : i32
    scf.if %cond3A_34 {
      "tpu.region"() ({
        %run_scoped3A = tpu.sem_alloc : memref<!tpu.dma_semaphore, #tpu.memory_space<semaphore_mem>>
        %dma_start3A_40 = arith.constant 0 : i32
        %dma_start3A_41 = tpu.memref_slice %arg9[%mul3A_0, %dma_start3A_40] : memref<10240x64xf32, #tpu.memory_space<hbm>> -> memref<640x64xf32, #tpu.memory_space<hbm>>
        %dma_start3A_42 = arith.constant 0 : i32
        %dma_start3A_43 = tpu.memref_slice %arg16[%mul3A_0, %dma_start3A_42] : memref<10240x64xf32, #tpu.memory_space<vmem_shared>> -> memref<640x64xf32, #tpu.memory_space<vmem_shared>>
        tpu.enqueue_dma source(%dma_start3A_43 : memref<640x64xf32, #tpu.memory_space<vmem_shared>>) target(%dma_start3A_41 : memref<640x64xf32, #tpu.memory_space<hbm>>) target_semaphore(%run_scoped3A : memref<!tpu.dma_semaphore, #tpu.memory_space<semaphore_mem>>)
        %dma_wait3A = arith.constant 0 : i32
        %dma_wait3A_44 = tpu.memref_slice %arg9[%mul3A_0, %dma_wait3A] : memref<10240x64xf32, #tpu.memory_space<hbm>> -> memref<640x64xf32, #tpu.memory_space<hbm>>
        %dma_wait3A_45 = arith.constant 0 : i32
        %dma_wait3A_46 = tpu.memref_slice %arg16[%mul3A_0, %dma_wait3A_45] : memref<10240x64xf32, #tpu.memory_space<vmem_shared>> -> memref<640x64xf32, #tpu.memory_space<vmem_shared>>
        tpu.wait_dma2 semaphore(%run_scoped3A : memref<!tpu.dma_semaphore, #tpu.memory_space<semaphore_mem>>) src(%dma_wait3A_46 : memref<640x64xf32, #tpu.memory_space<vmem_shared>>) dst(%dma_wait3A_44 : memref<640x64xf32, #tpu.memory_space<hbm>>)
        tpu.yield
      }) : () -> ()
    } else {
    }
    %eq3A_35 = arith.constant 1 : i32
    %eq3A_36 = arith.cmpi eq, %arg0, %eq3A_35 : i32
    %convert_element_type3A_37 = arith.extui %eq3A_36 : i1 to i32
    %cond3A_38 = arith.constant 0 : i32
    %cond3A_39 = arith.cmpi ne, %convert_element_type3A_37, %cond3A_38 : i32
    scf.if %cond3A_39 {
      "tpu.region"() ({
        %run_scoped3A = tpu.sem_alloc : memref<!tpu.dma_semaphore, #tpu.memory_space<semaphore_mem>>
        %dma_start3A_40 = arith.constant 0 : i32
        %dma_start3A_41 = tpu.memref_slice %arg10[%mul3A_0, %dma_start3A_40] : memref<10240x64xf32, #tpu.memory_space<hbm>> -> memref<640x64xf32, #tpu.memory_space<hbm>>
        %dma_start3A_42 = arith.constant 0 : i32
        %dma_start3A_43 = tpu.memref_slice %arg16[%mul3A_0, %dma_start3A_42] : memref<10240x64xf32, #tpu.memory_space<vmem_shared>> -> memref<640x64xf32, #tpu.memory_space<vmem_shared>>
        tpu.enqueue_dma source(%dma_start3A_43 : memref<640x64xf32, #tpu.memory_space<vmem_shared>>) target(%dma_start3A_41 : memref<640x64xf32, #tpu.memory_space<hbm>>) target_semaphore(%run_scoped3A : memref<!tpu.dma_semaphore, #tpu.memory_space<semaphore_mem>>)
        %dma_wait3A = arith.constant 0 : i32
        %dma_wait3A_44 = tpu.memref_slice %arg10[%mul3A_0, %dma_wait3A] : memref<10240x64xf32, #tpu.memory_space<hbm>> -> memref<640x64xf32, #tpu.memory_space<hbm>>
        %dma_wait3A_45 = arith.constant 0 : i32
        %dma_wait3A_46 = tpu.memref_slice %arg16[%mul3A_0, %dma_wait3A_45] : memref<10240x64xf32, #tpu.memory_space<vmem_shared>> -> memref<640x64xf32, #tpu.memory_space<vmem_shared>>
        tpu.wait_dma2 semaphore(%run_scoped3A : memref<!tpu.dma_semaphore, #tpu.memory_space<semaphore_mem>>) src(%dma_wait3A_46 : memref<640x64xf32, #tpu.memory_space<vmem_shared>>) dst(%dma_wait3A_44 : memref<640x64xf32, #tpu.memory_space<hbm>>)
        tpu.yield
      }) : () -> ()
    } else {
    }
    return
  }
}

#map = affine_map<(d0, d1) -> (0, 0)>
#map1 = affine_map<(d0, d1) -> (0, 0, 0)>
module attributes {stable_mosaic.version = 14 : i64} {
  func.func @k(%arg0: i32, %arg1: i32, %arg2: memref<20480x64xf32, #tpu.memory_space<hbm>>, %arg3: memref<16x158x128xi32, #tpu.memory_space<hbm>>, %arg4: memref<16x158x128xi32, #tpu.memory_space<hbm>>, %arg5: memref<16x158x128xi32, #tpu.memory_space<hbm>>, %arg6: memref<10240x64xf32, #tpu.memory_space<hbm>>, %arg7: memref<10240x64xf32, #tpu.memory_space<hbm>>, %arg8: memref<10240x64xf32, #tpu.memory_space<hbm>>, %arg9: memref<158x128xi32, #tpu.memory_space<vmem>>, %arg10: memref<158x128xi32, #tpu.memory_space<vmem>>, %arg11: memref<128x64xf32, #tpu.memory_space<vmem>>, %arg12: memref<128x64xf32, #tpu.memory_space<vmem>>, %arg13: memref<10240x64xf32, #tpu.memory_space<vmem_shared>>, %arg14: memref<!tpu.dma_semaphore, #tpu.memory_space<semaphore_mem>>, %arg15: memref<!tpu.dma_semaphore, #tpu.memory_space<semaphore_mem>>) attributes {dimension_semantics = [#tpu.dimension_semantics<core_parallel>, #tpu.dimension_semantics<subcore_parallel>], iteration_bounds = array<i64: 2, 16>, scalar_prefetch = 0 : i64, scratch_operands = 7 : i64, tpu.core_type = #tpu.core_type<sc_vector_subcore>, window_params = [{transform_indices = #map}, {transform_indices = #map1}, {transform_indices = #map1}, {transform_indices = #map1}, {transform_indices = #map}, {transform_indices = #map}, {transform_indices = #map}]} {
    %mul3A = arith.constant 640 : i32
    %mul3A_0 = arith.muli %arg1, %mul3A : i32
    "tpu.region"() ({
      %run_scoped3A = tpu.sem_alloc : memref<!tpu.dma_semaphore, #tpu.memory_space<semaphore_mem>>
      %dma_start3A_30 = arith.constant 0 : i32
      %dma_start3A_31 = tpu.memref_slice %arg13[%mul3A_0, %dma_start3A_30] : memref<10240x64xf32, #tpu.memory_space<vmem_shared>> -> memref<640x64xf32, #tpu.memory_space<vmem_shared>>
      %dma_start3A_32 = arith.constant 0 : i32
      %dma_start3A_33 = tpu.memref_slice %arg6[%mul3A_0, %dma_start3A_32] : memref<10240x64xf32, #tpu.memory_space<hbm>> -> memref<640x64xf32, #tpu.memory_space<hbm>>
      tpu.enqueue_dma source(%dma_start3A_33 : memref<640x64xf32, #tpu.memory_space<hbm>>) target(%dma_start3A_31 : memref<640x64xf32, #tpu.memory_space<vmem_shared>>) target_semaphore(%run_scoped3A : memref<!tpu.dma_semaphore, #tpu.memory_space<semaphore_mem>>)
      %dma_wait3A = arith.constant 0 : i32
      %dma_wait3A_34 = tpu.memref_slice %arg13[%mul3A_0, %dma_wait3A] : memref<10240x64xf32, #tpu.memory_space<vmem_shared>> -> memref<640x64xf32, #tpu.memory_space<vmem_shared>>
      %dma_wait3A_35 = arith.constant 0 : i32
      %dma_wait3A_36 = tpu.memref_slice %arg6[%mul3A_0, %dma_wait3A_35] : memref<10240x64xf32, #tpu.memory_space<hbm>> -> memref<640x64xf32, #tpu.memory_space<hbm>>
      tpu.wait_dma2 semaphore(%run_scoped3A : memref<!tpu.dma_semaphore, #tpu.memory_space<semaphore_mem>>) src(%dma_wait3A_36 : memref<640x64xf32, #tpu.memory_space<hbm>>) dst(%dma_wait3A_34 : memref<640x64xf32, #tpu.memory_space<vmem_shared>>)
      tpu.yield
    }) : () -> ()
    %eq3A = arith.constant 0 : i32
    %eq3A_1 = arith.cmpi eq, %arg0, %eq3A : i32
    %convert_element_type3A = arith.extui %eq3A_1 : i1 to i32
    %cond3A = arith.constant 0 : i32
    %cond3A_2 = arith.cmpi ne, %convert_element_type3A, %cond3A : i32
    scf.if %cond3A_2 {
      "tpu.region"() ({
        %run_scoped3A = tpu.sem_alloc : memref<!tpu.dma_semaphore, #tpu.memory_space<semaphore_mem>>
        %dma_start3A_30 = arith.constant 0 : i32
        %dma_start3A_31 = arith.constant 0 : i32
        %dma_start3A_32 = tpu.memref_slice %arg3[%arg1, %dma_start3A_30, %dma_start3A_31] : memref<16x158x128xi32, #tpu.memory_space<hbm>> -> memref<1x158x128xi32, #tpu.memory_space<hbm>>
        %dma_start3A_33 = tpu.memref_squeeze %dma_start3A_32 : memref<1x158x128xi32, #tpu.memory_space<hbm>> -> memref<158x128xi32, #tpu.memory_space<hbm>>
        %dma_start3A_34 = arith.constant 0 : i32
        %dma_start3A_35 = arith.constant 0 : i32
        %dma_start3A_36 = tpu.memref_slice %arg3[%arg1, %dma_start3A_34, %dma_start3A_35] : memref<16x158x128xi32, #tpu.memory_space<hbm>> -> memref<1x158x128xi32, #tpu.memory_space<hbm>>
        %dma_start3A_37 = tpu.memref_squeeze %dma_start3A_36 : memref<1x158x128xi32, #tpu.memory_space<hbm>> -> memref<158x128xi32, #tpu.memory_space<hbm>>
        tpu.enqueue_dma source(%dma_start3A_37 : memref<158x128xi32, #tpu.memory_space<hbm>>) target(%arg9 : memref<158x128xi32, #tpu.memory_space<vmem>>) target_semaphore(%run_scoped3A : memref<!tpu.dma_semaphore, #tpu.memory_space<semaphore_mem>>)
        %dma_wait3A = arith.constant 0 : i32
        %dma_wait3A_38 = arith.constant 0 : i32
        %dma_wait3A_39 = tpu.memref_slice %arg3[%arg1, %dma_wait3A, %dma_wait3A_38] : memref<16x158x128xi32, #tpu.memory_space<hbm>> -> memref<1x158x128xi32, #tpu.memory_space<hbm>>
        %dma_wait3A_40 = tpu.memref_squeeze %dma_wait3A_39 : memref<1x158x128xi32, #tpu.memory_space<hbm>> -> memref<158x128xi32, #tpu.memory_space<hbm>>
        %dma_wait3A_41 = arith.constant 0 : i32
        %dma_wait3A_42 = arith.constant 0 : i32
        %dma_wait3A_43 = tpu.memref_slice %arg3[%arg1, %dma_wait3A_41, %dma_wait3A_42] : memref<16x158x128xi32, #tpu.memory_space<hbm>> -> memref<1x158x128xi32, #tpu.memory_space<hbm>>
        %dma_wait3A_44 = tpu.memref_squeeze %dma_wait3A_43 : memref<1x158x128xi32, #tpu.memory_space<hbm>> -> memref<158x128xi32, #tpu.memory_space<hbm>>
        tpu.wait_dma2 semaphore(%run_scoped3A : memref<!tpu.dma_semaphore, #tpu.memory_space<semaphore_mem>>) src(%dma_wait3A_44 : memref<158x128xi32, #tpu.memory_space<hbm>>) dst(%arg9 : memref<158x128xi32, #tpu.memory_space<vmem>>)
        tpu.yield
      }) : () -> ()
    } else {
    }
    %eq3A_3 = arith.constant 1 : i32
    %eq3A_4 = arith.cmpi eq, %arg0, %eq3A_3 : i32
    %convert_element_type3A_5 = arith.extui %eq3A_4 : i1 to i32
    %cond3A_6 = arith.constant 0 : i32
    %cond3A_7 = arith.cmpi ne, %convert_element_type3A_5, %cond3A_6 : i32
    scf.if %cond3A_7 {
      "tpu.region"() ({
        %run_scoped3A = tpu.sem_alloc : memref<!tpu.dma_semaphore, #tpu.memory_space<semaphore_mem>>
        %dma_start3A_30 = arith.constant 0 : i32
        %dma_start3A_31 = arith.constant 0 : i32
        %dma_start3A_32 = tpu.memref_slice %arg4[%arg1, %dma_start3A_30, %dma_start3A_31] : memref<16x158x128xi32, #tpu.memory_space<hbm>> -> memref<1x158x128xi32, #tpu.memory_space<hbm>>
        %dma_start3A_33 = tpu.memref_squeeze %dma_start3A_32 : memref<1x158x128xi32, #tpu.memory_space<hbm>> -> memref<158x128xi32, #tpu.memory_space<hbm>>
        %dma_start3A_34 = arith.constant 0 : i32
        %dma_start3A_35 = arith.constant 0 : i32
        %dma_start3A_36 = tpu.memref_slice %arg4[%arg1, %dma_start3A_34, %dma_start3A_35] : memref<16x158x128xi32, #tpu.memory_space<hbm>> -> memref<1x158x128xi32, #tpu.memory_space<hbm>>
        %dma_start3A_37 = tpu.memref_squeeze %dma_start3A_36 : memref<1x158x128xi32, #tpu.memory_space<hbm>> -> memref<158x128xi32, #tpu.memory_space<hbm>>
        tpu.enqueue_dma source(%dma_start3A_37 : memref<158x128xi32, #tpu.memory_space<hbm>>) target(%arg9 : memref<158x128xi32, #tpu.memory_space<vmem>>) target_semaphore(%run_scoped3A : memref<!tpu.dma_semaphore, #tpu.memory_space<semaphore_mem>>)
        %dma_wait3A = arith.constant 0 : i32
        %dma_wait3A_38 = arith.constant 0 : i32
        %dma_wait3A_39 = tpu.memref_slice %arg4[%arg1, %dma_wait3A, %dma_wait3A_38] : memref<16x158x128xi32, #tpu.memory_space<hbm>> -> memref<1x158x128xi32, #tpu.memory_space<hbm>>
        %dma_wait3A_40 = tpu.memref_squeeze %dma_wait3A_39 : memref<1x158x128xi32, #tpu.memory_space<hbm>> -> memref<158x128xi32, #tpu.memory_space<hbm>>
        %dma_wait3A_41 = arith.constant 0 : i32
        %dma_wait3A_42 = arith.constant 0 : i32
        %dma_wait3A_43 = tpu.memref_slice %arg4[%arg1, %dma_wait3A_41, %dma_wait3A_42] : memref<16x158x128xi32, #tpu.memory_space<hbm>> -> memref<1x158x128xi32, #tpu.memory_space<hbm>>
        %dma_wait3A_44 = tpu.memref_squeeze %dma_wait3A_43 : memref<1x158x128xi32, #tpu.memory_space<hbm>> -> memref<158x128xi32, #tpu.memory_space<hbm>>
        tpu.wait_dma2 semaphore(%run_scoped3A : memref<!tpu.dma_semaphore, #tpu.memory_space<semaphore_mem>>) src(%dma_wait3A_44 : memref<158x128xi32, #tpu.memory_space<hbm>>) dst(%arg9 : memref<158x128xi32, #tpu.memory_space<vmem>>)
        tpu.yield
      }) : () -> ()
    } else {
    }
    "tpu.region"() ({
      %run_scoped3A = tpu.sem_alloc : memref<!tpu.dma_semaphore, #tpu.memory_space<semaphore_mem>>
      %dma_start3A_30 = arith.constant 0 : i32
      %dma_start3A_31 = arith.constant 0 : i32
      %dma_start3A_32 = tpu.memref_slice %arg5[%arg1, %dma_start3A_30, %dma_start3A_31] : memref<16x158x128xi32, #tpu.memory_space<hbm>> -> memref<1x158x128xi32, #tpu.memory_space<hbm>>
      %dma_start3A_33 = tpu.memref_squeeze %dma_start3A_32 : memref<1x158x128xi32, #tpu.memory_space<hbm>> -> memref<158x128xi32, #tpu.memory_space<hbm>>
      %dma_start3A_34 = arith.constant 0 : i32
      %dma_start3A_35 = arith.constant 0 : i32
      %dma_start3A_36 = tpu.memref_slice %arg5[%arg1, %dma_start3A_34, %dma_start3A_35] : memref<16x158x128xi32, #tpu.memory_space<hbm>> -> memref<1x158x128xi32, #tpu.memory_space<hbm>>
      %dma_start3A_37 = tpu.memref_squeeze %dma_start3A_36 : memref<1x158x128xi32, #tpu.memory_space<hbm>> -> memref<158x128xi32, #tpu.memory_space<hbm>>
      tpu.enqueue_dma source(%dma_start3A_37 : memref<158x128xi32, #tpu.memory_space<hbm>>) target(%arg10 : memref<158x128xi32, #tpu.memory_space<vmem>>) target_semaphore(%run_scoped3A : memref<!tpu.dma_semaphore, #tpu.memory_space<semaphore_mem>>)
      %dma_wait3A = arith.constant 0 : i32
      %dma_wait3A_38 = arith.constant 0 : i32
      %dma_wait3A_39 = tpu.memref_slice %arg5[%arg1, %dma_wait3A, %dma_wait3A_38] : memref<16x158x128xi32, #tpu.memory_space<hbm>> -> memref<1x158x128xi32, #tpu.memory_space<hbm>>
      %dma_wait3A_40 = tpu.memref_squeeze %dma_wait3A_39 : memref<1x158x128xi32, #tpu.memory_space<hbm>> -> memref<158x128xi32, #tpu.memory_space<hbm>>
      %dma_wait3A_41 = arith.constant 0 : i32
      %dma_wait3A_42 = arith.constant 0 : i32
      %dma_wait3A_43 = tpu.memref_slice %arg5[%arg1, %dma_wait3A_41, %dma_wait3A_42] : memref<16x158x128xi32, #tpu.memory_space<hbm>> -> memref<1x158x128xi32, #tpu.memory_space<hbm>>
      %dma_wait3A_44 = tpu.memref_squeeze %dma_wait3A_43 : memref<1x158x128xi32, #tpu.memory_space<hbm>> -> memref<158x128xi32, #tpu.memory_space<hbm>>
      tpu.wait_dma2 semaphore(%run_scoped3A : memref<!tpu.dma_semaphore, #tpu.memory_space<semaphore_mem>>) src(%dma_wait3A_44 : memref<158x128xi32, #tpu.memory_space<hbm>>) dst(%arg10 : memref<158x128xi32, #tpu.memory_space<vmem>>)
      tpu.yield
    }) : () -> ()
    %barrier3A = arith.constant 0 : index
    tpu.barrier barrier_id(%barrier3A)
    %dma_start3A = arith.constant 0 : i32
    %dma_start3A_8 = arith.constant 0 : i32
    %dma_start3A_9 = tpu.memref_slice %arg9[%dma_start3A, %dma_start3A_8] : memref<158x128xi32, #tpu.memory_space<vmem>> -> memref<1x128xi32, #tpu.memory_space<vmem>>
    %dma_start3A_10 = tpu.memref_squeeze %dma_start3A_9 : memref<1x128xi32, #tpu.memory_space<vmem>> -> memref<128xi32, #tpu.memory_space<vmem>>
    %dma_start3A_11 = arith.constant 0 : i32
    %dma_start3A_12 = arith.constant 0 : i32
    %dma_start3A_13 = tpu.memref_slice %arg2[%dma_start3A_11, %dma_start3A_12] : memref<20480x64xf32, #tpu.memory_space<hbm>> -> memref<20480x64xf32, #tpu.memory_space<hbm>>
    tpu.enqueue_indirect_dma source(%dma_start3A_13 : memref<20480x64xf32, #tpu.memory_space<hbm>>) target(%arg11 : memref<128x64xf32, #tpu.memory_space<vmem>>) offsets(%dma_start3A_10 : memref<128xi32, #tpu.memory_space<vmem>>) semaphore(%arg14 : memref<!tpu.dma_semaphore, #tpu.memory_space<semaphore_mem>>)
    %scan3A = arith.constant 0 : i32
    %scan3A_14 = arith.constant 0 : i32
    %scan3A_15 = arith.constant 79 : i32
    %scan3A_16 = arith.addi %scan3A_14, %scan3A_15 : i32
    %scan3A_17 = arith.constant 1 : i32
    scf.for %scan3A_30 = %scan3A_14 to %scan3A_16 step %scan3A_17  : i32 {
      %mul3A_31 = arith.constant 2 : i32
      %mul3A_32 = arith.muli %mul3A_31, %scan3A_30 : i32
      %add3A = arith.constant 1 : i32
      %add3A_33 = arith.addi %mul3A_32, %add3A : i32
      %dma_start3A_34 = arith.constant 0 : i32
      %dma_start3A_35 = tpu.memref_slice %arg9[%add3A_33, %dma_start3A_34] : memref<158x128xi32, #tpu.memory_space<vmem>> -> memref<1x128xi32, #tpu.memory_space<vmem>>
      %dma_start3A_36 = tpu.memref_squeeze %dma_start3A_35 : memref<1x128xi32, #tpu.memory_space<vmem>> -> memref<128xi32, #tpu.memory_space<vmem>>
      %dma_start3A_37 = arith.constant 0 : i32
      %dma_start3A_38 = arith.constant 0 : i32
      %dma_start3A_39 = tpu.memref_slice %arg2[%dma_start3A_37, %dma_start3A_38] : memref<20480x64xf32, #tpu.memory_space<hbm>> -> memref<20480x64xf32, #tpu.memory_space<hbm>>
      tpu.enqueue_indirect_dma source(%dma_start3A_39 : memref<20480x64xf32, #tpu.memory_space<hbm>>) target(%arg12 : memref<128x64xf32, #tpu.memory_space<vmem>>) offsets(%dma_start3A_36 : memref<128xi32, #tpu.memory_space<vmem>>) semaphore(%arg15 : memref<!tpu.dma_semaphore, #tpu.memory_space<semaphore_mem>>)
      %dma_wait3A = arith.constant 0 : i32
      %dma_wait3A_40 = tpu.memref_slice %arg9[%mul3A_32, %dma_wait3A] : memref<158x128xi32, #tpu.memory_space<vmem>> -> memref<1x128xi32, #tpu.memory_space<vmem>>
      %dma_wait3A_41 = tpu.memref_squeeze %dma_wait3A_40 : memref<1x128xi32, #tpu.memory_space<vmem>> -> memref<128xi32, #tpu.memory_space<vmem>>
      %dma_wait3A_42 = arith.constant 0 : i32
      %dma_wait3A_43 = arith.constant 0 : i32
      %dma_wait3A_44 = tpu.memref_slice %arg2[%dma_wait3A_42, %dma_wait3A_43] : memref<20480x64xf32, #tpu.memory_space<hbm>> -> memref<20480x64xf32, #tpu.memory_space<hbm>>
      tpu.wait_indirect_dma semaphore(%arg14 : memref<!tpu.dma_semaphore, #tpu.memory_space<semaphore_mem>>) src(%dma_wait3A_44 : memref<20480x64xf32, #tpu.memory_space<hbm>>) dst(%arg11 : memref<128x64xf32, #tpu.memory_space<vmem>>)
      "tpu.region"() ({
        %run_scoped3A = tpu.sem_alloc : memref<!tpu.dma_semaphore, #tpu.memory_space<semaphore_mem>>
        %dma_start3A_59 = arith.constant 0 : i32
        %dma_start3A_60 = tpu.memref_slice %arg10[%mul3A_32, %dma_start3A_59] : memref<158x128xi32, #tpu.memory_space<vmem>> -> memref<1x128xi32, #tpu.memory_space<vmem>>
        %dma_start3A_61 = tpu.memref_squeeze %dma_start3A_60 : memref<1x128xi32, #tpu.memory_space<vmem>> -> memref<128xi32, #tpu.memory_space<vmem>>
        %dma_start3A_62 = arith.constant 0 : i32
        %dma_start3A_63 = arith.constant 0 : i32
        %dma_start3A_64 = tpu.memref_slice %arg13[%dma_start3A_62, %dma_start3A_63] : memref<10240x64xf32, #tpu.memory_space<vmem_shared>> -> memref<10240x64xf32, #tpu.memory_space<vmem_shared>>
        tpu.enqueue_indirect_dma source(%arg11 : memref<128x64xf32, #tpu.memory_space<vmem>>) target(%dma_start3A_64 : memref<10240x64xf32, #tpu.memory_space<vmem_shared>>) offsets(%dma_start3A_61 : memref<128xi32, #tpu.memory_space<vmem>>) semaphore(%run_scoped3A : memref<!tpu.dma_semaphore, #tpu.memory_space<semaphore_mem>>) {add = true}
        %dma_wait3A_65 = arith.constant 0 : i32
        %dma_wait3A_66 = tpu.memref_slice %arg10[%mul3A_32, %dma_wait3A_65] : memref<158x128xi32, #tpu.memory_space<vmem>> -> memref<1x128xi32, #tpu.memory_space<vmem>>
        %dma_wait3A_67 = tpu.memref_squeeze %dma_wait3A_66 : memref<1x128xi32, #tpu.memory_space<vmem>> -> memref<128xi32, #tpu.memory_space<vmem>>
        %dma_wait3A_68 = arith.constant 0 : i32
        %dma_wait3A_69 = arith.constant 0 : i32
        %dma_wait3A_70 = tpu.memref_slice %arg13[%dma_wait3A_68, %dma_wait3A_69] : memref<10240x64xf32, #tpu.memory_space<vmem_shared>> -> memref<10240x64xf32, #tpu.memory_space<vmem_shared>>
        tpu.wait_indirect_dma semaphore(%run_scoped3A : memref<!tpu.dma_semaphore, #tpu.memory_space<semaphore_mem>>) src(%arg11 : memref<128x64xf32, #tpu.memory_space<vmem>>) dst(%dma_wait3A_70 : memref<10240x64xf32, #tpu.memory_space<vmem_shared>>)
        tpu.yield
      }) : () -> ()
      %lt3A = arith.constant 78 : i32
      %lt3A_45 = arith.cmpi slt, %scan3A_30, %lt3A : i32
      %convert_element_type3A_46 = arith.extui %lt3A_45 : i1 to i32
      %cond3A_47 = arith.constant 0 : i32
      %cond3A_48 = arith.cmpi ne, %convert_element_type3A_46, %cond3A_47 : i32
      scf.if %cond3A_48 {
        %add3A_59 = arith.constant 2 : i32
        %add3A_60 = arith.addi %mul3A_32, %add3A_59 : i32
        %dma_start3A_61 = arith.constant 0 : i32
        %dma_start3A_62 = tpu.memref_slice %arg9[%add3A_60, %dma_start3A_61] : memref<158x128xi32, #tpu.memory_space<vmem>> -> memref<1x128xi32, #tpu.memory_space<vmem>>
        %dma_start3A_63 = tpu.memref_squeeze %dma_start3A_62 : memref<1x128xi32, #tpu.memory_space<vmem>> -> memref<128xi32, #tpu.memory_space<vmem>>
        %dma_start3A_64 = arith.constant 0 : i32
        %dma_start3A_65 = arith.constant 0 : i32
        %dma_start3A_66 = tpu.memref_slice %arg2[%dma_start3A_64, %dma_start3A_65] : memref<20480x64xf32, #tpu.memory_space<hbm>> -> memref<20480x64xf32, #tpu.memory_space<hbm>>
        tpu.enqueue_indirect_dma source(%dma_start3A_66 : memref<20480x64xf32, #tpu.memory_space<hbm>>) target(%arg11 : memref<128x64xf32, #tpu.memory_space<vmem>>) offsets(%dma_start3A_63 : memref<128xi32, #tpu.memory_space<vmem>>) semaphore(%arg14 : memref<!tpu.dma_semaphore, #tpu.memory_space<semaphore_mem>>)
      } else {
      }
      %add3A_49 = arith.constant 1 : i32
      %add3A_50 = arith.addi %mul3A_32, %add3A_49 : i32
      %dma_wait3A_51 = arith.constant 0 : i32
      %dma_wait3A_52 = tpu.memref_slice %arg9[%add3A_50, %dma_wait3A_51] : memref<158x128xi32, #tpu.memory_space<vmem>> -> memref<1x128xi32, #tpu.memory_space<vmem>>
      %dma_wait3A_53 = tpu.memref_squeeze %dma_wait3A_52 : memref<1x128xi32, #tpu.memory_space<vmem>> -> memref<128xi32, #tpu.memory_space<vmem>>
      %dma_wait3A_54 = arith.constant 0 : i32
      %dma_wait3A_55 = arith.constant 0 : i32
      %dma_wait3A_56 = tpu.memref_slice %arg2[%dma_wait3A_54, %dma_wait3A_55] : memref<20480x64xf32, #tpu.memory_space<hbm>> -> memref<20480x64xf32, #tpu.memory_space<hbm>>
      tpu.wait_indirect_dma semaphore(%arg15 : memref<!tpu.dma_semaphore, #tpu.memory_space<semaphore_mem>>) src(%dma_wait3A_56 : memref<20480x64xf32, #tpu.memory_space<hbm>>) dst(%arg12 : memref<128x64xf32, #tpu.memory_space<vmem>>)
      %add3A_57 = arith.constant 1 : i32
      %add3A_58 = arith.addi %mul3A_32, %add3A_57 : i32
      "tpu.region"() ({
        %run_scoped3A = tpu.sem_alloc : memref<!tpu.dma_semaphore, #tpu.memory_space<semaphore_mem>>
        %dma_start3A_59 = arith.constant 0 : i32
        %dma_start3A_60 = tpu.memref_slice %arg10[%add3A_58, %dma_start3A_59] : memref<158x128xi32, #tpu.memory_space<vmem>> -> memref<1x128xi32, #tpu.memory_space<vmem>>
        %dma_start3A_61 = tpu.memref_squeeze %dma_start3A_60 : memref<1x128xi32, #tpu.memory_space<vmem>> -> memref<128xi32, #tpu.memory_space<vmem>>
        %dma_start3A_62 = arith.constant 0 : i32
        %dma_start3A_63 = arith.constant 0 : i32
        %dma_start3A_64 = tpu.memref_slice %arg13[%dma_start3A_62, %dma_start3A_63] : memref<10240x64xf32, #tpu.memory_space<vmem_shared>> -> memref<10240x64xf32, #tpu.memory_space<vmem_shared>>
        tpu.enqueue_indirect_dma source(%arg12 : memref<128x64xf32, #tpu.memory_space<vmem>>) target(%dma_start3A_64 : memref<10240x64xf32, #tpu.memory_space<vmem_shared>>) offsets(%dma_start3A_61 : memref<128xi32, #tpu.memory_space<vmem>>) semaphore(%run_scoped3A : memref<!tpu.dma_semaphore, #tpu.memory_space<semaphore_mem>>) {add = true}
        %dma_wait3A_65 = arith.constant 0 : i32
        %dma_wait3A_66 = tpu.memref_slice %arg10[%add3A_58, %dma_wait3A_65] : memref<158x128xi32, #tpu.memory_space<vmem>> -> memref<1x128xi32, #tpu.memory_space<vmem>>
        %dma_wait3A_67 = tpu.memref_squeeze %dma_wait3A_66 : memref<1x128xi32, #tpu.memory_space<vmem>> -> memref<128xi32, #tpu.memory_space<vmem>>
        %dma_wait3A_68 = arith.constant 0 : i32
        %dma_wait3A_69 = arith.constant 0 : i32
        %dma_wait3A_70 = tpu.memref_slice %arg13[%dma_wait3A_68, %dma_wait3A_69] : memref<10240x64xf32, #tpu.memory_space<vmem_shared>> -> memref<10240x64xf32, #tpu.memory_space<vmem_shared>>
        tpu.wait_indirect_dma semaphore(%run_scoped3A : memref<!tpu.dma_semaphore, #tpu.memory_space<semaphore_mem>>) src(%arg12 : memref<128x64xf32, #tpu.memory_space<vmem>>) dst(%dma_wait3A_70 : memref<10240x64xf32, #tpu.memory_space<vmem_shared>>)
        tpu.yield
      }) : () -> ()
    }
    %scan3A_18 = arith.constant 79 : i32
    %barrier3A_19 = arith.constant 0 : index
    tpu.barrier barrier_id(%barrier3A_19)
    %eq3A_20 = arith.constant 0 : i32
    %eq3A_21 = arith.cmpi eq, %arg0, %eq3A_20 : i32
    %convert_element_type3A_22 = arith.extui %eq3A_21 : i1 to i32
    %cond3A_23 = arith.constant 0 : i32
    %cond3A_24 = arith.cmpi ne, %convert_element_type3A_22, %cond3A_23 : i32
    scf.if %cond3A_24 {
      "tpu.region"() ({
        %run_scoped3A = tpu.sem_alloc : memref<!tpu.dma_semaphore, #tpu.memory_space<semaphore_mem>>
        %dma_start3A_30 = arith.constant 0 : i32
        %dma_start3A_31 = tpu.memref_slice %arg7[%mul3A_0, %dma_start3A_30] : memref<10240x64xf32, #tpu.memory_space<hbm>> -> memref<640x64xf32, #tpu.memory_space<hbm>>
        %dma_start3A_32 = arith.constant 0 : i32
        %dma_start3A_33 = tpu.memref_slice %arg13[%mul3A_0, %dma_start3A_32] : memref<10240x64xf32, #tpu.memory_space<vmem_shared>> -> memref<640x64xf32, #tpu.memory_space<vmem_shared>>
        tpu.enqueue_dma source(%dma_start3A_33 : memref<640x64xf32, #tpu.memory_space<vmem_shared>>) target(%dma_start3A_31 : memref<640x64xf32, #tpu.memory_space<hbm>>) target_semaphore(%run_scoped3A : memref<!tpu.dma_semaphore, #tpu.memory_space<semaphore_mem>>)
        %dma_wait3A = arith.constant 0 : i32
        %dma_wait3A_34 = tpu.memref_slice %arg7[%mul3A_0, %dma_wait3A] : memref<10240x64xf32, #tpu.memory_space<hbm>> -> memref<640x64xf32, #tpu.memory_space<hbm>>
        %dma_wait3A_35 = arith.constant 0 : i32
        %dma_wait3A_36 = tpu.memref_slice %arg13[%mul3A_0, %dma_wait3A_35] : memref<10240x64xf32, #tpu.memory_space<vmem_shared>> -> memref<640x64xf32, #tpu.memory_space<vmem_shared>>
        tpu.wait_dma2 semaphore(%run_scoped3A : memref<!tpu.dma_semaphore, #tpu.memory_space<semaphore_mem>>) src(%dma_wait3A_36 : memref<640x64xf32, #tpu.memory_space<vmem_shared>>) dst(%dma_wait3A_34 : memref<640x64xf32, #tpu.memory_space<hbm>>)
        tpu.yield
      }) : () -> ()
    } else {
    }
    %eq3A_25 = arith.constant 1 : i32
    %eq3A_26 = arith.cmpi eq, %arg0, %eq3A_25 : i32
    %convert_element_type3A_27 = arith.extui %eq3A_26 : i1 to i32
    %cond3A_28 = arith.constant 0 : i32
    %cond3A_29 = arith.cmpi ne, %convert_element_type3A_27, %cond3A_28 : i32
    scf.if %cond3A_29 {
      "tpu.region"() ({
        %run_scoped3A = tpu.sem_alloc : memref<!tpu.dma_semaphore, #tpu.memory_space<semaphore_mem>>
        %dma_start3A_30 = arith.constant 0 : i32
        %dma_start3A_31 = tpu.memref_slice %arg8[%mul3A_0, %dma_start3A_30] : memref<10240x64xf32, #tpu.memory_space<hbm>> -> memref<640x64xf32, #tpu.memory_space<hbm>>
        %dma_start3A_32 = arith.constant 0 : i32
        %dma_start3A_33 = tpu.memref_slice %arg13[%mul3A_0, %dma_start3A_32] : memref<10240x64xf32, #tpu.memory_space<vmem_shared>> -> memref<640x64xf32, #tpu.memory_space<vmem_shared>>
        tpu.enqueue_dma source(%dma_start3A_33 : memref<640x64xf32, #tpu.memory_space<vmem_shared>>) target(%dma_start3A_31 : memref<640x64xf32, #tpu.memory_space<hbm>>) target_semaphore(%run_scoped3A : memref<!tpu.dma_semaphore, #tpu.memory_space<semaphore_mem>>)
        %dma_wait3A = arith.constant 0 : i32
        %dma_wait3A_34 = tpu.memref_slice %arg8[%mul3A_0, %dma_wait3A] : memref<10240x64xf32, #tpu.memory_space<hbm>> -> memref<640x64xf32, #tpu.memory_space<hbm>>
        %dma_wait3A_35 = arith.constant 0 : i32
        %dma_wait3A_36 = tpu.memref_slice %arg13[%mul3A_0, %dma_wait3A_35] : memref<10240x64xf32, #tpu.memory_space<vmem_shared>> -> memref<640x64xf32, #tpu.memory_space<vmem_shared>>
        tpu.wait_dma2 semaphore(%run_scoped3A : memref<!tpu.dma_semaphore, #tpu.memory_space<semaphore_mem>>) src(%dma_wait3A_36 : memref<640x64xf32, #tpu.memory_space<vmem_shared>>) dst(%dma_wait3A_34 : memref<640x64xf32, #tpu.memory_space<hbm>>)
        tpu.yield
      }) : () -> ()
    } else {
    }
    return
  }
}

#map = affine_map<(d0, d1) -> (0, 0)>
#map1 = affine_map<(d0, d1) -> (0, 0, 0)>
module attributes {stable_mosaic.version = 14 : i64} {
  func.func @k(%arg0: i32, %arg1: i32, %arg2: memref<20480x64xf32, #tpu.memory_space<hbm>>, %arg3: memref<20480x64xf32, #tpu.memory_space<hbm>>, %arg4: memref<16x158x128xi32, #tpu.memory_space<hbm>>, %arg5: memref<16x158x128xi32, #tpu.memory_space<hbm>>, %arg6: memref<16x158x128xi32, #tpu.memory_space<hbm>>, %arg7: memref<10240x64xf32, #tpu.memory_space<hbm>>, %arg8: memref<10240x64xf32, #tpu.memory_space<hbm>>, %arg9: memref<10240x64xf32, #tpu.memory_space<hbm>>, %arg10: memref<10240x64xf32, #tpu.memory_space<hbm>>, %arg11: memref<10240x64xf32, #tpu.memory_space<hbm>>, %arg12: memref<158x128xi32, #tpu.memory_space<vmem>>, %arg13: memref<158x128xi32, #tpu.memory_space<vmem>>, %arg14: memref<128x64xf32, #tpu.memory_space<vmem>>, %arg15: memref<128x64xf32, #tpu.memory_space<vmem>>, %arg16: memref<10240x64xf32, #tpu.memory_space<vmem_shared>>, %arg17: memref<!tpu.dma_semaphore, #tpu.memory_space<semaphore_mem>>, %arg18: memref<!tpu.dma_semaphore, #tpu.memory_space<semaphore_mem>>) attributes {dimension_semantics = [#tpu.dimension_semantics<core_parallel>, #tpu.dimension_semantics<subcore_parallel>], iteration_bounds = array<i64: 2, 16>, scalar_prefetch = 0 : i64, scratch_operands = 7 : i64, tpu.core_type = #tpu.core_type<sc_vector_subcore>, window_params = [{transform_indices = #map}, {transform_indices = #map}, {transform_indices = #map1}, {transform_indices = #map1}, {transform_indices = #map1}, {transform_indices = #map}, {transform_indices = #map}, {transform_indices = #map}, {transform_indices = #map}, {transform_indices = #map}]} {
    %mul3A = arith.constant 640 : i32
    %mul3A_0 = arith.muli %arg1, %mul3A : i32
    %eq3A = arith.constant 0 : i32
    %eq3A_1 = arith.cmpi eq, %arg0, %eq3A : i32
    %convert_element_type3A = arith.extui %eq3A_1 : i1 to i32
    %cond3A = arith.constant 0 : i32
    %cond3A_2 = arith.cmpi ne, %convert_element_type3A, %cond3A : i32
    scf.if %cond3A_2 {
      "tpu.region"() ({
        %run_scoped3A = tpu.sem_alloc : memref<!tpu.dma_semaphore, #tpu.memory_space<semaphore_mem>>
        %dma_start3A_56 = arith.constant 0 : i32
        %dma_start3A_57 = arith.constant 0 : i32
        %dma_start3A_58 = tpu.memref_slice %arg4[%arg1, %dma_start3A_56, %dma_start3A_57] : memref<16x158x128xi32, #tpu.memory_space<hbm>> -> memref<1x158x128xi32, #tpu.memory_space<hbm>>
        %dma_start3A_59 = tpu.memref_squeeze %dma_start3A_58 : memref<1x158x128xi32, #tpu.memory_space<hbm>> -> memref<158x128xi32, #tpu.memory_space<hbm>>
        %dma_start3A_60 = arith.constant 0 : i32
        %dma_start3A_61 = arith.constant 0 : i32
        %dma_start3A_62 = tpu.memref_slice %arg4[%arg1, %dma_start3A_60, %dma_start3A_61] : memref<16x158x128xi32, #tpu.memory_space<hbm>> -> memref<1x158x128xi32, #tpu.memory_space<hbm>>
        %dma_start3A_63 = tpu.memref_squeeze %dma_start3A_62 : memref<1x158x128xi32, #tpu.memory_space<hbm>> -> memref<158x128xi32, #tpu.memory_space<hbm>>
        tpu.enqueue_dma source(%dma_start3A_63 : memref<158x128xi32, #tpu.memory_space<hbm>>) target(%arg12 : memref<158x128xi32, #tpu.memory_space<vmem>>) target_semaphore(%run_scoped3A : memref<!tpu.dma_semaphore, #tpu.memory_space<semaphore_mem>>)
        %dma_wait3A = arith.constant 0 : i32
        %dma_wait3A_64 = arith.constant 0 : i32
        %dma_wait3A_65 = tpu.memref_slice %arg4[%arg1, %dma_wait3A, %dma_wait3A_64] : memref<16x158x128xi32, #tpu.memory_space<hbm>> -> memref<1x158x128xi32, #tpu.memory_space<hbm>>
        %dma_wait3A_66 = tpu.memref_squeeze %dma_wait3A_65 : memref<1x158x128xi32, #tpu.memory_space<hbm>> -> memref<158x128xi32, #tpu.memory_space<hbm>>
        %dma_wait3A_67 = arith.constant 0 : i32
        %dma_wait3A_68 = arith.constant 0 : i32
        %dma_wait3A_69 = tpu.memref_slice %arg4[%arg1, %dma_wait3A_67, %dma_wait3A_68] : memref<16x158x128xi32, #tpu.memory_space<hbm>> -> memref<1x158x128xi32, #tpu.memory_space<hbm>>
        %dma_wait3A_70 = tpu.memref_squeeze %dma_wait3A_69 : memref<1x158x128xi32, #tpu.memory_space<hbm>> -> memref<158x128xi32, #tpu.memory_space<hbm>>
        tpu.wait_dma2 semaphore(%run_scoped3A : memref<!tpu.dma_semaphore, #tpu.memory_space<semaphore_mem>>) src(%dma_wait3A_70 : memref<158x128xi32, #tpu.memory_space<hbm>>) dst(%arg12 : memref<158x128xi32, #tpu.memory_space<vmem>>)
        tpu.yield
      }) : () -> ()
    } else {
    }
    %eq3A_3 = arith.constant 1 : i32
    %eq3A_4 = arith.cmpi eq, %arg0, %eq3A_3 : i32
    %convert_element_type3A_5 = arith.extui %eq3A_4 : i1 to i32
    %cond3A_6 = arith.constant 0 : i32
    %cond3A_7 = arith.cmpi ne, %convert_element_type3A_5, %cond3A_6 : i32
    scf.if %cond3A_7 {
      "tpu.region"() ({
        %run_scoped3A = tpu.sem_alloc : memref<!tpu.dma_semaphore, #tpu.memory_space<semaphore_mem>>
        %dma_start3A_56 = arith.constant 0 : i32
        %dma_start3A_57 = arith.constant 0 : i32
        %dma_start3A_58 = tpu.memref_slice %arg5[%arg1, %dma_start3A_56, %dma_start3A_57] : memref<16x158x128xi32, #tpu.memory_space<hbm>> -> memref<1x158x128xi32, #tpu.memory_space<hbm>>
        %dma_start3A_59 = tpu.memref_squeeze %dma_start3A_58 : memref<1x158x128xi32, #tpu.memory_space<hbm>> -> memref<158x128xi32, #tpu.memory_space<hbm>>
        %dma_start3A_60 = arith.constant 0 : i32
        %dma_start3A_61 = arith.constant 0 : i32
        %dma_start3A_62 = tpu.memref_slice %arg5[%arg1, %dma_start3A_60, %dma_start3A_61] : memref<16x158x128xi32, #tpu.memory_space<hbm>> -> memref<1x158x128xi32, #tpu.memory_space<hbm>>
        %dma_start3A_63 = tpu.memref_squeeze %dma_start3A_62 : memref<1x158x128xi32, #tpu.memory_space<hbm>> -> memref<158x128xi32, #tpu.memory_space<hbm>>
        tpu.enqueue_dma source(%dma_start3A_63 : memref<158x128xi32, #tpu.memory_space<hbm>>) target(%arg12 : memref<158x128xi32, #tpu.memory_space<vmem>>) target_semaphore(%run_scoped3A : memref<!tpu.dma_semaphore, #tpu.memory_space<semaphore_mem>>)
        %dma_wait3A = arith.constant 0 : i32
        %dma_wait3A_64 = arith.constant 0 : i32
        %dma_wait3A_65 = tpu.memref_slice %arg5[%arg1, %dma_wait3A, %dma_wait3A_64] : memref<16x158x128xi32, #tpu.memory_space<hbm>> -> memref<1x158x128xi32, #tpu.memory_space<hbm>>
        %dma_wait3A_66 = tpu.memref_squeeze %dma_wait3A_65 : memref<1x158x128xi32, #tpu.memory_space<hbm>> -> memref<158x128xi32, #tpu.memory_space<hbm>>
        %dma_wait3A_67 = arith.constant 0 : i32
        %dma_wait3A_68 = arith.constant 0 : i32
        %dma_wait3A_69 = tpu.memref_slice %arg5[%arg1, %dma_wait3A_67, %dma_wait3A_68] : memref<16x158x128xi32, #tpu.memory_space<hbm>> -> memref<1x158x128xi32, #tpu.memory_space<hbm>>
        %dma_wait3A_70 = tpu.memref_squeeze %dma_wait3A_69 : memref<1x158x128xi32, #tpu.memory_space<hbm>> -> memref<158x128xi32, #tpu.memory_space<hbm>>
        tpu.wait_dma2 semaphore(%run_scoped3A : memref<!tpu.dma_semaphore, #tpu.memory_space<semaphore_mem>>) src(%dma_wait3A_70 : memref<158x128xi32, #tpu.memory_space<hbm>>) dst(%arg12 : memref<158x128xi32, #tpu.memory_space<vmem>>)
        tpu.yield
      }) : () -> ()
    } else {
    }
    "tpu.region"() ({
      %run_scoped3A = tpu.sem_alloc : memref<!tpu.dma_semaphore, #tpu.memory_space<semaphore_mem>>
      %dma_start3A_56 = arith.constant 0 : i32
      %dma_start3A_57 = arith.constant 0 : i32
      %dma_start3A_58 = tpu.memref_slice %arg6[%arg1, %dma_start3A_56, %dma_start3A_57] : memref<16x158x128xi32, #tpu.memory_space<hbm>> -> memref<1x158x128xi32, #tpu.memory_space<hbm>>
      %dma_start3A_59 = tpu.memref_squeeze %dma_start3A_58 : memref<1x158x128xi32, #tpu.memory_space<hbm>> -> memref<158x128xi32, #tpu.memory_space<hbm>>
      %dma_start3A_60 = arith.constant 0 : i32
      %dma_start3A_61 = arith.constant 0 : i32
      %dma_start3A_62 = tpu.memref_slice %arg6[%arg1, %dma_start3A_60, %dma_start3A_61] : memref<16x158x128xi32, #tpu.memory_space<hbm>> -> memref<1x158x128xi32, #tpu.memory_space<hbm>>
      %dma_start3A_63 = tpu.memref_squeeze %dma_start3A_62 : memref<1x158x128xi32, #tpu.memory_space<hbm>> -> memref<158x128xi32, #tpu.memory_space<hbm>>
      tpu.enqueue_dma source(%dma_start3A_63 : memref<158x128xi32, #tpu.memory_space<hbm>>) target(%arg13 : memref<158x128xi32, #tpu.memory_space<vmem>>) target_semaphore(%run_scoped3A : memref<!tpu.dma_semaphore, #tpu.memory_space<semaphore_mem>>)
      %dma_wait3A = arith.constant 0 : i32
      %dma_wait3A_64 = arith.constant 0 : i32
      %dma_wait3A_65 = tpu.memref_slice %arg6[%arg1, %dma_wait3A, %dma_wait3A_64] : memref<16x158x128xi32, #tpu.memory_space<hbm>> -> memref<1x158x128xi32, #tpu.memory_space<hbm>>
      %dma_wait3A_66 = tpu.memref_squeeze %dma_wait3A_65 : memref<1x158x128xi32, #tpu.memory_space<hbm>> -> memref<158x128xi32, #tpu.memory_space<hbm>>
      %dma_wait3A_67 = arith.constant 0 : i32
      %dma_wait3A_68 = arith.constant 0 : i32
      %dma_wait3A_69 = tpu.memref_slice %arg6[%arg1, %dma_wait3A_67, %dma_wait3A_68] : memref<16x158x128xi32, #tpu.memory_space<hbm>> -> memref<1x158x128xi32, #tpu.memory_space<hbm>>
      %dma_wait3A_70 = tpu.memref_squeeze %dma_wait3A_69 : memref<1x158x128xi32, #tpu.memory_space<hbm>> -> memref<158x128xi32, #tpu.memory_space<hbm>>
      tpu.wait_dma2 semaphore(%run_scoped3A : memref<!tpu.dma_semaphore, #tpu.memory_space<semaphore_mem>>) src(%dma_wait3A_70 : memref<158x128xi32, #tpu.memory_space<hbm>>) dst(%arg13 : memref<158x128xi32, #tpu.memory_space<vmem>>)
      tpu.yield
    }) : () -> ()
    "tpu.region"() ({
      %run_scoped3A = tpu.sem_alloc : memref<!tpu.dma_semaphore, #tpu.memory_space<semaphore_mem>>
      %dma_start3A_56 = arith.constant 0 : i32
      %dma_start3A_57 = tpu.memref_slice %arg16[%mul3A_0, %dma_start3A_56] : memref<10240x64xf32, #tpu.memory_space<vmem_shared>> -> memref<640x64xf32, #tpu.memory_space<vmem_shared>>
      %dma_start3A_58 = arith.constant 0 : i32
      %dma_start3A_59 = tpu.memref_slice %arg7[%mul3A_0, %dma_start3A_58] : memref<10240x64xf32, #tpu.memory_space<hbm>> -> memref<640x64xf32, #tpu.memory_space<hbm>>
      tpu.enqueue_dma source(%dma_start3A_59 : memref<640x64xf32, #tpu.memory_space<hbm>>) target(%dma_start3A_57 : memref<640x64xf32, #tpu.memory_space<vmem_shared>>) target_semaphore(%run_scoped3A : memref<!tpu.dma_semaphore, #tpu.memory_space<semaphore_mem>>)
      %dma_wait3A = arith.constant 0 : i32
      %dma_wait3A_60 = tpu.memref_slice %arg16[%mul3A_0, %dma_wait3A] : memref<10240x64xf32, #tpu.memory_space<vmem_shared>> -> memref<640x64xf32, #tpu.memory_space<vmem_shared>>
      %dma_wait3A_61 = arith.constant 0 : i32
      %dma_wait3A_62 = tpu.memref_slice %arg7[%mul3A_0, %dma_wait3A_61] : memref<10240x64xf32, #tpu.memory_space<hbm>> -> memref<640x64xf32, #tpu.memory_space<hbm>>
      tpu.wait_dma2 semaphore(%run_scoped3A : memref<!tpu.dma_semaphore, #tpu.memory_space<semaphore_mem>>) src(%dma_wait3A_62 : memref<640x64xf32, #tpu.memory_space<hbm>>) dst(%dma_wait3A_60 : memref<640x64xf32, #tpu.memory_space<vmem_shared>>)
      tpu.yield
    }) : () -> ()
    %barrier3A = arith.constant 0 : index
    tpu.barrier barrier_id(%barrier3A)
    %dma_start3A = arith.constant 0 : i32
    %dma_start3A_8 = arith.constant 0 : i32
    %dma_start3A_9 = tpu.memref_slice %arg12[%dma_start3A, %dma_start3A_8] : memref<158x128xi32, #tpu.memory_space<vmem>> -> memref<1x128xi32, #tpu.memory_space<vmem>>
    %dma_start3A_10 = tpu.memref_squeeze %dma_start3A_9 : memref<1x128xi32, #tpu.memory_space<vmem>> -> memref<128xi32, #tpu.memory_space<vmem>>
    %dma_start3A_11 = arith.constant 0 : i32
    %dma_start3A_12 = arith.constant 0 : i32
    %dma_start3A_13 = tpu.memref_slice %arg2[%dma_start3A_11, %dma_start3A_12] : memref<20480x64xf32, #tpu.memory_space<hbm>> -> memref<20480x64xf32, #tpu.memory_space<hbm>>
    tpu.enqueue_indirect_dma source(%dma_start3A_13 : memref<20480x64xf32, #tpu.memory_space<hbm>>) target(%arg14 : memref<128x64xf32, #tpu.memory_space<vmem>>) offsets(%dma_start3A_10 : memref<128xi32, #tpu.memory_space<vmem>>) semaphore(%arg17 : memref<!tpu.dma_semaphore, #tpu.memory_space<semaphore_mem>>)
    %scan3A = arith.constant 0 : i32
    %scan3A_14 = arith.constant 0 : i32
    %scan3A_15 = arith.constant 79 : i32
    %scan3A_16 = arith.addi %scan3A_14, %scan3A_15 : i32
    %scan3A_17 = arith.constant 1 : i32
    scf.for %scan3A_56 = %scan3A_14 to %scan3A_16 step %scan3A_17  : i32 {
      %mul3A_57 = arith.constant 2 : i32
      %mul3A_58 = arith.muli %mul3A_57, %scan3A_56 : i32
      %add3A = arith.constant 1 : i32
      %add3A_59 = arith.addi %mul3A_58, %add3A : i32
      %dma_start3A_60 = arith.constant 0 : i32
      %dma_start3A_61 = tpu.memref_slice %arg12[%add3A_59, %dma_start3A_60] : memref<158x128xi32, #tpu.memory_space<vmem>> -> memref<1x128xi32, #tpu.memory_space<vmem>>
      %dma_start3A_62 = tpu.memref_squeeze %dma_start3A_61 : memref<1x128xi32, #tpu.memory_space<vmem>> -> memref<128xi32, #tpu.memory_space<vmem>>
      %dma_start3A_63 = arith.constant 0 : i32
      %dma_start3A_64 = arith.constant 0 : i32
      %dma_start3A_65 = tpu.memref_slice %arg2[%dma_start3A_63, %dma_start3A_64] : memref<20480x64xf32, #tpu.memory_space<hbm>> -> memref<20480x64xf32, #tpu.memory_space<hbm>>
      tpu.enqueue_indirect_dma source(%dma_start3A_65 : memref<20480x64xf32, #tpu.memory_space<hbm>>) target(%arg15 : memref<128x64xf32, #tpu.memory_space<vmem>>) offsets(%dma_start3A_62 : memref<128xi32, #tpu.memory_space<vmem>>) semaphore(%arg18 : memref<!tpu.dma_semaphore, #tpu.memory_space<semaphore_mem>>)
      %dma_wait3A = arith.constant 0 : i32
      %dma_wait3A_66 = tpu.memref_slice %arg12[%mul3A_58, %dma_wait3A] : memref<158x128xi32, #tpu.memory_space<vmem>> -> memref<1x128xi32, #tpu.memory_space<vmem>>
      %dma_wait3A_67 = tpu.memref_squeeze %dma_wait3A_66 : memref<1x128xi32, #tpu.memory_space<vmem>> -> memref<128xi32, #tpu.memory_space<vmem>>
      %dma_wait3A_68 = arith.constant 0 : i32
      %dma_wait3A_69 = arith.constant 0 : i32
      %dma_wait3A_70 = tpu.memref_slice %arg2[%dma_wait3A_68, %dma_wait3A_69] : memref<20480x64xf32, #tpu.memory_space<hbm>> -> memref<20480x64xf32, #tpu.memory_space<hbm>>
      tpu.wait_indirect_dma semaphore(%arg17 : memref<!tpu.dma_semaphore, #tpu.memory_space<semaphore_mem>>) src(%dma_wait3A_70 : memref<20480x64xf32, #tpu.memory_space<hbm>>) dst(%arg14 : memref<128x64xf32, #tpu.memory_space<vmem>>)
      "tpu.region"() ({
        %run_scoped3A = tpu.sem_alloc : memref<!tpu.dma_semaphore, #tpu.memory_space<semaphore_mem>>
        %dma_start3A_85 = arith.constant 0 : i32
        %dma_start3A_86 = tpu.memref_slice %arg13[%mul3A_58, %dma_start3A_85] : memref<158x128xi32, #tpu.memory_space<vmem>> -> memref<1x128xi32, #tpu.memory_space<vmem>>
        %dma_start3A_87 = tpu.memref_squeeze %dma_start3A_86 : memref<1x128xi32, #tpu.memory_space<vmem>> -> memref<128xi32, #tpu.memory_space<vmem>>
        %dma_start3A_88 = arith.constant 0 : i32
        %dma_start3A_89 = arith.constant 0 : i32
        %dma_start3A_90 = tpu.memref_slice %arg16[%dma_start3A_88, %dma_start3A_89] : memref<10240x64xf32, #tpu.memory_space<vmem_shared>> -> memref<10240x64xf32, #tpu.memory_space<vmem_shared>>
        tpu.enqueue_indirect_dma source(%arg14 : memref<128x64xf32, #tpu.memory_space<vmem>>) target(%dma_start3A_90 : memref<10240x64xf32, #tpu.memory_space<vmem_shared>>) offsets(%dma_start3A_87 : memref<128xi32, #tpu.memory_space<vmem>>) semaphore(%run_scoped3A : memref<!tpu.dma_semaphore, #tpu.memory_space<semaphore_mem>>) {add = true}
        %dma_wait3A_91 = arith.constant 0 : i32
        %dma_wait3A_92 = tpu.memref_slice %arg13[%mul3A_58, %dma_wait3A_91] : memref<158x128xi32, #tpu.memory_space<vmem>> -> memref<1x128xi32, #tpu.memory_space<vmem>>
        %dma_wait3A_93 = tpu.memref_squeeze %dma_wait3A_92 : memref<1x128xi32, #tpu.memory_space<vmem>> -> memref<128xi32, #tpu.memory_space<vmem>>
        %dma_wait3A_94 = arith.constant 0 : i32
        %dma_wait3A_95 = arith.constant 0 : i32
        %dma_wait3A_96 = tpu.memref_slice %arg16[%dma_wait3A_94, %dma_wait3A_95] : memref<10240x64xf32, #tpu.memory_space<vmem_shared>> -> memref<10240x64xf32, #tpu.memory_space<vmem_shared>>
        tpu.wait_indirect_dma semaphore(%run_scoped3A : memref<!tpu.dma_semaphore, #tpu.memory_space<semaphore_mem>>) src(%arg14 : memref<128x64xf32, #tpu.memory_space<vmem>>) dst(%dma_wait3A_96 : memref<10240x64xf32, #tpu.memory_space<vmem_shared>>)
        tpu.yield
      }) : () -> ()
      %lt3A = arith.constant 78 : i32
      %lt3A_71 = arith.cmpi slt, %scan3A_56, %lt3A : i32
      %convert_element_type3A_72 = arith.extui %lt3A_71 : i1 to i32
      %cond3A_73 = arith.constant 0 : i32
      %cond3A_74 = arith.cmpi ne, %convert_element_type3A_72, %cond3A_73 : i32
      scf.if %cond3A_74 {
        %add3A_85 = arith.constant 2 : i32
        %add3A_86 = arith.addi %mul3A_58, %add3A_85 : i32
        %dma_start3A_87 = arith.constant 0 : i32
        %dma_start3A_88 = tpu.memref_slice %arg12[%add3A_86, %dma_start3A_87] : memref<158x128xi32, #tpu.memory_space<vmem>> -> memref<1x128xi32, #tpu.memory_space<vmem>>
        %dma_start3A_89 = tpu.memref_squeeze %dma_start3A_88 : memref<1x128xi32, #tpu.memory_space<vmem>> -> memref<128xi32, #tpu.memory_space<vmem>>
        %dma_start3A_90 = arith.constant 0 : i32
        %dma_start3A_91 = arith.constant 0 : i32
        %dma_start3A_92 = tpu.memref_slice %arg2[%dma_start3A_90, %dma_start3A_91] : memref<20480x64xf32, #tpu.memory_space<hbm>> -> memref<20480x64xf32, #tpu.memory_space<hbm>>
        tpu.enqueue_indirect_dma source(%dma_start3A_92 : memref<20480x64xf32, #tpu.memory_space<hbm>>) target(%arg14 : memref<128x64xf32, #tpu.memory_space<vmem>>) offsets(%dma_start3A_89 : memref<128xi32, #tpu.memory_space<vmem>>) semaphore(%arg17 : memref<!tpu.dma_semaphore, #tpu.memory_space<semaphore_mem>>)
      } else {
      }
      %add3A_75 = arith.constant 1 : i32
      %add3A_76 = arith.addi %mul3A_58, %add3A_75 : i32
      %dma_wait3A_77 = arith.constant 0 : i32
      %dma_wait3A_78 = tpu.memref_slice %arg12[%add3A_76, %dma_wait3A_77] : memref<158x128xi32, #tpu.memory_space<vmem>> -> memref<1x128xi32, #tpu.memory_space<vmem>>
      %dma_wait3A_79 = tpu.memref_squeeze %dma_wait3A_78 : memref<1x128xi32, #tpu.memory_space<vmem>> -> memref<128xi32, #tpu.memory_space<vmem>>
      %dma_wait3A_80 = arith.constant 0 : i32
      %dma_wait3A_81 = arith.constant 0 : i32
      %dma_wait3A_82 = tpu.memref_slice %arg2[%dma_wait3A_80, %dma_wait3A_81] : memref<20480x64xf32, #tpu.memory_space<hbm>> -> memref<20480x64xf32, #tpu.memory_space<hbm>>
      tpu.wait_indirect_dma semaphore(%arg18 : memref<!tpu.dma_semaphore, #tpu.memory_space<semaphore_mem>>) src(%dma_wait3A_82 : memref<20480x64xf32, #tpu.memory_space<hbm>>) dst(%arg15 : memref<128x64xf32, #tpu.memory_space<vmem>>)
      %add3A_83 = arith.constant 1 : i32
      %add3A_84 = arith.addi %mul3A_58, %add3A_83 : i32
      "tpu.region"() ({
        %run_scoped3A = tpu.sem_alloc : memref<!tpu.dma_semaphore, #tpu.memory_space<semaphore_mem>>
        %dma_start3A_85 = arith.constant 0 : i32
        %dma_start3A_86 = tpu.memref_slice %arg13[%add3A_84, %dma_start3A_85] : memref<158x128xi32, #tpu.memory_space<vmem>> -> memref<1x128xi32, #tpu.memory_space<vmem>>
        %dma_start3A_87 = tpu.memref_squeeze %dma_start3A_86 : memref<1x128xi32, #tpu.memory_space<vmem>> -> memref<128xi32, #tpu.memory_space<vmem>>
        %dma_start3A_88 = arith.constant 0 : i32
        %dma_start3A_89 = arith.constant 0 : i32
        %dma_start3A_90 = tpu.memref_slice %arg16[%dma_start3A_88, %dma_start3A_89] : memref<10240x64xf32, #tpu.memory_space<vmem_shared>> -> memref<10240x64xf32, #tpu.memory_space<vmem_shared>>
        tpu.enqueue_indirect_dma source(%arg15 : memref<128x64xf32, #tpu.memory_space<vmem>>) target(%dma_start3A_90 : memref<10240x64xf32, #tpu.memory_space<vmem_shared>>) offsets(%dma_start3A_87 : memref<128xi32, #tpu.memory_space<vmem>>) semaphore(%run_scoped3A : memref<!tpu.dma_semaphore, #tpu.memory_space<semaphore_mem>>) {add = true}
        %dma_wait3A_91 = arith.constant 0 : i32
        %dma_wait3A_92 = tpu.memref_slice %arg13[%add3A_84, %dma_wait3A_91] : memref<158x128xi32, #tpu.memory_space<vmem>> -> memref<1x128xi32, #tpu.memory_space<vmem>>
        %dma_wait3A_93 = tpu.memref_squeeze %dma_wait3A_92 : memref<1x128xi32, #tpu.memory_space<vmem>> -> memref<128xi32, #tpu.memory_space<vmem>>
        %dma_wait3A_94 = arith.constant 0 : i32
        %dma_wait3A_95 = arith.constant 0 : i32
        %dma_wait3A_96 = tpu.memref_slice %arg16[%dma_wait3A_94, %dma_wait3A_95] : memref<10240x64xf32, #tpu.memory_space<vmem_shared>> -> memref<10240x64xf32, #tpu.memory_space<vmem_shared>>
        tpu.wait_indirect_dma semaphore(%run_scoped3A : memref<!tpu.dma_semaphore, #tpu.memory_space<semaphore_mem>>) src(%arg15 : memref<128x64xf32, #tpu.memory_space<vmem>>) dst(%dma_wait3A_96 : memref<10240x64xf32, #tpu.memory_space<vmem_shared>>)
        tpu.yield
      }) : () -> ()
    }
    %scan3A_18 = arith.constant 79 : i32
    %barrier3A_19 = arith.constant 0 : index
    tpu.barrier barrier_id(%barrier3A_19)
    %eq3A_20 = arith.constant 0 : i32
    %eq3A_21 = arith.cmpi eq, %arg0, %eq3A_20 : i32
    %convert_element_type3A_22 = arith.extui %eq3A_21 : i1 to i32
    %cond3A_23 = arith.constant 0 : i32
    %cond3A_24 = arith.cmpi ne, %convert_element_type3A_22, %cond3A_23 : i32
    scf.if %cond3A_24 {
      "tpu.region"() ({
        %run_scoped3A = tpu.sem_alloc : memref<!tpu.dma_semaphore, #tpu.memory_space<semaphore_mem>>
        %dma_start3A_56 = arith.constant 0 : i32
        %dma_start3A_57 = tpu.memref_slice %arg8[%mul3A_0, %dma_start3A_56] : memref<10240x64xf32, #tpu.memory_space<hbm>> -> memref<640x64xf32, #tpu.memory_space<hbm>>
        %dma_start3A_58 = arith.constant 0 : i32
        %dma_start3A_59 = tpu.memref_slice %arg16[%mul3A_0, %dma_start3A_58] : memref<10240x64xf32, #tpu.memory_space<vmem_shared>> -> memref<640x64xf32, #tpu.memory_space<vmem_shared>>
        tpu.enqueue_dma source(%dma_start3A_59 : memref<640x64xf32, #tpu.memory_space<vmem_shared>>) target(%dma_start3A_57 : memref<640x64xf32, #tpu.memory_space<hbm>>) target_semaphore(%run_scoped3A : memref<!tpu.dma_semaphore, #tpu.memory_space<semaphore_mem>>)
        %dma_wait3A = arith.constant 0 : i32
        %dma_wait3A_60 = tpu.memref_slice %arg8[%mul3A_0, %dma_wait3A] : memref<10240x64xf32, #tpu.memory_space<hbm>> -> memref<640x64xf32, #tpu.memory_space<hbm>>
        %dma_wait3A_61 = arith.constant 0 : i32
        %dma_wait3A_62 = tpu.memref_slice %arg16[%mul3A_0, %dma_wait3A_61] : memref<10240x64xf32, #tpu.memory_space<vmem_shared>> -> memref<640x64xf32, #tpu.memory_space<vmem_shared>>
        tpu.wait_dma2 semaphore(%run_scoped3A : memref<!tpu.dma_semaphore, #tpu.memory_space<semaphore_mem>>) src(%dma_wait3A_62 : memref<640x64xf32, #tpu.memory_space<vmem_shared>>) dst(%dma_wait3A_60 : memref<640x64xf32, #tpu.memory_space<hbm>>)
        tpu.yield
      }) : () -> ()
    } else {
    }
    %eq3A_25 = arith.constant 1 : i32
    %eq3A_26 = arith.cmpi eq, %arg0, %eq3A_25 : i32
    %convert_element_type3A_27 = arith.extui %eq3A_26 : i1 to i32
    %cond3A_28 = arith.constant 0 : i32
    %cond3A_29 = arith.cmpi ne, %convert_element_type3A_27, %cond3A_28 : i32
    scf.if %cond3A_29 {
      "tpu.region"() ({
        %run_scoped3A = tpu.sem_alloc : memref<!tpu.dma_semaphore, #tpu.memory_space<semaphore_mem>>
        %dma_start3A_56 = arith.constant 0 : i32
        %dma_start3A_57 = tpu.memref_slice %arg9[%mul3A_0, %dma_start3A_56] : memref<10240x64xf32, #tpu.memory_space<hbm>> -> memref<640x64xf32, #tpu.memory_space<hbm>>
        %dma_start3A_58 = arith.constant 0 : i32
        %dma_start3A_59 = tpu.memref_slice %arg16[%mul3A_0, %dma_start3A_58] : memref<10240x64xf32, #tpu.memory_space<vmem_shared>> -> memref<640x64xf32, #tpu.memory_space<vmem_shared>>
        tpu.enqueue_dma source(%dma_start3A_59 : memref<640x64xf32, #tpu.memory_space<vmem_shared>>) target(%dma_start3A_57 : memref<640x64xf32, #tpu.memory_space<hbm>>) target_semaphore(%run_scoped3A : memref<!tpu.dma_semaphore, #tpu.memory_space<semaphore_mem>>)
        %dma_wait3A = arith.constant 0 : i32
        %dma_wait3A_60 = tpu.memref_slice %arg9[%mul3A_0, %dma_wait3A] : memref<10240x64xf32, #tpu.memory_space<hbm>> -> memref<640x64xf32, #tpu.memory_space<hbm>>
        %dma_wait3A_61 = arith.constant 0 : i32
        %dma_wait3A_62 = tpu.memref_slice %arg16[%mul3A_0, %dma_wait3A_61] : memref<10240x64xf32, #tpu.memory_space<vmem_shared>> -> memref<640x64xf32, #tpu.memory_space<vmem_shared>>
        tpu.wait_dma2 semaphore(%run_scoped3A : memref<!tpu.dma_semaphore, #tpu.memory_space<semaphore_mem>>) src(%dma_wait3A_62 : memref<640x64xf32, #tpu.memory_space<vmem_shared>>) dst(%dma_wait3A_60 : memref<640x64xf32, #tpu.memory_space<hbm>>)
        tpu.yield
      }) : () -> ()
    } else {
    }
    %barrier3A_30 = arith.constant 0 : index
    tpu.barrier barrier_id(%barrier3A_30)
    "tpu.region"() ({
      %run_scoped3A = tpu.sem_alloc : memref<!tpu.dma_semaphore, #tpu.memory_space<semaphore_mem>>
      %dma_start3A_56 = arith.constant 0 : i32
      %dma_start3A_57 = tpu.memref_slice %arg16[%mul3A_0, %dma_start3A_56] : memref<10240x64xf32, #tpu.memory_space<vmem_shared>> -> memref<640x64xf32, #tpu.memory_space<vmem_shared>>
      %dma_start3A_58 = arith.constant 0 : i32
      %dma_start3A_59 = tpu.memref_slice %arg7[%mul3A_0, %dma_start3A_58] : memref<10240x64xf32, #tpu.memory_space<hbm>> -> memref<640x64xf32, #tpu.memory_space<hbm>>
      tpu.enqueue_dma source(%dma_start3A_59 : memref<640x64xf32, #tpu.memory_space<hbm>>) target(%dma_start3A_57 : memref<640x64xf32, #tpu.memory_space<vmem_shared>>) target_semaphore(%run_scoped3A : memref<!tpu.dma_semaphore, #tpu.memory_space<semaphore_mem>>)
      %dma_wait3A = arith.constant 0 : i32
      %dma_wait3A_60 = tpu.memref_slice %arg16[%mul3A_0, %dma_wait3A] : memref<10240x64xf32, #tpu.memory_space<vmem_shared>> -> memref<640x64xf32, #tpu.memory_space<vmem_shared>>
      %dma_wait3A_61 = arith.constant 0 : i32
      %dma_wait3A_62 = tpu.memref_slice %arg7[%mul3A_0, %dma_wait3A_61] : memref<10240x64xf32, #tpu.memory_space<hbm>> -> memref<640x64xf32, #tpu.memory_space<hbm>>
      tpu.wait_dma2 semaphore(%run_scoped3A : memref<!tpu.dma_semaphore, #tpu.memory_space<semaphore_mem>>) src(%dma_wait3A_62 : memref<640x64xf32, #tpu.memory_space<hbm>>) dst(%dma_wait3A_60 : memref<640x64xf32, #tpu.memory_space<vmem_shared>>)
      tpu.yield
    }) : () -> ()
    %barrier3A_31 = arith.constant 0 : index
    tpu.barrier barrier_id(%barrier3A_31)
    %dma_start3A_32 = arith.constant 0 : i32
    %dma_start3A_33 = arith.constant 0 : i32
    %dma_start3A_34 = tpu.memref_slice %arg12[%dma_start3A_32, %dma_start3A_33] : memref<158x128xi32, #tpu.memory_space<vmem>> -> memref<1x128xi32, #tpu.memory_space<vmem>>
    %dma_start3A_35 = tpu.memref_squeeze %dma_start3A_34 : memref<1x128xi32, #tpu.memory_space<vmem>> -> memref<128xi32, #tpu.memory_space<vmem>>
    %dma_start3A_36 = arith.constant 0 : i32
    %dma_start3A_37 = arith.constant 0 : i32
    %dma_start3A_38 = tpu.memref_slice %arg3[%dma_start3A_36, %dma_start3A_37] : memref<20480x64xf32, #tpu.memory_space<hbm>> -> memref<20480x64xf32, #tpu.memory_space<hbm>>
    tpu.enqueue_indirect_dma source(%dma_start3A_38 : memref<20480x64xf32, #tpu.memory_space<hbm>>) target(%arg14 : memref<128x64xf32, #tpu.memory_space<vmem>>) offsets(%dma_start3A_35 : memref<128xi32, #tpu.memory_space<vmem>>) semaphore(%arg17 : memref<!tpu.dma_semaphore, #tpu.memory_space<semaphore_mem>>)
    %scan3A_39 = arith.constant 0 : i32
    %scan3A_40 = arith.constant 0 : i32
    %scan3A_41 = arith.constant 79 : i32
    %scan3A_42 = arith.addi %scan3A_40, %scan3A_41 : i32
    %scan3A_43 = arith.constant 1 : i32
    scf.for %scan3A_56 = %scan3A_40 to %scan3A_42 step %scan3A_43  : i32 {
      %mul3A_57 = arith.constant 2 : i32
      %mul3A_58 = arith.muli %mul3A_57, %scan3A_56 : i32
      %add3A = arith.constant 1 : i32
      %add3A_59 = arith.addi %mul3A_58, %add3A : i32
      %dma_start3A_60 = arith.constant 0 : i32
      %dma_start3A_61 = tpu.memref_slice %arg12[%add3A_59, %dma_start3A_60] : memref<158x128xi32, #tpu.memory_space<vmem>> -> memref<1x128xi32, #tpu.memory_space<vmem>>
      %dma_start3A_62 = tpu.memref_squeeze %dma_start3A_61 : memref<1x128xi32, #tpu.memory_space<vmem>> -> memref<128xi32, #tpu.memory_space<vmem>>
      %dma_start3A_63 = arith.constant 0 : i32
      %dma_start3A_64 = arith.constant 0 : i32
      %dma_start3A_65 = tpu.memref_slice %arg3[%dma_start3A_63, %dma_start3A_64] : memref<20480x64xf32, #tpu.memory_space<hbm>> -> memref<20480x64xf32, #tpu.memory_space<hbm>>
      tpu.enqueue_indirect_dma source(%dma_start3A_65 : memref<20480x64xf32, #tpu.memory_space<hbm>>) target(%arg15 : memref<128x64xf32, #tpu.memory_space<vmem>>) offsets(%dma_start3A_62 : memref<128xi32, #tpu.memory_space<vmem>>) semaphore(%arg18 : memref<!tpu.dma_semaphore, #tpu.memory_space<semaphore_mem>>)
      %dma_wait3A = arith.constant 0 : i32
      %dma_wait3A_66 = tpu.memref_slice %arg12[%mul3A_58, %dma_wait3A] : memref<158x128xi32, #tpu.memory_space<vmem>> -> memref<1x128xi32, #tpu.memory_space<vmem>>
      %dma_wait3A_67 = tpu.memref_squeeze %dma_wait3A_66 : memref<1x128xi32, #tpu.memory_space<vmem>> -> memref<128xi32, #tpu.memory_space<vmem>>
      %dma_wait3A_68 = arith.constant 0 : i32
      %dma_wait3A_69 = arith.constant 0 : i32
      %dma_wait3A_70 = tpu.memref_slice %arg3[%dma_wait3A_68, %dma_wait3A_69] : memref<20480x64xf32, #tpu.memory_space<hbm>> -> memref<20480x64xf32, #tpu.memory_space<hbm>>
      tpu.wait_indirect_dma semaphore(%arg17 : memref<!tpu.dma_semaphore, #tpu.memory_space<semaphore_mem>>) src(%dma_wait3A_70 : memref<20480x64xf32, #tpu.memory_space<hbm>>) dst(%arg14 : memref<128x64xf32, #tpu.memory_space<vmem>>)
      "tpu.region"() ({
        %run_scoped3A = tpu.sem_alloc : memref<!tpu.dma_semaphore, #tpu.memory_space<semaphore_mem>>
        %dma_start3A_85 = arith.constant 0 : i32
        %dma_start3A_86 = tpu.memref_slice %arg13[%mul3A_58, %dma_start3A_85] : memref<158x128xi32, #tpu.memory_space<vmem>> -> memref<1x128xi32, #tpu.memory_space<vmem>>
        %dma_start3A_87 = tpu.memref_squeeze %dma_start3A_86 : memref<1x128xi32, #tpu.memory_space<vmem>> -> memref<128xi32, #tpu.memory_space<vmem>>
        %dma_start3A_88 = arith.constant 0 : i32
        %dma_start3A_89 = arith.constant 0 : i32
        %dma_start3A_90 = tpu.memref_slice %arg16[%dma_start3A_88, %dma_start3A_89] : memref<10240x64xf32, #tpu.memory_space<vmem_shared>> -> memref<10240x64xf32, #tpu.memory_space<vmem_shared>>
        tpu.enqueue_indirect_dma source(%arg14 : memref<128x64xf32, #tpu.memory_space<vmem>>) target(%dma_start3A_90 : memref<10240x64xf32, #tpu.memory_space<vmem_shared>>) offsets(%dma_start3A_87 : memref<128xi32, #tpu.memory_space<vmem>>) semaphore(%run_scoped3A : memref<!tpu.dma_semaphore, #tpu.memory_space<semaphore_mem>>) {add = true}
        %dma_wait3A_91 = arith.constant 0 : i32
        %dma_wait3A_92 = tpu.memref_slice %arg13[%mul3A_58, %dma_wait3A_91] : memref<158x128xi32, #tpu.memory_space<vmem>> -> memref<1x128xi32, #tpu.memory_space<vmem>>
        %dma_wait3A_93 = tpu.memref_squeeze %dma_wait3A_92 : memref<1x128xi32, #tpu.memory_space<vmem>> -> memref<128xi32, #tpu.memory_space<vmem>>
        %dma_wait3A_94 = arith.constant 0 : i32
        %dma_wait3A_95 = arith.constant 0 : i32
        %dma_wait3A_96 = tpu.memref_slice %arg16[%dma_wait3A_94, %dma_wait3A_95] : memref<10240x64xf32, #tpu.memory_space<vmem_shared>> -> memref<10240x64xf32, #tpu.memory_space<vmem_shared>>
        tpu.wait_indirect_dma semaphore(%run_scoped3A : memref<!tpu.dma_semaphore, #tpu.memory_space<semaphore_mem>>) src(%arg14 : memref<128x64xf32, #tpu.memory_space<vmem>>) dst(%dma_wait3A_96 : memref<10240x64xf32, #tpu.memory_space<vmem_shared>>)
        tpu.yield
      }) : () -> ()
      %lt3A = arith.constant 78 : i32
      %lt3A_71 = arith.cmpi slt, %scan3A_56, %lt3A : i32
      %convert_element_type3A_72 = arith.extui %lt3A_71 : i1 to i32
      %cond3A_73 = arith.constant 0 : i32
      %cond3A_74 = arith.cmpi ne, %convert_element_type3A_72, %cond3A_73 : i32
      scf.if %cond3A_74 {
        %add3A_85 = arith.constant 2 : i32
        %add3A_86 = arith.addi %mul3A_58, %add3A_85 : i32
        %dma_start3A_87 = arith.constant 0 : i32
        %dma_start3A_88 = tpu.memref_slice %arg12[%add3A_86, %dma_start3A_87] : memref<158x128xi32, #tpu.memory_space<vmem>> -> memref<1x128xi32, #tpu.memory_space<vmem>>
        %dma_start3A_89 = tpu.memref_squeeze %dma_start3A_88 : memref<1x128xi32, #tpu.memory_space<vmem>> -> memref<128xi32, #tpu.memory_space<vmem>>
        %dma_start3A_90 = arith.constant 0 : i32
        %dma_start3A_91 = arith.constant 0 : i32
        %dma_start3A_92 = tpu.memref_slice %arg3[%dma_start3A_90, %dma_start3A_91] : memref<20480x64xf32, #tpu.memory_space<hbm>> -> memref<20480x64xf32, #tpu.memory_space<hbm>>
        tpu.enqueue_indirect_dma source(%dma_start3A_92 : memref<20480x64xf32, #tpu.memory_space<hbm>>) target(%arg14 : memref<128x64xf32, #tpu.memory_space<vmem>>) offsets(%dma_start3A_89 : memref<128xi32, #tpu.memory_space<vmem>>) semaphore(%arg17 : memref<!tpu.dma_semaphore, #tpu.memory_space<semaphore_mem>>)
      } else {
      }
      %add3A_75 = arith.constant 1 : i32
      %add3A_76 = arith.addi %mul3A_58, %add3A_75 : i32
      %dma_wait3A_77 = arith.constant 0 : i32
      %dma_wait3A_78 = tpu.memref_slice %arg12[%add3A_76, %dma_wait3A_77] : memref<158x128xi32, #tpu.memory_space<vmem>> -> memref<1x128xi32, #tpu.memory_space<vmem>>
      %dma_wait3A_79 = tpu.memref_squeeze %dma_wait3A_78 : memref<1x128xi32, #tpu.memory_space<vmem>> -> memref<128xi32, #tpu.memory_space<vmem>>
      %dma_wait3A_80 = arith.constant 0 : i32
      %dma_wait3A_81 = arith.constant 0 : i32
      %dma_wait3A_82 = tpu.memref_slice %arg3[%dma_wait3A_80, %dma_wait3A_81] : memref<20480x64xf32, #tpu.memory_space<hbm>> -> memref<20480x64xf32, #tpu.memory_space<hbm>>
      tpu.wait_indirect_dma semaphore(%arg18 : memref<!tpu.dma_semaphore, #tpu.memory_space<semaphore_mem>>) src(%dma_wait3A_82 : memref<20480x64xf32, #tpu.memory_space<hbm>>) dst(%arg15 : memref<128x64xf32, #tpu.memory_space<vmem>>)
      %add3A_83 = arith.constant 1 : i32
      %add3A_84 = arith.addi %mul3A_58, %add3A_83 : i32
      "tpu.region"() ({
        %run_scoped3A = tpu.sem_alloc : memref<!tpu.dma_semaphore, #tpu.memory_space<semaphore_mem>>
        %dma_start3A_85 = arith.constant 0 : i32
        %dma_start3A_86 = tpu.memref_slice %arg13[%add3A_84, %dma_start3A_85] : memref<158x128xi32, #tpu.memory_space<vmem>> -> memref<1x128xi32, #tpu.memory_space<vmem>>
        %dma_start3A_87 = tpu.memref_squeeze %dma_start3A_86 : memref<1x128xi32, #tpu.memory_space<vmem>> -> memref<128xi32, #tpu.memory_space<vmem>>
        %dma_start3A_88 = arith.constant 0 : i32
        %dma_start3A_89 = arith.constant 0 : i32
        %dma_start3A_90 = tpu.memref_slice %arg16[%dma_start3A_88, %dma_start3A_89] : memref<10240x64xf32, #tpu.memory_space<vmem_shared>> -> memref<10240x64xf32, #tpu.memory_space<vmem_shared>>
        tpu.enqueue_indirect_dma source(%arg15 : memref<128x64xf32, #tpu.memory_space<vmem>>) target(%dma_start3A_90 : memref<10240x64xf32, #tpu.memory_space<vmem_shared>>) offsets(%dma_start3A_87 : memref<128xi32, #tpu.memory_space<vmem>>) semaphore(%run_scoped3A : memref<!tpu.dma_semaphore, #tpu.memory_space<semaphore_mem>>) {add = true}
        %dma_wait3A_91 = arith.constant 0 : i32
        %dma_wait3A_92 = tpu.memref_slice %arg13[%add3A_84, %dma_wait3A_91] : memref<158x128xi32, #tpu.memory_space<vmem>> -> memref<1x128xi32, #tpu.memory_space<vmem>>
        %dma_wait3A_93 = tpu.memref_squeeze %dma_wait3A_92 : memref<1x128xi32, #tpu.memory_space<vmem>> -> memref<128xi32, #tpu.memory_space<vmem>>
        %dma_wait3A_94 = arith.constant 0 : i32
        %dma_wait3A_95 = arith.constant 0 : i32
        %dma_wait3A_96 = tpu.memref_slice %arg16[%dma_wait3A_94, %dma_wait3A_95] : memref<10240x64xf32, #tpu.memory_space<vmem_shared>> -> memref<10240x64xf32, #tpu.memory_space<vmem_shared>>
        tpu.wait_indirect_dma semaphore(%run_scoped3A : memref<!tpu.dma_semaphore, #tpu.memory_space<semaphore_mem>>) src(%arg15 : memref<128x64xf32, #tpu.memory_space<vmem>>) dst(%dma_wait3A_96 : memref<10240x64xf32, #tpu.memory_space<vmem_shared>>)
        tpu.yield
      }) : () -> ()
    }
    %scan3A_44 = arith.constant 79 : i32
    %barrier3A_45 = arith.constant 0 : index
    tpu.barrier barrier_id(%barrier3A_45)
    %eq3A_46 = arith.constant 0 : i32
    %eq3A_47 = arith.cmpi eq, %arg0, %eq3A_46 : i32
    %convert_element_type3A_48 = arith.extui %eq3A_47 : i1 to i32
    %cond3A_49 = arith.constant 0 : i32
    %cond3A_50 = arith.cmpi ne, %convert_element_type3A_48, %cond3A_49 : i32
    scf.if %cond3A_50 {
      "tpu.region"() ({
        %run_scoped3A = tpu.sem_alloc : memref<!tpu.dma_semaphore, #tpu.memory_space<semaphore_mem>>
        %dma_start3A_56 = arith.constant 0 : i32
        %dma_start3A_57 = tpu.memref_slice %arg10[%mul3A_0, %dma_start3A_56] : memref<10240x64xf32, #tpu.memory_space<hbm>> -> memref<640x64xf32, #tpu.memory_space<hbm>>
        %dma_start3A_58 = arith.constant 0 : i32
        %dma_start3A_59 = tpu.memref_slice %arg16[%mul3A_0, %dma_start3A_58] : memref<10240x64xf32, #tpu.memory_space<vmem_shared>> -> memref<640x64xf32, #tpu.memory_space<vmem_shared>>
        tpu.enqueue_dma source(%dma_start3A_59 : memref<640x64xf32, #tpu.memory_space<vmem_shared>>) target(%dma_start3A_57 : memref<640x64xf32, #tpu.memory_space<hbm>>) target_semaphore(%run_scoped3A : memref<!tpu.dma_semaphore, #tpu.memory_space<semaphore_mem>>)
        %dma_wait3A = arith.constant 0 : i32
        %dma_wait3A_60 = tpu.memref_slice %arg10[%mul3A_0, %dma_wait3A] : memref<10240x64xf32, #tpu.memory_space<hbm>> -> memref<640x64xf32, #tpu.memory_space<hbm>>
        %dma_wait3A_61 = arith.constant 0 : i32
        %dma_wait3A_62 = tpu.memref_slice %arg16[%mul3A_0, %dma_wait3A_61] : memref<10240x64xf32, #tpu.memory_space<vmem_shared>> -> memref<640x64xf32, #tpu.memory_space<vmem_shared>>
        tpu.wait_dma2 semaphore(%run_scoped3A : memref<!tpu.dma_semaphore, #tpu.memory_space<semaphore_mem>>) src(%dma_wait3A_62 : memref<640x64xf32, #tpu.memory_space<vmem_shared>>) dst(%dma_wait3A_60 : memref<640x64xf32, #tpu.memory_space<hbm>>)
        tpu.yield
      }) : () -> ()
    } else {
    }
    %eq3A_51 = arith.constant 1 : i32
    %eq3A_52 = arith.cmpi eq, %arg0, %eq3A_51 : i32
    %convert_element_type3A_53 = arith.extui %eq3A_52 : i1 to i32
    %cond3A_54 = arith.constant 0 : i32
    %cond3A_55 = arith.cmpi ne, %convert_element_type3A_53, %cond3A_54 : i32
    scf.if %cond3A_55 {
      "tpu.region"() ({
        %run_scoped3A = tpu.sem_alloc : memref<!tpu.dma_semaphore, #tpu.memory_space<semaphore_mem>>
        %dma_start3A_56 = arith.constant 0 : i32
        %dma_start3A_57 = tpu.memref_slice %arg11[%mul3A_0, %dma_start3A_56] : memref<10240x64xf32, #tpu.memory_space<hbm>> -> memref<640x64xf32, #tpu.memory_space<hbm>>
        %dma_start3A_58 = arith.constant 0 : i32
        %dma_start3A_59 = tpu.memref_slice %arg16[%mul3A_0, %dma_start3A_58] : memref<10240x64xf32, #tpu.memory_space<vmem_shared>> -> memref<640x64xf32, #tpu.memory_space<vmem_shared>>
        tpu.enqueue_dma source(%dma_start3A_59 : memref<640x64xf32, #tpu.memory_space<vmem_shared>>) target(%dma_start3A_57 : memref<640x64xf32, #tpu.memory_space<hbm>>) target_semaphore(%run_scoped3A : memref<!tpu.dma_semaphore, #tpu.memory_space<semaphore_mem>>)
        %dma_wait3A = arith.constant 0 : i32
        %dma_wait3A_60 = tpu.memref_slice %arg11[%mul3A_0, %dma_wait3A] : memref<10240x64xf32, #tpu.memory_space<hbm>> -> memref<640x64xf32, #tpu.memory_space<hbm>>
        %dma_wait3A_61 = arith.constant 0 : i32
        %dma_wait3A_62 = tpu.memref_slice %arg16[%mul3A_0, %dma_wait3A_61] : memref<10240x64xf32, #tpu.memory_space<vmem_shared>> -> memref<640x64xf32, #tpu.memory_space<vmem_shared>>
        tpu.wait_dma2 semaphore(%run_scoped3A : memref<!tpu.dma_semaphore, #tpu.memory_space<semaphore_mem>>) src(%dma_wait3A_62 : memref<640x64xf32, #tpu.memory_space<vmem_shared>>) dst(%dma_wait3A_60 : memref<640x64xf32, #tpu.memory_space<hbm>>)
        tpu.yield
      }) : () -> ()
    } else {
    }
    return
  }
}

module attributes {stable_mosaic.version = 14 : i64} {
  func.func @body(%arg0: i32, %arg1: memref<1024x128xf32, #tpu.memory_space<vmem>>, %arg2: memref<1024x64xf32, #tpu.memory_space<vmem>>, %arg3: memref<1024x64xf32, #tpu.memory_space<vmem>>, %arg4: memref<1024x8xf32, #tpu.memory_space<vmem>>, %arg5: memref<3x128x128xf32, #tpu.memory_space<vmem>>, %arg6: memref<3x128x128xf32, #tpu.memory_space<vmem>>, %arg7: memref<3x128x128xf32, #tpu.memory_space<vmem>>, %arg8: memref<8x128xf32, #tpu.memory_space<vmem>>, %arg9: memref<8x128xf32, #tpu.memory_space<vmem>>, %arg10: memref<1024x128xf32, #tpu.memory_space<vmem>>, %arg11: memref<1024x128xf32, #tpu.memory_space<vmem>>, %arg12: memref<1024x128xf32, #tpu.memory_space<vmem>>, %arg13: memref<1024x128xf32, #tpu.memory_space<vmem>>) attributes {dimension_semantics = [#tpu.dimension_semantics<arbitrary>], iteration_bounds = array<i64: 10>, scalar_prefetch = 0 : i64, scratch_operands = 0 : i64, tpu.core_type = #tpu.core_type<tc>, window_params = [{transform_indices = @transform_0, window_bounds = array<i64: 1024, 128>}, {transform_indices = @transform_1, window_bounds = array<i64: 1024, 64>}, {transform_indices = @transform_2, window_bounds = array<i64: 1024, 64>}, {transform_indices = @transform_3, window_bounds = array<i64: 1024, 8>}, {pipeline_mode = #tpu.pipeline_mode<synchronous>, transform_indices = @transform_4, window_bounds = array<i64: 3, 128, 128>}, {pipeline_mode = #tpu.pipeline_mode<synchronous>, transform_indices = @transform_5, window_bounds = array<i64: 3, 128, 128>}, {pipeline_mode = #tpu.pipeline_mode<synchronous>, transform_indices = @transform_6, window_bounds = array<i64: 3, 128, 128>}, {pipeline_mode = #tpu.pipeline_mode<synchronous>, transform_indices = @transform_7, window_bounds = array<i64: 8, 128>}, {pipeline_mode = #tpu.pipeline_mode<synchronous>, transform_indices = @transform_8, window_bounds = array<i64: 8, 128>}, {transform_indices = @transform_9, window_bounds = array<i64: 1024, 128>}, {transform_indices = @transform_10, window_bounds = array<i64: 1024, 128>}, {transform_indices = @transform_11, window_bounds = array<i64: 1024, 128>}, {transform_indices = @transform_12, window_bounds = array<i64: 1024, 128>}]} {
    %get3A = arith.constant 0 : index
    %get3A_0 = arith.constant 0 : index
    %get3A_1 = vector.load %arg2[%get3A, %get3A_0] : memref<1024x64xf32, #tpu.memory_space<vmem>>, vector<1024x64xf32>
    %get3A_2 = arith.constant 0 : index
    %get3A_3 = arith.constant 0 : index
    %get3A_4 = vector.load %arg3[%get3A_2, %get3A_3] : memref<1024x64xf32, #tpu.memory_space<vmem>>, vector<1024x64xf32>
    %get3A_5 = arith.constant 0 : index
    %get3A_6 = arith.constant 0 : index
    %get3A_7 = vector.load %arg4[%get3A_5, %get3A_6] : memref<1024x8xf32, #tpu.memory_space<vmem>>, vector<1024x8xf32>
    %slice3A = vector.extract_strided_slice %get3A_7 {offsets = [0, 0], sizes = [1024, 1], strides = [1, 1]} : vector<1024x8xf32> to vector<1024x1xf32>
    %gt3A = arith.constant 0.000000e+00 : f32
    %gt3A_8 = vector.broadcast %gt3A : f32 to vector<1024x1xf32>
    %gt3A_9 = arith.cmpf ogt, %slice3A, %gt3A_8 : vector<1024x1xf32>
    %max3A = arith.constant 1.000000e+00 : f32
    %max3A_10 = vector.broadcast %max3A : f32 to vector<1024x1xf32>
    %max3A_11 = arith.maximumf %slice3A, %max3A_10 : vector<1024x1xf32>
    %div3A = arith.constant 1.000000e+00 : f32
    %div3A_12 = vector.broadcast %div3A : f32 to vector<1024x1xf32>
    %div3A_13 = arith.divf %div3A_12, %max3A_11 : vector<1024x1xf32>
    %jit3A = arith.constant 0.000000e+00 : f32
    %broadcast_in_dim3A = vector.broadcast %jit3A : f32 to vector<1024x1xf32>
    %select_n3A = arith.select %gt3A_9, %div3A_13, %broadcast_in_dim3A : vector<1024x1xi1>, vector<1024x1xf32>
    %jit3A_14 = arith.constant 1.000000e+00 : f32
    %jit3A_15 = arith.constant 0.000000e+00 : f32
    %broadcast_in_dim3A_16 = vector.broadcast %jit3A_14 : f32 to vector<1024x1xf32>
    %broadcast_in_dim3A_17 = vector.broadcast %jit3A_15 : f32 to vector<1024x1xf32>
    %select_n3A_18 = arith.select %gt3A_9, %broadcast_in_dim3A_16, %broadcast_in_dim3A_17 : vector<1024x1xi1>, vector<1024x1xf32>
    %concatenate3A = tpu.concatenate %get3A_1, %get3A_4 in 1 : vector<1024x64xf32>, vector<1024x64xf32> -> vector<1024x128xf32>
    %mul3A = vector.broadcast %select_n3A : vector<1024x1xf32> to vector<1024x128xf32>
    %mul3A_19 = arith.mulf %concatenate3A, %mul3A : vector<1024x128xf32>
    %jit3A_20 = arith.constant 0.000000e+00 : f32
    %broadcast_in_dim3A_21 = vector.shape_cast %gt3A_9 : vector<1024x1xi1> to vector<1024x1xi1>
    %broadcast_in_dim3A_22 = vector.broadcast %broadcast_in_dim3A_21 : vector<1024x1xi1> to vector<1024x128xi1>
    %broadcast_in_dim3A_23 = vector.broadcast %jit3A_20 : f32 to vector<1024x128xf32>
    %select_n3A_24 = arith.select %broadcast_in_dim3A_22, %mul3A_19, %broadcast_in_dim3A_23 : vector<1024x128xi1>, vector<1024x128xf32>
    %get3A_25 = arith.constant 0 : index
    %get3A_26 = arith.constant 0 : index
    %get3A_27 = vector.load %arg1[%get3A_25, %get3A_26] : memref<1024x128xf32, #tpu.memory_space<vmem>>, vector<1024x128xf32>
    %get3A_28 = arith.constant 0 : index
    %get3A_29 = arith.constant 0 : index
    %get3A_30 = arith.constant 0 : index
    %get3A_31 = vector.load %arg5[%get3A_28, %get3A_29, %get3A_30] : memref<3x128x128xf32, #tpu.memory_space<vmem>>, vector<3x128x128xf32>
    %get3A_32 = arith.constant 0 : index
    %get3A_33 = arith.constant 0 : index
    %get3A_34 = arith.constant 0 : index
    %get3A_35 = vector.load %arg6[%get3A_32, %get3A_33, %get3A_34] : memref<3x128x128xf32, #tpu.memory_space<vmem>>, vector<3x128x128xf32>
    %get3A_36 = arith.constant 0 : index
    %get3A_37 = arith.constant 0 : index
    %get3A_38 = arith.constant 0 : index
    %get3A_39 = vector.load %arg7[%get3A_36, %get3A_37, %get3A_38] : memref<3x128x128xf32, #tpu.memory_space<vmem>>, vector<3x128x128xf32>
    %get3A_40 = arith.constant 0 : index
    %get3A_41 = arith.constant 0 : index
    %get3A_42 = vector.load %arg8[%get3A_40, %get3A_41] : memref<8x128xf32, #tpu.memory_space<vmem>>, vector<8x128xf32>
    %get3A_43 = arith.constant 0 : index
    %get3A_44 = arith.constant 0 : index
    %get3A_45 = vector.load %arg9[%get3A_43, %get3A_44] : memref<8x128xf32, #tpu.memory_space<vmem>>, vector<8x128xf32>
    %slice3A_46 = vector.extract_strided_slice %get3A_42 {offsets = [0, 0], sizes = [1, 128], strides = [1, 1]} : vector<8x128xf32> to vector<1x128xf32>
    %slice3A_47 = vector.extract_strided_slice %get3A_42 {offsets = [3, 0], sizes = [1, 128], strides = [1, 1]} : vector<8x128xf32> to vector<1x128xf32>
    %slice3A_48 = vector.extract_strided_slice %get3A_31 {offsets = [0, 0, 0], sizes = [1, 128, 128], strides = [1, 1, 1]} : vector<3x128x128xf32> to vector<1x128x128xf32>
    %squeeze3A = vector.shape_cast %slice3A_48 : vector<1x128x128xf32> to vector<128x128xf32>
    %dot_general3A = arith.constant dense<0.000000e+00> : vector<1024x128xf32>
    %dot_general3A_49 = tpu.matmul %get3A_27, %squeeze3A, %dot_general3A {dimension_numbers = #tpu.dot_dimension_numbers<[1], [0], [0], [1], [0, 0, 1, 1], [], []>, transpose_lhs_hint = false} : vector<1024x128xf32>, vector<128x128xf32>, vector<1024x128xf32> -> vector<1024x128xf32>
    %add3A = vector.broadcast %slice3A_46 : vector<1x128xf32> to vector<1024x128xf32>
    %add3A_50 = arith.addf %dot_general3A_49, %add3A : vector<1024x128xf32>
    %slice3A_51 = vector.extract_strided_slice %get3A_31 {offsets = [0, 0, 0], sizes = [1, 128, 128], strides = [1, 1, 1]} : vector<3x128x128xf32> to vector<1x128x128xf32>
    %squeeze3A_52 = vector.shape_cast %slice3A_51 : vector<1x128x128xf32> to vector<128x128xf32>
    %dot_general3A_53 = arith.constant dense<0.000000e+00> : vector<1024x128xf32>
    %dot_general3A_54 = tpu.matmul %select_n3A_24, %squeeze3A_52, %dot_general3A_53 {dimension_numbers = #tpu.dot_dimension_numbers<[1], [0], [0], [1], [0, 0, 1, 1], [], []>, transpose_lhs_hint = false} : vector<1024x128xf32>, vector<128x128xf32>, vector<1024x128xf32> -> vector<1024x128xf32>
    %mul3A_55 = vector.broadcast %select_n3A_18 : vector<1024x1xf32> to vector<1024x128xf32>
    %mul3A_56 = vector.broadcast %slice3A_46 : vector<1x128xf32> to vector<1024x128xf32>
    %mul3A_57 = arith.mulf %mul3A_55, %mul3A_56 : vector<1024x128xf32>
    %add3A_58 = arith.addf %dot_general3A_54, %mul3A_57 : vector<1024x128xf32>
    %slice3A_59 = vector.extract_strided_slice %get3A_35 {offsets = [0, 0, 0], sizes = [1, 128, 128], strides = [1, 1, 1]} : vector<3x128x128xf32> to vector<1x128x128xf32>
    %squeeze3A_60 = vector.shape_cast %slice3A_59 : vector<1x128x128xf32> to vector<128x128xf32>
    %dot_general3A_61 = arith.constant dense<0.000000e+00> : vector<1024x128xf32>
    %dot_general3A_62 = tpu.matmul %add3A_50, %squeeze3A_60, %dot_general3A_61 {dimension_numbers = #tpu.dot_dimension_numbers<[1], [0], [0], [1], [0, 0, 1, 1], [], []>, transpose_lhs_hint = false} : vector<1024x128xf32>, vector<128x128xf32>, vector<1024x128xf32> -> vector<1024x128xf32>
    %slice3A_63 = vector.extract_strided_slice %get3A_39 {offsets = [0, 0, 0], sizes = [1, 128, 128], strides = [1, 1, 1]} : vector<3x128x128xf32> to vector<1x128x128xf32>
    %squeeze3A_64 = vector.shape_cast %slice3A_63 : vector<1x128x128xf32> to vector<128x128xf32>
    %dot_general3A_65 = arith.constant dense<0.000000e+00> : vector<1024x128xf32>
    %dot_general3A_66 = tpu.matmul %add3A_58, %squeeze3A_64, %dot_general3A_65 {dimension_numbers = #tpu.dot_dimension_numbers<[1], [0], [0], [1], [0, 0, 1, 1], [], []>, transpose_lhs_hint = false} : vector<1024x128xf32>, vector<128x128xf32>, vector<1024x128xf32> -> vector<1024x128xf32>
    %add3A_67 = arith.addf %dot_general3A_62, %dot_general3A_66 : vector<1024x128xf32>
    %add3A_68 = vector.broadcast %slice3A_47 : vector<1x128xf32> to vector<1024x128xf32>
    %add3A_69 = arith.addf %add3A_67, %add3A_68 : vector<1024x128xf32>
    %slice3A_70 = vector.extract_strided_slice %get3A_42 {offsets = [1, 0], sizes = [1, 128], strides = [1, 1]} : vector<8x128xf32> to vector<1x128xf32>
    %slice3A_71 = vector.extract_strided_slice %get3A_42 {offsets = [4, 0], sizes = [1, 128], strides = [1, 1]} : vector<8x128xf32> to vector<1x128xf32>
    %slice3A_72 = vector.extract_strided_slice %get3A_31 {offsets = [1, 0, 0], sizes = [1, 128, 128], strides = [1, 1, 1]} : vector<3x128x128xf32> to vector<1x128x128xf32>
    %squeeze3A_73 = vector.shape_cast %slice3A_72 : vector<1x128x128xf32> to vector<128x128xf32>
    %dot_general3A_74 = arith.constant dense<0.000000e+00> : vector<1024x128xf32>
    %dot_general3A_75 = tpu.matmul %get3A_27, %squeeze3A_73, %dot_general3A_74 {dimension_numbers = #tpu.dot_dimension_numbers<[1], [0], [0], [1], [0, 0, 1, 1], [], []>, transpose_lhs_hint = false} : vector<1024x128xf32>, vector<128x128xf32>, vector<1024x128xf32> -> vector<1024x128xf32>
    %add3A_76 = vector.broadcast %slice3A_70 : vector<1x128xf32> to vector<1024x128xf32>
    %add3A_77 = arith.addf %dot_general3A_75, %add3A_76 : vector<1024x128xf32>
    %slice3A_78 = vector.extract_strided_slice %get3A_31 {offsets = [1, 0, 0], sizes = [1, 128, 128], strides = [1, 1, 1]} : vector<3x128x128xf32> to vector<1x128x128xf32>
    %squeeze3A_79 = vector.shape_cast %slice3A_78 : vector<1x128x128xf32> to vector<128x128xf32>
    %dot_general3A_80 = arith.constant dense<0.000000e+00> : vector<1024x128xf32>
    %dot_general3A_81 = tpu.matmul %select_n3A_24, %squeeze3A_79, %dot_general3A_80 {dimension_numbers = #tpu.dot_dimension_numbers<[1], [0], [0], [1], [0, 0, 1, 1], [], []>, transpose_lhs_hint = false} : vector<1024x128xf32>, vector<128x128xf32>, vector<1024x128xf32> -> vector<1024x128xf32>
    %mul3A_82 = vector.broadcast %select_n3A_18 : vector<1024x1xf32> to vector<1024x128xf32>
    %mul3A_83 = vector.broadcast %slice3A_70 : vector<1x128xf32> to vector<1024x128xf32>
    %mul3A_84 = arith.mulf %mul3A_82, %mul3A_83 : vector<1024x128xf32>
    %add3A_85 = arith.addf %dot_general3A_81, %mul3A_84 : vector<1024x128xf32>
    %slice3A_86 = vector.extract_strided_slice %get3A_35 {offsets = [1, 0, 0], sizes = [1, 128, 128], strides = [1, 1, 1]} : vector<3x128x128xf32> to vector<1x128x128xf32>
    %squeeze3A_87 = vector.shape_cast %slice3A_86 : vector<1x128x128xf32> to vector<128x128xf32>
    %dot_general3A_88 = arith.constant dense<0.000000e+00> : vector<1024x128xf32>
    %dot_general3A_89 = tpu.matmul %add3A_77, %squeeze3A_87, %dot_general3A_88 {dimension_numbers = #tpu.dot_dimension_numbers<[1], [0], [0], [1], [0, 0, 1, 1], [], []>, transpose_lhs_hint = false} : vector<1024x128xf32>, vector<128x128xf32>, vector<1024x128xf32> -> vector<1024x128xf32>
    %slice3A_90 = vector.extract_strided_slice %get3A_39 {offsets = [1, 0, 0], sizes = [1, 128, 128], strides = [1, 1, 1]} : vector<3x128x128xf32> to vector<1x128x128xf32>
    %squeeze3A_91 = vector.shape_cast %slice3A_90 : vector<1x128x128xf32> to vector<128x128xf32>
    %dot_general3A_92 = arith.constant dense<0.000000e+00> : vector<1024x128xf32>
    %dot_general3A_93 = tpu.matmul %add3A_85, %squeeze3A_91, %dot_general3A_92 {dimension_numbers = #tpu.dot_dimension_numbers<[1], [0], [0], [1], [0, 0, 1, 1], [], []>, transpose_lhs_hint = false} : vector<1024x128xf32>, vector<128x128xf32>, vector<1024x128xf32> -> vector<1024x128xf32>
    %add3A_94 = arith.addf %dot_general3A_89, %dot_general3A_93 : vector<1024x128xf32>
    %add3A_95 = vector.broadcast %slice3A_71 : vector<1x128xf32> to vector<1024x128xf32>
    %add3A_96 = arith.addf %add3A_94, %add3A_95 : vector<1024x128xf32>
    %slice3A_97 = vector.extract_strided_slice %get3A_42 {offsets = [2, 0], sizes = [1, 128], strides = [1, 1]} : vector<8x128xf32> to vector<1x128xf32>
    %slice3A_98 = vector.extract_strided_slice %get3A_42 {offsets = [5, 0], sizes = [1, 128], strides = [1, 1]} : vector<8x128xf32> to vector<1x128xf32>
    %slice3A_99 = vector.extract_strided_slice %get3A_31 {offsets = [2, 0, 0], sizes = [1, 128, 128], strides = [1, 1, 1]} : vector<3x128x128xf32> to vector<1x128x128xf32>
    %squeeze3A_100 = vector.shape_cast %slice3A_99 : vector<1x128x128xf32> to vector<128x128xf32>
    %dot_general3A_101 = arith.constant dense<0.000000e+00> : vector<1024x128xf32>
    %dot_general3A_102 = tpu.matmul %get3A_27, %squeeze3A_100, %dot_general3A_101 {dimension_numbers = #tpu.dot_dimension_numbers<[1], [0], [0], [1], [0, 0, 1, 1], [], []>, transpose_lhs_hint = false} : vector<1024x128xf32>, vector<128x128xf32>, vector<1024x128xf32> -> vector<1024x128xf32>
    %add3A_103 = vector.broadcast %slice3A_97 : vector<1x128xf32> to vector<1024x128xf32>
    %add3A_104 = arith.addf %dot_general3A_102, %add3A_103 : vector<1024x128xf32>
    %slice3A_105 = vector.extract_strided_slice %get3A_31 {offsets = [2, 0, 0], sizes = [1, 128, 128], strides = [1, 1, 1]} : vector<3x128x128xf32> to vector<1x128x128xf32>
    %squeeze3A_106 = vector.shape_cast %slice3A_105 : vector<1x128x128xf32> to vector<128x128xf32>
    %dot_general3A_107 = arith.constant dense<0.000000e+00> : vector<1024x128xf32>
    %dot_general3A_108 = tpu.matmul %select_n3A_24, %squeeze3A_106, %dot_general3A_107 {dimension_numbers = #tpu.dot_dimension_numbers<[1], [0], [0], [1], [0, 0, 1, 1], [], []>, transpose_lhs_hint = false} : vector<1024x128xf32>, vector<128x128xf32>, vector<1024x128xf32> -> vector<1024x128xf32>
    %mul3A_109 = vector.broadcast %select_n3A_18 : vector<1024x1xf32> to vector<1024x128xf32>
    %mul3A_110 = vector.broadcast %slice3A_97 : vector<1x128xf32> to vector<1024x128xf32>
    %mul3A_111 = arith.mulf %mul3A_109, %mul3A_110 : vector<1024x128xf32>
    %add3A_112 = arith.addf %dot_general3A_108, %mul3A_111 : vector<1024x128xf32>
    %slice3A_113 = vector.extract_strided_slice %get3A_35 {offsets = [2, 0, 0], sizes = [1, 128, 128], strides = [1, 1, 1]} : vector<3x128x128xf32> to vector<1x128x128xf32>
    %squeeze3A_114 = vector.shape_cast %slice3A_113 : vector<1x128x128xf32> to vector<128x128xf32>
    %dot_general3A_115 = arith.constant dense<0.000000e+00> : vector<1024x128xf32>
    %dot_general3A_116 = tpu.matmul %add3A_104, %squeeze3A_114, %dot_general3A_115 {dimension_numbers = #tpu.dot_dimension_numbers<[1], [0], [0], [1], [0, 0, 1, 1], [], []>, transpose_lhs_hint = false} : vector<1024x128xf32>, vector<128x128xf32>, vector<1024x128xf32> -> vector<1024x128xf32>
    %slice3A_117 = vector.extract_strided_slice %get3A_39 {offsets = [2, 0, 0], sizes = [1, 128, 128], strides = [1, 1, 1]} : vector<3x128x128xf32> to vector<1x128x128xf32>
    %squeeze3A_118 = vector.shape_cast %slice3A_117 : vector<1x128x128xf32> to vector<128x128xf32>
    %dot_general3A_119 = arith.constant dense<0.000000e+00> : vector<1024x128xf32>
    %dot_general3A_120 = tpu.matmul %add3A_112, %squeeze3A_118, %dot_general3A_119 {dimension_numbers = #tpu.dot_dimension_numbers<[1], [0], [0], [1], [0, 0, 1, 1], [], []>, transpose_lhs_hint = false} : vector<1024x128xf32>, vector<128x128xf32>, vector<1024x128xf32> -> vector<1024x128xf32>
    %add3A_121 = arith.addf %dot_general3A_116, %dot_general3A_120 : vector<1024x128xf32>
    %add3A_122 = vector.broadcast %slice3A_98 : vector<1x128xf32> to vector<1024x128xf32>
    %add3A_123 = arith.addf %add3A_121, %add3A_122 : vector<1024x128xf32>
    %swap3A = arith.constant 0 : index
    %swap3A_124 = arith.constant 0 : index
    %swap3A_125 = vector.load %arg10[%swap3A, %swap3A_124] : memref<1024x128xf32, #tpu.memory_space<vmem>>, vector<1024x128xf32>
    tpu.vector_store %arg10[%swap3A, %swap3A_124], %add3A_69 {strides = array<i32>} : memref<1024x128xf32, #tpu.memory_space<vmem>>, vector<1024x128xf32>,
    %slice3A_126 = vector.extract_strided_slice %get3A_45 {offsets = [0, 0], sizes = [1, 128], strides = [1, 1]} : vector<8x128xf32> to vector<1x128xf32>
    %slice3A_127 = vector.extract_strided_slice %get3A_45 {offsets = [1, 0], sizes = [1, 128], strides = [1, 1]} : vector<8x128xf32> to vector<1x128xf32>
    %reduce_sum3A = arith.constant dense<0.000000e+00> : vector<1024xf32>
    %reduce_sum3A_128 = vector.multi_reduction <add>, %add3A_96, %reduce_sum3A [1] : vector<1024x128xf32> to vector<1024xf32>
    %broadcast_in_dim3A_129 = vector.shape_cast %reduce_sum3A_128 : vector<1024xf32> to vector<1024x1xf32>
    %div3A_130 = arith.constant 1.280000e+02 : f32
    %div3A_131 = vector.broadcast %div3A_130 : f32 to vector<1024x1xf32>
    %div3A_132 = arith.divf %broadcast_in_dim3A_129, %div3A_131 : vector<1024x1xf32>
    %sub3A = vector.broadcast %div3A_132 : vector<1024x1xf32> to vector<1024x128xf32>
    %sub3A_133 = arith.subf %add3A_96, %sub3A : vector<1024x128xf32>
    %sub3A_134 = vector.broadcast %div3A_132 : vector<1024x1xf32> to vector<1024x128xf32>
    %sub3A_135 = arith.subf %add3A_96, %sub3A_134 : vector<1024x128xf32>
    %mul3A_136 = arith.mulf %sub3A_133, %sub3A_135 : vector<1024x128xf32>
    %reduce_sum3A_137 = arith.constant dense<0.000000e+00> : vector<1024xf32>
    %reduce_sum3A_138 = vector.multi_reduction <add>, %mul3A_136, %reduce_sum3A_137 [1] : vector<1024x128xf32> to vector<1024xf32>
    %broadcast_in_dim3A_139 = vector.shape_cast %reduce_sum3A_138 : vector<1024xf32> to vector<1024x1xf32>
    %div3A_140 = arith.constant 1.280000e+02 : f32
    %div3A_141 = vector.broadcast %div3A_140 : f32 to vector<1024x1xf32>
    %div3A_142 = arith.divf %broadcast_in_dim3A_139, %div3A_141 : vector<1024x1xf32>
    %sub3A_143 = vector.broadcast %div3A_132 : vector<1024x1xf32> to vector<1024x128xf32>
    %sub3A_144 = arith.subf %add3A_96, %sub3A_143 : vector<1024x128xf32>
    %add3A_145 = arith.constant 9.99999974E-6 : f32
    %add3A_146 = vector.broadcast %add3A_145 : f32 to vector<1024x1xf32>
    %add3A_147 = arith.addf %div3A_142, %add3A_146 : vector<1024x1xf32>
    %rsqrt3A = math.rsqrt %add3A_147 : vector<1024x1xf32>
    %mul3A_148 = vector.broadcast %rsqrt3A : vector<1024x1xf32> to vector<1024x128xf32>
    %mul3A_149 = arith.mulf %sub3A_144, %mul3A_148 : vector<1024x128xf32>
    %mul3A_150 = vector.broadcast %slice3A_126 : vector<1x128xf32> to vector<1024x128xf32>
    %mul3A_151 = arith.mulf %mul3A_149, %mul3A_150 : vector<1024x128xf32>
    %add3A_152 = vector.broadcast %slice3A_127 : vector<1x128xf32> to vector<1024x128xf32>
    %add3A_153 = arith.addf %mul3A_151, %add3A_152 : vector<1024x128xf32>
    %max3A_154 = arith.constant 0.000000e+00 : f32
    %max3A_155 = vector.broadcast %max3A_154 : f32 to vector<1024x128xf32>
    %max3A_156 = arith.maximumf %add3A_153, %max3A_155 : vector<1024x128xf32>
    %swap3A_157 = arith.constant 0 : index
    %swap3A_158 = arith.constant 0 : index
    %swap3A_159 = vector.load %arg11[%swap3A_157, %swap3A_158] : memref<1024x128xf32, #tpu.memory_space<vmem>>, vector<1024x128xf32>
    tpu.vector_store %arg11[%swap3A_157, %swap3A_158], %max3A_156 {strides = array<i32>} : memref<1024x128xf32, #tpu.memory_space<vmem>>, vector<1024x128xf32>,
    %slice3A_160 = vector.extract_strided_slice %get3A_45 {offsets = [2, 0], sizes = [1, 128], strides = [1, 1]} : vector<8x128xf32> to vector<1x128xf32>
    %slice3A_161 = vector.extract_strided_slice %get3A_45 {offsets = [3, 0], sizes = [1, 128], strides = [1, 1]} : vector<8x128xf32> to vector<1x128xf32>
    %reduce_sum3A_162 = arith.constant dense<0.000000e+00> : vector<1024xf32>
    %reduce_sum3A_163 = vector.multi_reduction <add>, %add3A_123, %reduce_sum3A_162 [1] : vector<1024x128xf32> to vector<1024xf32>
    %broadcast_in_dim3A_164 = vector.shape_cast %reduce_sum3A_163 : vector<1024xf32> to vector<1024x1xf32>
    %div3A_165 = arith.constant 1.280000e+02 : f32
    %div3A_166 = vector.broadcast %div3A_165 : f32 to vector<1024x1xf32>
    %div3A_167 = arith.divf %broadcast_in_dim3A_164, %div3A_166 : vector<1024x1xf32>
    %sub3A_168 = vector.broadcast %div3A_167 : vector<1024x1xf32> to vector<1024x128xf32>
    %sub3A_169 = arith.subf %add3A_123, %sub3A_168 : vector<1024x128xf32>
    %sub3A_170 = vector.broadcast %div3A_167 : vector<1024x1xf32> to vector<1024x128xf32>
    %sub3A_171 = arith.subf %add3A_123, %sub3A_170 : vector<1024x128xf32>
    %mul3A_172 = arith.mulf %sub3A_169, %sub3A_171 : vector<1024x128xf32>
    %reduce_sum3A_173 = arith.constant dense<0.000000e+00> : vector<1024xf32>
    %reduce_sum3A_174 = vector.multi_reduction <add>, %mul3A_172, %reduce_sum3A_173 [1] : vector<1024x128xf32> to vector<1024xf32>
    %broadcast_in_dim3A_175 = vector.shape_cast %reduce_sum3A_174 : vector<1024xf32> to vector<1024x1xf32>
    %div3A_176 = arith.constant 1.280000e+02 : f32
    %div3A_177 = vector.broadcast %div3A_176 : f32 to vector<1024x1xf32>
    %div3A_178 = arith.divf %broadcast_in_dim3A_175, %div3A_177 : vector<1024x1xf32>
    %sub3A_179 = vector.broadcast %div3A_167 : vector<1024x1xf32> to vector<1024x128xf32>
    %sub3A_180 = arith.subf %add3A_123, %sub3A_179 : vector<1024x128xf32>
    %add3A_181 = arith.constant 9.99999974E-6 : f32
    %add3A_182 = vector.broadcast %add3A_181 : f32 to vector<1024x1xf32>
    %add3A_183 = arith.addf %div3A_178, %add3A_182 : vector<1024x1xf32>
    %rsqrt3A_184 = math.rsqrt %add3A_183 : vector<1024x1xf32>
    %mul3A_185 = vector.broadcast %rsqrt3A_184 : vector<1024x1xf32> to vector<1024x128xf32>
    %mul3A_186 = arith.mulf %sub3A_180, %mul3A_185 : vector<1024x128xf32>
    %mul3A_187 = vector.broadcast %slice3A_160 : vector<1x128xf32> to vector<1024x128xf32>
    %mul3A_188 = arith.mulf %mul3A_186, %mul3A_187 : vector<1024x128xf32>
    %add3A_189 = vector.broadcast %slice3A_161 : vector<1x128xf32> to vector<1024x128xf32>
    %add3A_190 = arith.addf %mul3A_188, %add3A_189 : vector<1024x128xf32>
    %max3A_191 = arith.constant 0.000000e+00 : f32
    %max3A_192 = vector.broadcast %max3A_191 : f32 to vector<1024x128xf32>
    %max3A_193 = arith.maximumf %add3A_190, %max3A_192 : vector<1024x128xf32>
    %swap3A_194 = arith.constant 0 : index
    %swap3A_195 = arith.constant 0 : index
    %swap3A_196 = vector.load %arg12[%swap3A_194, %swap3A_195] : memref<1024x128xf32, #tpu.memory_space<vmem>>, vector<1024x128xf32>
    tpu.vector_store %arg12[%swap3A_194, %swap3A_195], %max3A_193 {strides = array<i32>} : memref<1024x128xf32, #tpu.memory_space<vmem>>, vector<1024x128xf32>,
    %broadcast_in_dim3A_197 = vector.shape_cast %select_n3A : vector<1024x1xf32> to vector<1024x1xf32>
    %broadcast_in_dim3A_198 = vector.broadcast %broadcast_in_dim3A_197 : vector<1024x1xf32> to vector<1024x128xf32>
    %swap3A_199 = arith.constant 0 : index
    %swap3A_200 = arith.constant 0 : index
    %swap3A_201 = vector.load %arg13[%swap3A_199, %swap3A_200] : memref<1024x128xf32, #tpu.memory_space<vmem>>, vector<1024x128xf32>
    tpu.vector_store %arg13[%swap3A_199, %swap3A_200], %broadcast_in_dim3A_198 {strides = array<i32>} : memref<1024x128xf32, #tpu.memory_space<vmem>>, vector<1024x128xf32>,
    return
  }
  func.func @transform_0(%arg0: i32) -> (i32, i32) {
    %c0_i32 = arith.constant 0 : i32
    %c0_i32_0 = arith.constant 0 : i32
    return %arg0, %c0_i32 : i32, i32
  }
  func.func @transform_1(%arg0: i32) -> (i32, i32) {
    %c0_i32 = arith.constant 0 : i32
    %c0_i32_0 = arith.constant 0 : i32
    return %arg0, %c0_i32 : i32, i32
  }
  func.func @transform_2(%arg0: i32) -> (i32, i32) {
    %c0_i32 = arith.constant 0 : i32
    %c0_i32_0 = arith.constant 0 : i32
    return %arg0, %c0_i32 : i32, i32
  }
  func.func @transform_3(%arg0: i32) -> (i32, i32) {
    %c0_i32 = arith.constant 0 : i32
    %c0_i32_0 = arith.constant 0 : i32
    return %arg0, %c0_i32 : i32, i32
  }
  func.func @transform_4(%arg0: i32) -> (i32, i32, i32) {
    %c0_i32 = arith.constant 0 : i32
    %c0_i32_0 = arith.constant 0 : i32
    %c0_i32_1 = arith.constant 0 : i32
    %c0_i32_2 = arith.constant 0 : i32
    return %c0_i32, %c0_i32_0, %c0_i32_1 : i32, i32, i32
  }
  func.func @transform_5(%arg0: i32) -> (i32, i32, i32) {
    %c0_i32 = arith.constant 0 : i32
    %c0_i32_0 = arith.constant 0 : i32
    %c0_i32_1 = arith.constant 0 : i32
    %c0_i32_2 = arith.constant 0 : i32
    return %c0_i32, %c0_i32_0, %c0_i32_1 : i32, i32, i32
  }
  func.func @transform_6(%arg0: i32) -> (i32, i32, i32) {
    %c0_i32 = arith.constant 0 : i32
    %c0_i32_0 = arith.constant 0 : i32
    %c0_i32_1 = arith.constant 0 : i32
    %c0_i32_2 = arith.constant 0 : i32
    return %c0_i32, %c0_i32_0, %c0_i32_1 : i32, i32, i32
  }
  func.func @transform_7(%arg0: i32) -> (i32, i32) {
    %c0_i32 = arith.constant 0 : i32
    %c0_i32_0 = arith.constant 0 : i32
    %c0_i32_1 = arith.constant 0 : i32
    return %c0_i32, %c0_i32_0 : i32, i32
  }
  func.func @transform_8(%arg0: i32) -> (i32, i32) {
    %c0_i32 = arith.constant 0 : i32
    %c0_i32_0 = arith.constant 0 : i32
    %c0_i32_1 = arith.constant 0 : i32
    return %c0_i32, %c0_i32_0 : i32, i32
  }
  func.func @transform_9(%arg0: i32) -> (i32, i32) {
    %c0_i32 = arith.constant 0 : i32
    %c0_i32_0 = arith.constant 0 : i32
    return %arg0, %c0_i32 : i32, i32
  }
  func.func @transform_10(%arg0: i32) -> (i32, i32) {
    %c0_i32 = arith.constant 0 : i32
    %c0_i32_0 = arith.constant 0 : i32
    return %arg0, %c0_i32 : i32, i32
  }
  func.func @transform_11(%arg0: i32) -> (i32, i32) {
    %c0_i32 = arith.constant 0 : i32
    %c0_i32_0 = arith.constant 0 : i32
    return %arg0, %c0_i32 : i32, i32
  }
  func.func @transform_12(%arg0: i32) -> (i32, i32) {
    %c0_i32 = arith.constant 0 : i32
    %c0_i32_0 = arith.constant 0 : i32
    return %arg0, %c0_i32 : i32, i32
  }
}

module attributes {stable_mosaic.version = 14 : i64} {
  func.func @body(%arg0: i32, %arg1: memref<1024x128xf32, #tpu.memory_space<vmem>>, %arg2: memref<1024x128xf32, #tpu.memory_space<vmem>>, %arg3: memref<1024x64xf32, #tpu.memory_space<vmem>>, %arg4: memref<1024x64xf32, #tpu.memory_space<vmem>>, %arg5: memref<1024x64xf32, #tpu.memory_space<vmem>>, %arg6: memref<1024x64xf32, #tpu.memory_space<vmem>>, %arg7: memref<1024x128xf32, #tpu.memory_space<vmem>>, %arg8: memref<2x128x128xf32, #tpu.memory_space<vmem>>, %arg9: memref<2x128x128xf32, #tpu.memory_space<vmem>>, %arg10: memref<8x128xf32, #tpu.memory_space<vmem>>, %arg11: memref<1024x128xf32, #tpu.memory_space<vmem>>, %arg12: memref<1024x128xf32, #tpu.memory_space<vmem>>) attributes {dimension_semantics = [#tpu.dimension_semantics<arbitrary>], iteration_bounds = array<i64: 10>, scalar_prefetch = 0 : i64, scratch_operands = 0 : i64, tpu.core_type = #tpu.core_type<tc>, window_params = [{transform_indices = @transform_0, window_bounds = array<i64: 1024, 128>}, {transform_indices = @transform_1, window_bounds = array<i64: 1024, 128>}, {transform_indices = @transform_2, window_bounds = array<i64: 1024, 64>}, {transform_indices = @transform_3, window_bounds = array<i64: 1024, 64>}, {transform_indices = @transform_4, window_bounds = array<i64: 1024, 64>}, {transform_indices = @transform_5, window_bounds = array<i64: 1024, 64>}, {transform_indices = @transform_6, window_bounds = array<i64: 1024, 128>}, {pipeline_mode = #tpu.pipeline_mode<synchronous>, transform_indices = @transform_7, window_bounds = array<i64: 2, 128, 128>}, {pipeline_mode = #tpu.pipeline_mode<synchronous>, transform_indices = @transform_8, window_bounds = array<i64: 2, 128, 128>}, {pipeline_mode = #tpu.pipeline_mode<synchronous>, transform_indices = @transform_9, window_bounds = array<i64: 8, 128>}, {transform_indices = @transform_10, window_bounds = array<i64: 1024, 128>}, {transform_indices = @transform_11, window_bounds = array<i64: 1024, 128>}]} {
    %get3A = arith.constant 0 : index
    %get3A_0 = arith.constant 0 : index
    %get3A_1 = vector.load %arg7[%get3A, %get3A_0] : memref<1024x128xf32, #tpu.memory_space<vmem>>, vector<1024x128xf32>
    %slice3A = vector.extract_strided_slice %get3A_1 {offsets = [0, 0], sizes = [1024, 1], strides = [1, 1]} : vector<1024x128xf32> to vector<1024x1xf32>
    %gt3A = arith.constant 0.000000e+00 : f32
    %gt3A_2 = vector.broadcast %gt3A : f32 to vector<1024x1xf32>
    %gt3A_3 = arith.cmpf ogt, %slice3A, %gt3A_2 : vector<1024x1xf32>
    %get3A_4 = arith.constant 0 : index
    %get3A_5 = arith.constant 0 : index
    %get3A_6 = arith.constant 0 : index
    %get3A_7 = vector.load %arg8[%get3A_4, %get3A_5, %get3A_6] : memref<2x128x128xf32, #tpu.memory_space<vmem>>, vector<2x128x128xf32>
    %get3A_8 = arith.constant 0 : index
    %get3A_9 = arith.constant 0 : index
    %get3A_10 = arith.constant 0 : index
    %get3A_11 = vector.load %arg9[%get3A_8, %get3A_9, %get3A_10] : memref<2x128x128xf32, #tpu.memory_space<vmem>>, vector<2x128x128xf32>
    %get3A_12 = arith.constant 0 : index
    %get3A_13 = arith.constant 0 : index
    %get3A_14 = vector.load %arg10[%get3A_12, %get3A_13] : memref<8x128xf32, #tpu.memory_space<vmem>>, vector<8x128xf32>
    %get3A_15 = arith.constant 0 : index
    %get3A_16 = arith.constant 0 : index
    %get3A_17 = vector.load %arg3[%get3A_15, %get3A_16] : memref<1024x64xf32, #tpu.memory_space<vmem>>, vector<1024x64xf32>
    %get3A_18 = arith.constant 0 : index
    %get3A_19 = arith.constant 0 : index
    %get3A_20 = vector.load %arg4[%get3A_18, %get3A_19] : memref<1024x64xf32, #tpu.memory_space<vmem>>, vector<1024x64xf32>
    %concatenate3A = tpu.concatenate %get3A_17, %get3A_20 in 1 : vector<1024x64xf32>, vector<1024x64xf32> -> vector<1024x128xf32>
    %get3A_21 = arith.constant 0 : index
    %get3A_22 = arith.constant 0 : index
    %get3A_23 = vector.load %arg5[%get3A_21, %get3A_22] : memref<1024x64xf32, #tpu.memory_space<vmem>>, vector<1024x64xf32>
    %get3A_24 = arith.constant 0 : index
    %get3A_25 = arith.constant 0 : index
    %get3A_26 = vector.load %arg6[%get3A_24, %get3A_25] : memref<1024x64xf32, #tpu.memory_space<vmem>>, vector<1024x64xf32>
    %concatenate3A_27 = tpu.concatenate %get3A_23, %get3A_26 in 1 : vector<1024x64xf32>, vector<1024x64xf32> -> vector<1024x128xf32>
    %mul3A = vector.broadcast %slice3A : vector<1024x1xf32> to vector<1024x128xf32>
    %mul3A_28 = arith.mulf %concatenate3A, %mul3A : vector<1024x128xf32>
    %jit3A = arith.constant 0.000000e+00 : f32
    %broadcast_in_dim3A = vector.shape_cast %gt3A_3 : vector<1024x1xi1> to vector<1024x1xi1>
    %broadcast_in_dim3A_29 = vector.broadcast %broadcast_in_dim3A : vector<1024x1xi1> to vector<1024x128xi1>
    %broadcast_in_dim3A_30 = vector.broadcast %jit3A : f32 to vector<1024x128xf32>
    %select_n3A = arith.select %broadcast_in_dim3A_29, %mul3A_28, %broadcast_in_dim3A_30 : vector<1024x128xi1>, vector<1024x128xf32>
    %mul3A_31 = vector.broadcast %slice3A : vector<1024x1xf32> to vector<1024x128xf32>
    %mul3A_32 = arith.mulf %concatenate3A_27, %mul3A_31 : vector<1024x128xf32>
    %jit3A_33 = arith.constant 0.000000e+00 : f32
    %broadcast_in_dim3A_34 = vector.shape_cast %gt3A_3 : vector<1024x1xi1> to vector<1024x1xi1>
    %broadcast_in_dim3A_35 = vector.broadcast %broadcast_in_dim3A_34 : vector<1024x1xi1> to vector<1024x128xi1>
    %broadcast_in_dim3A_36 = vector.broadcast %jit3A_33 : f32 to vector<1024x128xf32>
    %select_n3A_37 = arith.select %broadcast_in_dim3A_35, %mul3A_32, %broadcast_in_dim3A_36 : vector<1024x128xi1>, vector<1024x128xf32>
    %get3A_38 = arith.constant 0 : index
    %get3A_39 = arith.constant 0 : index
    %get3A_40 = vector.load %arg1[%get3A_38, %get3A_39] : memref<1024x128xf32, #tpu.memory_space<vmem>>, vector<1024x128xf32>
    %slice3A_41 = vector.extract_strided_slice %get3A_7 {offsets = [0, 0, 0], sizes = [1, 128, 128], strides = [1, 1, 1]} : vector<2x128x128xf32> to vector<1x128x128xf32>
    %squeeze3A = vector.shape_cast %slice3A_41 : vector<1x128x128xf32> to vector<128x128xf32>
    %dot_general3A = arith.constant dense<0.000000e+00> : vector<1024x128xf32>
    %dot_general3A_42 = tpu.matmul %get3A_40, %squeeze3A, %dot_general3A {dimension_numbers = #tpu.dot_dimension_numbers<[1], [0], [0], [1], [0, 0, 1, 1], [], []>, transpose_lhs_hint = false} : vector<1024x128xf32>, vector<128x128xf32>, vector<1024x128xf32> -> vector<1024x128xf32>
    %slice3A_43 = vector.extract_strided_slice %get3A_11 {offsets = [0, 0, 0], sizes = [1, 128, 128], strides = [1, 1, 1]} : vector<2x128x128xf32> to vector<1x128x128xf32>
    %squeeze3A_44 = vector.shape_cast %slice3A_43 : vector<1x128x128xf32> to vector<128x128xf32>
    %dot_general3A_45 = arith.constant dense<0.000000e+00> : vector<1024x128xf32>
    %dot_general3A_46 = tpu.matmul %select_n3A, %squeeze3A_44, %dot_general3A_45 {dimension_numbers = #tpu.dot_dimension_numbers<[1], [0], [0], [1], [0, 0, 1, 1], [], []>, transpose_lhs_hint = false} : vector<1024x128xf32>, vector<128x128xf32>, vector<1024x128xf32> -> vector<1024x128xf32>
    %add3A = arith.addf %dot_general3A_42, %dot_general3A_46 : vector<1024x128xf32>
    %slice3A_47 = vector.extract_strided_slice %get3A_14 {offsets = [0, 0], sizes = [1, 128], strides = [1, 1]} : vector<8x128xf32> to vector<1x128xf32>
    %add3A_48 = vector.broadcast %slice3A_47 : vector<1x128xf32> to vector<1024x128xf32>
    %add3A_49 = arith.addf %add3A, %add3A_48 : vector<1024x128xf32>
    %swap3A = arith.constant 0 : index
    %swap3A_50 = arith.constant 0 : index
    %swap3A_51 = vector.load %arg11[%swap3A, %swap3A_50] : memref<1024x128xf32, #tpu.memory_space<vmem>>, vector<1024x128xf32>
    tpu.vector_store %arg11[%swap3A, %swap3A_50], %add3A_49 {strides = array<i32>} : memref<1024x128xf32, #tpu.memory_space<vmem>>, vector<1024x128xf32>,
    %get3A_52 = arith.constant 0 : index
    %get3A_53 = arith.constant 0 : index
    %get3A_54 = vector.load %arg2[%get3A_52, %get3A_53] : memref<1024x128xf32, #tpu.memory_space<vmem>>, vector<1024x128xf32>
    %slice3A_55 = vector.extract_strided_slice %get3A_7 {offsets = [1, 0, 0], sizes = [1, 128, 128], strides = [1, 1, 1]} : vector<2x128x128xf32> to vector<1x128x128xf32>
    %squeeze3A_56 = vector.shape_cast %slice3A_55 : vector<1x128x128xf32> to vector<128x128xf32>
    %dot_general3A_57 = arith.constant dense<0.000000e+00> : vector<1024x128xf32>
    %dot_general3A_58 = tpu.matmul %get3A_54, %squeeze3A_56, %dot_general3A_57 {dimension_numbers = #tpu.dot_dimension_numbers<[1], [0], [0], [1], [0, 0, 1, 1], [], []>, transpose_lhs_hint = false} : vector<1024x128xf32>, vector<128x128xf32>, vector<1024x128xf32> -> vector<1024x128xf32>
    %slice3A_59 = vector.extract_strided_slice %get3A_11 {offsets = [1, 0, 0], sizes = [1, 128, 128], strides = [1, 1, 1]} : vector<2x128x128xf32> to vector<1x128x128xf32>
    %squeeze3A_60 = vector.shape_cast %slice3A_59 : vector<1x128x128xf32> to vector<128x128xf32>
    %dot_general3A_61 = arith.constant dense<0.000000e+00> : vector<1024x128xf32>
    %dot_general3A_62 = tpu.matmul %select_n3A_37, %squeeze3A_60, %dot_general3A_61 {dimension_numbers = #tpu.dot_dimension_numbers<[1], [0], [0], [1], [0, 0, 1, 1], [], []>, transpose_lhs_hint = false} : vector<1024x128xf32>, vector<128x128xf32>, vector<1024x128xf32> -> vector<1024x128xf32>
    %add3A_63 = arith.addf %dot_general3A_58, %dot_general3A_62 : vector<1024x128xf32>
    %slice3A_64 = vector.extract_strided_slice %get3A_14 {offsets = [1, 0], sizes = [1, 128], strides = [1, 1]} : vector<8x128xf32> to vector<1x128xf32>
    %add3A_65 = vector.broadcast %slice3A_64 : vector<1x128xf32> to vector<1024x128xf32>
    %add3A_66 = arith.addf %add3A_63, %add3A_65 : vector<1024x128xf32>
    %slice3A_67 = vector.extract_strided_slice %get3A_14 {offsets = [2, 0], sizes = [1, 128], strides = [1, 1]} : vector<8x128xf32> to vector<1x128xf32>
    %slice3A_68 = vector.extract_strided_slice %get3A_14 {offsets = [3, 0], sizes = [1, 128], strides = [1, 1]} : vector<8x128xf32> to vector<1x128xf32>
    %reduce_sum3A = arith.constant dense<0.000000e+00> : vector<1024xf32>
    %reduce_sum3A_69 = vector.multi_reduction <add>, %add3A_66, %reduce_sum3A [1] : vector<1024x128xf32> to vector<1024xf32>
    %broadcast_in_dim3A_70 = vector.shape_cast %reduce_sum3A_69 : vector<1024xf32> to vector<1024x1xf32>
    %div3A = arith.constant 1.280000e+02 : f32
    %div3A_71 = vector.broadcast %div3A : f32 to vector<1024x1xf32>
    %div3A_72 = arith.divf %broadcast_in_dim3A_70, %div3A_71 : vector<1024x1xf32>
    %sub3A = vector.broadcast %div3A_72 : vector<1024x1xf32> to vector<1024x128xf32>
    %sub3A_73 = arith.subf %add3A_66, %sub3A : vector<1024x128xf32>
    %sub3A_74 = vector.broadcast %div3A_72 : vector<1024x1xf32> to vector<1024x128xf32>
    %sub3A_75 = arith.subf %add3A_66, %sub3A_74 : vector<1024x128xf32>
    %mul3A_76 = arith.mulf %sub3A_73, %sub3A_75 : vector<1024x128xf32>
    %reduce_sum3A_77 = arith.constant dense<0.000000e+00> : vector<1024xf32>
    %reduce_sum3A_78 = vector.multi_reduction <add>, %mul3A_76, %reduce_sum3A_77 [1] : vector<1024x128xf32> to vector<1024xf32>
    %broadcast_in_dim3A_79 = vector.shape_cast %reduce_sum3A_78 : vector<1024xf32> to vector<1024x1xf32>
    %div3A_80 = arith.constant 1.280000e+02 : f32
    %div3A_81 = vector.broadcast %div3A_80 : f32 to vector<1024x1xf32>
    %div3A_82 = arith.divf %broadcast_in_dim3A_79, %div3A_81 : vector<1024x1xf32>
    %sub3A_83 = vector.broadcast %div3A_72 : vector<1024x1xf32> to vector<1024x128xf32>
    %sub3A_84 = arith.subf %add3A_66, %sub3A_83 : vector<1024x128xf32>
    %add3A_85 = arith.constant 9.99999974E-6 : f32
    %add3A_86 = vector.broadcast %add3A_85 : f32 to vector<1024x1xf32>
    %add3A_87 = arith.addf %div3A_82, %add3A_86 : vector<1024x1xf32>
    %rsqrt3A = math.rsqrt %add3A_87 : vector<1024x1xf32>
    %mul3A_88 = vector.broadcast %rsqrt3A : vector<1024x1xf32> to vector<1024x128xf32>
    %mul3A_89 = arith.mulf %sub3A_84, %mul3A_88 : vector<1024x128xf32>
    %mul3A_90 = vector.broadcast %slice3A_67 : vector<1x128xf32> to vector<1024x128xf32>
    %mul3A_91 = arith.mulf %mul3A_89, %mul3A_90 : vector<1024x128xf32>
    %add3A_92 = vector.broadcast %slice3A_68 : vector<1x128xf32> to vector<1024x128xf32>
    %add3A_93 = arith.addf %mul3A_91, %add3A_92 : vector<1024x128xf32>
    %max3A = arith.constant 0.000000e+00 : f32
    %max3A_94 = vector.broadcast %max3A : f32 to vector<1024x128xf32>
    %max3A_95 = arith.maximumf %add3A_93, %max3A_94 : vector<1024x128xf32>
    %swap3A_96 = arith.constant 0 : index
    %swap3A_97 = arith.constant 0 : index
    %swap3A_98 = vector.load %arg12[%swap3A_96, %swap3A_97] : memref<1024x128xf32, #tpu.memory_space<vmem>>, vector<1024x128xf32>
    tpu.vector_store %arg12[%swap3A_96, %swap3A_97], %max3A_95 {strides = array<i32>} : memref<1024x128xf32, #tpu.memory_space<vmem>>, vector<1024x128xf32>,
    return
  }
  func.func @transform_0(%arg0: i32) -> (i32, i32) {
    %c0_i32 = arith.constant 0 : i32
    %c0_i32_0 = arith.constant 0 : i32
    return %arg0, %c0_i32 : i32, i32
  }
  func.func @transform_1(%arg0: i32) -> (i32, i32) {
    %c0_i32 = arith.constant 0 : i32
    %c0_i32_0 = arith.constant 0 : i32
    return %arg0, %c0_i32 : i32, i32
  }
  func.func @transform_2(%arg0: i32) -> (i32, i32) {
    %c0_i32 = arith.constant 0 : i32
    %c0_i32_0 = arith.constant 0 : i32
    return %arg0, %c0_i32 : i32, i32
  }
  func.func @transform_3(%arg0: i32) -> (i32, i32) {
    %c0_i32 = arith.constant 0 : i32
    %c0_i32_0 = arith.constant 0 : i32
    return %arg0, %c0_i32 : i32, i32
  }
  func.func @transform_4(%arg0: i32) -> (i32, i32) {
    %c0_i32 = arith.constant 0 : i32
    %c0_i32_0 = arith.constant 0 : i32
    return %arg0, %c0_i32 : i32, i32
  }
  func.func @transform_5(%arg0: i32) -> (i32, i32) {
    %c0_i32 = arith.constant 0 : i32
    %c0_i32_0 = arith.constant 0 : i32
    return %arg0, %c0_i32 : i32, i32
  }
  func.func @transform_6(%arg0: i32) -> (i32, i32) {
    %c0_i32 = arith.constant 0 : i32
    %c0_i32_0 = arith.constant 0 : i32
    return %arg0, %c0_i32 : i32, i32
  }
  func.func @transform_7(%arg0: i32) -> (i32, i32, i32) {
    %c0_i32 = arith.constant 0 : i32
    %c0_i32_0 = arith.constant 0 : i32
    %c0_i32_1 = arith.constant 0 : i32
    %c0_i32_2 = arith.constant 0 : i32
    return %c0_i32, %c0_i32_0, %c0_i32_1 : i32, i32, i32
  }
  func.func @transform_8(%arg0: i32) -> (i32, i32, i32) {
    %c0_i32 = arith.constant 0 : i32
    %c0_i32_0 = arith.constant 0 : i32
    %c0_i32_1 = arith.constant 0 : i32
    %c0_i32_2 = arith.constant 0 : i32
    return %c0_i32, %c0_i32_0, %c0_i32_1 : i32, i32, i32
  }
  func.func @transform_9(%arg0: i32) -> (i32, i32) {
    %c0_i32 = arith.constant 0 : i32
    %c0_i32_0 = arith.constant 0 : i32
    %c0_i32_1 = arith.constant 0 : i32
    return %c0_i32, %c0_i32_0 : i32, i32
  }
  func.func @transform_10(%arg0: i32) -> (i32, i32) {
    %c0_i32 = arith.constant 0 : i32
    %c0_i32_0 = arith.constant 0 : i32
    return %arg0, %c0_i32 : i32, i32
  }
  func.func @transform_11(%arg0: i32) -> (i32, i32) {
    %c0_i32 = arith.constant 0 : i32
    %c0_i32_0 = arith.constant 0 : i32
    return %arg0, %c0_i32 : i32, i32
  }
}

module attributes {stable_mosaic.version = 14 : i64} {
  func.func @body(%arg0: i32, %arg1: memref<1024x128xf32, #tpu.memory_space<vmem>>, %arg2: memref<1024x128xf32, #tpu.memory_space<vmem>>, %arg3: memref<1024x128xf32, #tpu.memory_space<vmem>>, %arg4: memref<1024x64xf32, #tpu.memory_space<vmem>>, %arg5: memref<1024x64xf32, #tpu.memory_space<vmem>>, %arg6: memref<1024x128xf32, #tpu.memory_space<vmem>>, %arg7: memref<1024x1xi32, #tpu.memory_space<vmem>>, %arg8: memref<128x128xf32, #tpu.memory_space<vmem>>, %arg9: memref<128x128xf32, #tpu.memory_space<vmem>>, %arg10: memref<128x128xf32, #tpu.memory_space<vmem>>, %arg11: memref<8x128xf32, #tpu.memory_space<vmem>>, %arg12: memref<1024x128xf32, #tpu.memory_space<vmem>>, %arg13: memref<64x128xf32, #tpu.memory_space<vmem>>, %arg14: memref<64x128xf32, #tpu.memory_space<vmem>>) attributes {dimension_semantics = [#tpu.dimension_semantics<arbitrary>], iteration_bounds = array<i64: 10>, scalar_prefetch = 0 : i64, scratch_operands = 1 : i64, tpu.core_type = #tpu.core_type<tc>, window_params = [{transform_indices = @transform_0, window_bounds = array<i64: 1024, 128>}, {transform_indices = @transform_1, window_bounds = array<i64: 1024, 128>}, {transform_indices = @transform_2, window_bounds = array<i64: 1024, 128>}, {transform_indices = @transform_3, window_bounds = array<i64: 1024, 64>}, {transform_indices = @transform_4, window_bounds = array<i64: 1024, 64>}, {transform_indices = @transform_5, window_bounds = array<i64: 1024, 128>}, {transform_indices = @transform_6, window_bounds = array<i64: 1024, 1>}, {pipeline_mode = #tpu.pipeline_mode<synchronous>, transform_indices = @transform_7, window_bounds = array<i64: 128, 128>}, {pipeline_mode = #tpu.pipeline_mode<synchronous>, transform_indices = @transform_8, window_bounds = array<i64: 128, 128>}, {pipeline_mode = #tpu.pipeline_mode<synchronous>, transform_indices = @transform_9, window_bounds = array<i64: 128, 128>}, {pipeline_mode = #tpu.pipeline_mode<synchronous>, transform_indices = @transform_10, window_bounds = array<i64: 8, 128>}, {transform_indices = @transform_11, window_bounds = array<i64: 1024, 128>}, {pipeline_mode = #tpu.pipeline_mode<synchronous>, transform_indices = @transform_12, window_bounds = array<i64: 64, 128>}]} {
    %get3A = arith.constant 0 : index
    %get3A_0 = arith.constant 0 : index
    %get3A_1 = vector.load %arg6[%get3A, %get3A_0] : memref<1024x128xf32, #tpu.memory_space<vmem>>, vector<1024x128xf32>
    %slice3A = vector.extract_strided_slice %get3A_1 {offsets = [0, 0], sizes = [1024, 1], strides = [1, 1]} : vector<1024x128xf32> to vector<1024x1xf32>
    %gt3A = arith.constant 0.000000e+00 : f32
    %gt3A_2 = vector.broadcast %gt3A : f32 to vector<1024x1xf32>
    %gt3A_3 = arith.cmpf ogt, %slice3A, %gt3A_2 : vector<1024x1xf32>
    %get3A_4 = arith.constant 0 : index
    %get3A_5 = arith.constant 0 : index
    %get3A_6 = vector.load %arg11[%get3A_4, %get3A_5] : memref<8x128xf32, #tpu.memory_space<vmem>>, vector<8x128xf32>
    %get3A_7 = arith.constant 0 : index
    %get3A_8 = arith.constant 0 : index
    %get3A_9 = vector.load %arg10[%get3A_7, %get3A_8] : memref<128x128xf32, #tpu.memory_space<vmem>>, vector<128x128xf32>
    %get3A_10 = arith.constant 0 : index
    %get3A_11 = arith.constant 0 : index
    %get3A_12 = vector.load %arg4[%get3A_10, %get3A_11] : memref<1024x64xf32, #tpu.memory_space<vmem>>, vector<1024x64xf32>
    %get3A_13 = arith.constant 0 : index
    %get3A_14 = arith.constant 0 : index
    %get3A_15 = vector.load %arg5[%get3A_13, %get3A_14] : memref<1024x64xf32, #tpu.memory_space<vmem>>, vector<1024x64xf32>
    %concatenate3A = tpu.concatenate %get3A_12, %get3A_15 in 1 : vector<1024x64xf32>, vector<1024x64xf32> -> vector<1024x128xf32>
    %mul3A = vector.broadcast %slice3A : vector<1024x1xf32> to vector<1024x128xf32>
    %mul3A_16 = arith.mulf %concatenate3A, %mul3A : vector<1024x128xf32>
    %jit3A = arith.constant 0.000000e+00 : f32
    %broadcast_in_dim3A = vector.shape_cast %gt3A_3 : vector<1024x1xi1> to vector<1024x1xi1>
    %broadcast_in_dim3A_17 = vector.broadcast %broadcast_in_dim3A : vector<1024x1xi1> to vector<1024x128xi1>
    %broadcast_in_dim3A_18 = vector.broadcast %jit3A : f32 to vector<1024x128xf32>
    %select_n3A = arith.select %broadcast_in_dim3A_17, %mul3A_16, %broadcast_in_dim3A_18 : vector<1024x128xi1>, vector<1024x128xf32>
    %get3A_19 = arith.constant 0 : index
    %get3A_20 = arith.constant 0 : index
    %get3A_21 = vector.load %arg3[%get3A_19, %get3A_20] : memref<1024x128xf32, #tpu.memory_space<vmem>>, vector<1024x128xf32>
    %get3A_22 = arith.constant 0 : index
    %get3A_23 = arith.constant 0 : index
    %get3A_24 = vector.load %arg8[%get3A_22, %get3A_23] : memref<128x128xf32, #tpu.memory_space<vmem>>, vector<128x128xf32>
    %dot_general3A = arith.constant dense<0.000000e+00> : vector<1024x128xf32>
    %dot_general3A_25 = tpu.matmul %get3A_21, %get3A_24, %dot_general3A {dimension_numbers = #tpu.dot_dimension_numbers<[1], [0], [0], [1], [0, 0, 1, 1], [], []>, transpose_lhs_hint = false} : vector<1024x128xf32>, vector<128x128xf32>, vector<1024x128xf32> -> vector<1024x128xf32>
    %get3A_26 = arith.constant 0 : index
    %get3A_27 = arith.constant 0 : index
    %get3A_28 = vector.load %arg9[%get3A_26, %get3A_27] : memref<128x128xf32, #tpu.memory_space<vmem>>, vector<128x128xf32>
    %dot_general3A_29 = arith.constant dense<0.000000e+00> : vector<1024x128xf32>
    %dot_general3A_30 = tpu.matmul %select_n3A, %get3A_28, %dot_general3A_29 {dimension_numbers = #tpu.dot_dimension_numbers<[1], [0], [0], [1], [0, 0, 1, 1], [], []>, transpose_lhs_hint = false} : vector<1024x128xf32>, vector<128x128xf32>, vector<1024x128xf32> -> vector<1024x128xf32>
    %add3A = arith.addf %dot_general3A_25, %dot_general3A_30 : vector<1024x128xf32>
    %slice3A_31 = vector.extract_strided_slice %get3A_6 {offsets = [3, 0], sizes = [1, 128], strides = [1, 1]} : vector<8x128xf32> to vector<1x128xf32>
    %add3A_32 = vector.broadcast %slice3A_31 : vector<1x128xf32> to vector<1024x128xf32>
    %add3A_33 = arith.addf %add3A, %add3A_32 : vector<1024x128xf32>
    %get3A_34 = arith.constant 0 : index
    %get3A_35 = arith.constant 0 : index
    %get3A_36 = vector.load %arg1[%get3A_34, %get3A_35] : memref<1024x128xf32, #tpu.memory_space<vmem>>, vector<1024x128xf32>
    %get3A_37 = arith.constant 0 : index
    %get3A_38 = arith.constant 0 : index
    %get3A_39 = vector.load %arg2[%get3A_37, %get3A_38] : memref<1024x128xf32, #tpu.memory_space<vmem>>, vector<1024x128xf32>
    %add3A_40 = arith.addf %get3A_36, %get3A_39 : vector<1024x128xf32>
    %add3A_41 = arith.addf %add3A_40, %add3A_33 : vector<1024x128xf32>
    %dot_general3A_42 = arith.constant dense<0.000000e+00> : vector<1024x128xf32>
    %dot_general3A_43 = tpu.matmul %add3A_41, %get3A_9, %dot_general3A_42 {dimension_numbers = #tpu.dot_dimension_numbers<[1], [0], [0], [1], [0, 0, 1, 1], [], []>, transpose_lhs_hint = false} : vector<1024x128xf32>, vector<128x128xf32>, vector<1024x128xf32> -> vector<1024x128xf32>
    %slice3A_44 = vector.extract_strided_slice %get3A_6 {offsets = [0, 0], sizes = [1, 128], strides = [1, 1]} : vector<8x128xf32> to vector<1x128xf32>
    %add3A_45 = vector.broadcast %slice3A_44 : vector<1x128xf32> to vector<1024x128xf32>
    %add3A_46 = arith.addf %dot_general3A_43, %add3A_45 : vector<1024x128xf32>
    %slice3A_47 = vector.extract_strided_slice %get3A_6 {offsets = [1, 0], sizes = [1, 128], strides = [1, 1]} : vector<8x128xf32> to vector<1x128xf32>
    %slice3A_48 = vector.extract_strided_slice %get3A_6 {offsets = [2, 0], sizes = [1, 128], strides = [1, 1]} : vector<8x128xf32> to vector<1x128xf32>
    %reduce_sum3A = arith.constant dense<0.000000e+00> : vector<1024xf32>
    %reduce_sum3A_49 = vector.multi_reduction <add>, %add3A_46, %reduce_sum3A [1] : vector<1024x128xf32> to vector<1024xf32>
    %broadcast_in_dim3A_50 = vector.shape_cast %reduce_sum3A_49 : vector<1024xf32> to vector<1024x1xf32>
    %div3A = arith.constant 1.280000e+02 : f32
    %div3A_51 = vector.broadcast %div3A : f32 to vector<1024x1xf32>
    %div3A_52 = arith.divf %broadcast_in_dim3A_50, %div3A_51 : vector<1024x1xf32>
    %sub3A = vector.broadcast %div3A_52 : vector<1024x1xf32> to vector<1024x128xf32>
    %sub3A_53 = arith.subf %add3A_46, %sub3A : vector<1024x128xf32>
    %sub3A_54 = vector.broadcast %div3A_52 : vector<1024x1xf32> to vector<1024x128xf32>
    %sub3A_55 = arith.subf %add3A_46, %sub3A_54 : vector<1024x128xf32>
    %mul3A_56 = arith.mulf %sub3A_53, %sub3A_55 : vector<1024x128xf32>
    %reduce_sum3A_57 = arith.constant dense<0.000000e+00> : vector<1024xf32>
    %reduce_sum3A_58 = vector.multi_reduction <add>, %mul3A_56, %reduce_sum3A_57 [1] : vector<1024x128xf32> to vector<1024xf32>
    %broadcast_in_dim3A_59 = vector.shape_cast %reduce_sum3A_58 : vector<1024xf32> to vector<1024x1xf32>
    %div3A_60 = arith.constant 1.280000e+02 : f32
    %div3A_61 = vector.broadcast %div3A_60 : f32 to vector<1024x1xf32>
    %div3A_62 = arith.divf %broadcast_in_dim3A_59, %div3A_61 : vector<1024x1xf32>
    %sub3A_63 = vector.broadcast %div3A_52 : vector<1024x1xf32> to vector<1024x128xf32>
    %sub3A_64 = arith.subf %add3A_46, %sub3A_63 : vector<1024x128xf32>
    %add3A_65 = arith.constant 9.99999974E-6 : f32
    %add3A_66 = vector.broadcast %add3A_65 : f32 to vector<1024x1xf32>
    %add3A_67 = arith.addf %div3A_62, %add3A_66 : vector<1024x1xf32>
    %rsqrt3A = math.rsqrt %add3A_67 : vector<1024x1xf32>
    %mul3A_68 = vector.broadcast %rsqrt3A : vector<1024x1xf32> to vector<1024x128xf32>
    %mul3A_69 = arith.mulf %sub3A_64, %mul3A_68 : vector<1024x128xf32>
    %mul3A_70 = vector.broadcast %slice3A_47 : vector<1x128xf32> to vector<1024x128xf32>
    %mul3A_71 = arith.mulf %mul3A_69, %mul3A_70 : vector<1024x128xf32>
    %add3A_72 = vector.broadcast %slice3A_48 : vector<1x128xf32> to vector<1024x128xf32>
    %add3A_73 = arith.addf %mul3A_71, %add3A_72 : vector<1024x128xf32>
    %max3A = arith.constant 0.000000e+00 : f32
    %max3A_74 = vector.broadcast %max3A : f32 to vector<1024x128xf32>
    %max3A_75 = arith.maximumf %add3A_73, %max3A_74 : vector<1024x128xf32>
    %swap3A = arith.constant 0 : index
    %swap3A_76 = arith.constant 0 : index
    %swap3A_77 = vector.load %arg12[%swap3A, %swap3A_76] : memref<1024x128xf32, #tpu.memory_space<vmem>>, vector<1024x128xf32>
    tpu.vector_store %arg12[%swap3A, %swap3A_76], %max3A_75 {strides = array<i32>} : memref<1024x128xf32, #tpu.memory_space<vmem>>, vector<1024x128xf32>,
    %eq3A = arith.constant 0 : i32
    %eq3A_78 = arith.cmpi eq, %arg0, %eq3A : i32
    %convert_element_type3A = arith.extui %eq3A_78 : i1 to i32
    %cond3A = arith.constant 0 : i32
    %cond3A_79 = arith.cmpi ne, %convert_element_type3A, %cond3A : i32
    scf.if %cond3A_79 {
      %broadcast_in_dim3A_101 = arith.constant 0.000000e+00 : f32
      %broadcast_in_dim3A_102 = vector.broadcast %broadcast_in_dim3A_101 : f32 to vector<64x128xf32>
      %swap3A_103 = arith.constant 0 : index
      %swap3A_104 = arith.constant 0 : index
      %swap3A_105 = vector.load %arg14[%swap3A_103, %swap3A_104] : memref<64x128xf32, #tpu.memory_space<vmem>>, vector<64x128xf32>
      tpu.vector_store %arg14[%swap3A_103, %swap3A_104], %broadcast_in_dim3A_102 {strides = array<i32>} : memref<64x128xf32, #tpu.memory_space<vmem>>, vector<64x128xf32>,
    } else {
    }
    %get3A_80 = arith.constant 0 : index
    %get3A_81 = arith.constant 0 : index
    %get3A_82 = vector.load %arg7[%get3A_80, %get3A_81] : memref<1024x1xi32, #tpu.memory_space<vmem>>, vector<1024x1xi32>
    %iota3A = tpu.iota {dimensions = array<i32: 1>} : vector<1024x64xi32>
    %eq3A_83 = vector.broadcast %get3A_82 : vector<1024x1xi32> to vector<1024x64xi32>
    %eq3A_84 = arith.cmpi eq, %eq3A_83, %iota3A : vector<1024x64xi32>
    %convert_element_type3A_85 = arith.extui %eq3A_84 : vector<1024x64xi1> to vector<1024x64xi32>
    %convert_element_type3A_86 = arith.sitofp %convert_element_type3A_85 : vector<1024x64xi32> to vector<1024x64xf32>
    %get3A_87 = arith.constant 0 : index
    %get3A_88 = arith.constant 0 : index
    %get3A_89 = vector.load %arg14[%get3A_87, %get3A_88] : memref<64x128xf32, #tpu.memory_space<vmem>>, vector<64x128xf32>
    %dot_general3A_90 = arith.constant dense<0.000000e+00> : vector<64x128xf32>
    %dot_general3A_91 = tpu.matmul %convert_element_type3A_86, %add3A_41, %dot_general3A_90 {dimension_numbers = #tpu.dot_dimension_numbers<[0], [0], [1], [1], [0, 1, 1, 1], [], []>, transpose_lhs_hint = false} : vector<1024x64xf32>, vector<1024x128xf32>, vector<64x128xf32> -> vector<64x128xf32>
    %add3A_92 = arith.addf %get3A_89, %dot_general3A_91 : vector<64x128xf32>
    %swap3A_93 = arith.constant 0 : index
    %swap3A_94 = arith.constant 0 : index
    %swap3A_95 = vector.load %arg14[%swap3A_93, %swap3A_94] : memref<64x128xf32, #tpu.memory_space<vmem>>, vector<64x128xf32>
    tpu.vector_store %arg14[%swap3A_93, %swap3A_94], %add3A_92 {strides = array<i32>} : memref<64x128xf32, #tpu.memory_space<vmem>>, vector<64x128xf32>,
    %eq3A_96 = arith.constant 9 : i32
    %eq3A_97 = arith.cmpi eq, %arg0, %eq3A_96 : i32
    %convert_element_type3A_98 = arith.extui %eq3A_97 : i1 to i32
    %cond3A_99 = arith.constant 0 : i32
    %cond3A_100 = arith.cmpi ne, %convert_element_type3A_98, %cond3A_99 : i32
    scf.if %cond3A_100 {
      %get3A_101 = arith.constant 0 : index
      %get3A_102 = arith.constant 0 : index
      %get3A_103 = vector.load %arg14[%get3A_101, %get3A_102] : memref<64x128xf32, #tpu.memory_space<vmem>>, vector<64x128xf32>
      %dot_general3A_104 = arith.constant dense<0.000000e+00> : vector<64x128xf32>
      %dot_general3A_105 = tpu.matmul %get3A_103, %get3A_9, %dot_general3A_104 {dimension_numbers = #tpu.dot_dimension_numbers<[1], [0], [0], [1], [0, 0, 1, 1], [], []>, transpose_lhs_hint = false} : vector<64x128xf32>, vector<128x128xf32>, vector<64x128xf32> -> vector<64x128xf32>
      %slice3A_106 = vector.extract_strided_slice %get3A_6 {offsets = [0, 0], sizes = [1, 128], strides = [1, 1]} : vector<8x128xf32> to vector<1x128xf32>
      %add3A_107 = vector.broadcast %slice3A_106 : vector<1x128xf32> to vector<64x128xf32>
      %add3A_108 = arith.addf %dot_general3A_105, %add3A_107 : vector<64x128xf32>
      %slice3A_109 = vector.extract_strided_slice %get3A_6 {offsets = [1, 0], sizes = [1, 128], strides = [1, 1]} : vector<8x128xf32> to vector<1x128xf32>
      %slice3A_110 = vector.extract_strided_slice %get3A_6 {offsets = [2, 0], sizes = [1, 128], strides = [1, 1]} : vector<8x128xf32> to vector<1x128xf32>
      %reduce_sum3A_111 = arith.constant dense<0.000000e+00> : vector<64xf32>
      %reduce_sum3A_112 = vector.multi_reduction <add>, %add3A_108, %reduce_sum3A_111 [1] : vector<64x128xf32> to vector<64xf32>
      %broadcast_in_dim3A_113 = vector.shape_cast %reduce_sum3A_112 : vector<64xf32> to vector<64x1xf32>
      %div3A_114 = arith.constant 1.280000e+02 : f32
      %div3A_115 = vector.broadcast %div3A_114 : f32 to vector<64x1xf32>
      %div3A_116 = arith.divf %broadcast_in_dim3A_113, %div3A_115 : vector<64x1xf32>
      %sub3A_117 = vector.broadcast %div3A_116 : vector<64x1xf32> to vector<64x128xf32>
      %sub3A_118 = arith.subf %add3A_108, %sub3A_117 : vector<64x128xf32>
      %sub3A_119 = vector.broadcast %div3A_116 : vector<64x1xf32> to vector<64x128xf32>
      %sub3A_120 = arith.subf %add3A_108, %sub3A_119 : vector<64x128xf32>
      %mul3A_121 = arith.mulf %sub3A_118, %sub3A_120 : vector<64x128xf32>
      %reduce_sum3A_122 = arith.constant dense<0.000000e+00> : vector<64xf32>
      %reduce_sum3A_123 = vector.multi_reduction <add>, %mul3A_121, %reduce_sum3A_122 [1] : vector<64x128xf32> to vector<64xf32>
      %broadcast_in_dim3A_124 = vector.shape_cast %reduce_sum3A_123 : vector<64xf32> to vector<64x1xf32>
      %div3A_125 = arith.constant 1.280000e+02 : f32
      %div3A_126 = vector.broadcast %div3A_125 : f32 to vector<64x1xf32>
      %div3A_127 = arith.divf %broadcast_in_dim3A_124, %div3A_126 : vector<64x1xf32>
      %sub3A_128 = vector.broadcast %div3A_116 : vector<64x1xf32> to vector<64x128xf32>
      %sub3A_129 = arith.subf %add3A_108, %sub3A_128 : vector<64x128xf32>
      %add3A_130 = arith.constant 9.99999974E-6 : f32
      %add3A_131 = vector.broadcast %add3A_130 : f32 to vector<64x1xf32>
      %add3A_132 = arith.addf %div3A_127, %add3A_131 : vector<64x1xf32>
      %rsqrt3A_133 = math.rsqrt %add3A_132 : vector<64x1xf32>
      %mul3A_134 = vector.broadcast %rsqrt3A_133 : vector<64x1xf32> to vector<64x128xf32>
      %mul3A_135 = arith.mulf %sub3A_129, %mul3A_134 : vector<64x128xf32>
      %mul3A_136 = vector.broadcast %slice3A_109 : vector<1x128xf32> to vector<64x128xf32>
      %mul3A_137 = arith.mulf %mul3A_135, %mul3A_136 : vector<64x128xf32>
      %add3A_138 = vector.broadcast %slice3A_110 : vector<1x128xf32> to vector<64x128xf32>
      %add3A_139 = arith.addf %mul3A_137, %add3A_138 : vector<64x128xf32>
      %max3A_140 = arith.constant 0.000000e+00 : f32
      %max3A_141 = vector.broadcast %max3A_140 : f32 to vector<64x128xf32>
      %max3A_142 = arith.maximumf %add3A_139, %max3A_141 : vector<64x128xf32>
      %swap3A_143 = arith.constant 0 : index
      %swap3A_144 = arith.constant 0 : index
      %swap3A_145 = vector.load %arg13[%swap3A_143, %swap3A_144] : memref<64x128xf32, #tpu.memory_space<vmem>>, vector<64x128xf32>
      tpu.vector_store %arg13[%swap3A_143, %swap3A_144], %max3A_142 {strides = array<i32>} : memref<64x128xf32, #tpu.memory_space<vmem>>, vector<64x128xf32>,
    } else {
    }
    return
  }
  func.func @transform_0(%arg0: i32) -> (i32, i32) {
    %c0_i32 = arith.constant 0 : i32
    %c0_i32_0 = arith.constant 0 : i32
    return %arg0, %c0_i32 : i32, i32
  }
  func.func @transform_1(%arg0: i32) -> (i32, i32) {
    %c0_i32 = arith.constant 0 : i32
    %c0_i32_0 = arith.constant 0 : i32
    return %arg0, %c0_i32 : i32, i32
  }
  func.func @transform_2(%arg0: i32) -> (i32, i32) {
    %c0_i32 = arith.constant 0 : i32
    %c0_i32_0 = arith.constant 0 : i32
    return %arg0, %c0_i32 : i32, i32
  }
  func.func @transform_3(%arg0: i32) -> (i32, i32) {
    %c0_i32 = arith.constant 0 : i32
    %c0_i32_0 = arith.constant 0 : i32
    return %arg0, %c0_i32 : i32, i32
  }
  func.func @transform_4(%arg0: i32) -> (i32, i32) {
    %c0_i32 = arith.constant 0 : i32
    %c0_i32_0 = arith.constant 0 : i32
    return %arg0, %c0_i32 : i32, i32
  }
  func.func @transform_5(%arg0: i32) -> (i32, i32) {
    %c0_i32 = arith.constant 0 : i32
    %c0_i32_0 = arith.constant 0 : i32
    return %arg0, %c0_i32 : i32, i32
  }
  func.func @transform_6(%arg0: i32) -> (i32, i32) {
    %c0_i32 = arith.constant 0 : i32
    %c0_i32_0 = arith.constant 0 : i32
    return %arg0, %c0_i32 : i32, i32
  }
  func.func @transform_7(%arg0: i32) -> (i32, i32) {
    %c0_i32 = arith.constant 0 : i32
    %c0_i32_0 = arith.constant 0 : i32
    %c0_i32_1 = arith.constant 0 : i32
    return %c0_i32, %c0_i32_0 : i32, i32
  }
  func.func @transform_8(%arg0: i32) -> (i32, i32) {
    %c0_i32 = arith.constant 0 : i32
    %c0_i32_0 = arith.constant 0 : i32
    %c0_i32_1 = arith.constant 0 : i32
    return %c0_i32, %c0_i32_0 : i32, i32
  }
  func.func @transform_9(%arg0: i32) -> (i32, i32) {
    %c0_i32 = arith.constant 0 : i32
    %c0_i32_0 = arith.constant 0 : i32
    %c0_i32_1 = arith.constant 0 : i32
    return %c0_i32, %c0_i32_0 : i32, i32
  }
  func.func @transform_10(%arg0: i32) -> (i32, i32) {
    %c0_i32 = arith.constant 0 : i32
    %c0_i32_0 = arith.constant 0 : i32
    %c0_i32_1 = arith.constant 0 : i32
    return %c0_i32, %c0_i32_0 : i32, i32
  }
  func.func @transform_11(%arg0: i32) -> (i32, i32) {
    %c0_i32 = arith.constant 0 : i32
    %c0_i32_0 = arith.constant 0 : i32
    return %arg0, %c0_i32 : i32, i32
  }
  func.func @transform_12(%arg0: i32) -> (i32, i32) {
    %c0_i32 = arith.constant 0 : i32
    %c0_i32_0 = arith.constant 0 : i32
    %c0_i32_1 = arith.constant 0 : i32
    return %c0_i32, %c0_i32_0 : i32, i32
  }
}

</mosaic_0001>

<sc_bundles>
// kernel: kernel.11.cloned.1.call-start
scs
__scs_entry_jumppad:
0x0: {  	(pc) =	sbr.rel $0x88, $3  }
0x1: {  	(tag) =	ssettag $0x0;
	lr =	simm.s32 $0x1  }
0x2: {  	[smem:$0x3F7C] =	sst lr;
	_ =	strace $0xD0000000  }
0x3: {  	_ = 	snop  }
0x4: {  	_ = 	snop  }
0x5: {  	_ = 	snop  }
0x6: {  	_ = 	snop  }
0x7: {  	_ = 	snop  }
__scs_overlays_trampoline_lowered:
0x8: {  	[smem:$0x3F8B] =	sst s0  }
0x9: {  	[smem:$0x3F8C] =	sst s1  }
0xa: {  	[smem:$0x3F8D] =	sst s2  }
0xb: {  	[smem:$0x3F8E] =	sst s3  }
0xc: {  	[smem:$0x3F8F] =	sst s4  }
0xd: {  	[smem:$0x3F90] =	sst s5  }
0xe: {  	[smem:$0x3F91] =	sst s6  }
0xf: {  	[smem:$0x3F92] =	sst s7  }
0x10: {  	[smem:$0x3F93] =	sst s8  }
0x11: {  	[smem:$0x3F94] =	sst s9;
	s0 =	simm.s32 @!p0 $0x0  }
0x12: {  	s1 =	sld [smem:$0x3F7A];
	s0 =	simm.s32 @p0 $0x1  }
0x13: {  	[smem:$0x3F95] =	sst s0;
	s0 =	simm.s32 @!p1 $0x0  }
0x14: {  	s2 =	sld [smem:$0x3F79];
	s0 =	simm.s32 @p1 $0x1  }
0x15: {  	[smem:$0x3F96] =	sst s0;
	s0 =	simm.s32 @!p2 $0x0  }
0x16: {  	s3 =	sld [smem:$0x3FDB];
	s0 =	simm.s32 @p2 $0x1  }
0x17: {  	s4 =	simm.s32 $0x1BF5;
	[smem:$0x3F98] =	sst s0  }
0x18: {  	s0 =	sld [smem:$0x3F7B];
	_ =	swait.ge [sflag:s4], $0x0  }
0x19: {  	s7 =	sld [smem:$0x3F7C]  }
0x1a: {  	s8 =	sadd.s32 $0xFFFFE003, lr  }
0x1b: {  	s9 =	sadd.s32 $0xFFFFFEF7, lr;
	s5 =	simm.s32 $0xFFFFFFFF;
	p2 =	slt.u32 s8, $0xFFFFF086  }
0x1c: {  	p1 =	slt.u32 s9, $0xF7A;
	s5 =	simm.s32 @!p2 $0x0  }
0x1d: {  	s5 =	simm.s32 @p1 $0x1;
	p0 =	seq.s32 s7, s2  }
0x1e: {  	s7 =	smul.u32 @!p0 $0xF7A, s2;
	p2 =	seq.s32 @!p0 s5, $0x0  }
0x1f: {  	s9 =	smul.u32 $0xF7A, s1;
	s8 =	simm.s32 @!p0 $0x1BF5;
	p2 =	por !p2, p0  }
0x20: {  	[sflag:s8] =	ssyncset.s32 @!p0 $0xFFFFF086;
	s6 =	sadd.s32 @!p0 s3, s7;
	s7 =	simm.s32 @!p0 $0x108  }
0x21: {  	s3 =	sadd.s32 s3, s9;
	s6 =	sadd.s32 @!p0 $0x88, s6;
	s7 =	simm.s32 @p2 $0x1082  }
0x22: {  	[simem:s7], [sflag:s8] =	dma.local @!p0 [hbm:s6], $0xF7A  }
0x23: {  	s9 =	sor.u32 $0xD0000000, s2;
	s6 =	simm.s32 $0x108;
	_ =	swait.ge @!p0 [sflag:s8], $0x0  }
0x24: {  	s3 =	sadd.s32 $0x88, s3;
	s6 =	simm.s32 @!p1 $0x1082;
	[sflag:s4] =	ssyncset.s32 $0xFFFFF086  }
0x25: {  	[simem:s6], [sflag:s4] =	dma.local [hbm:s3], $0xF7A  }
0x26: {  	[smem:$0x3F7C] =	sst s1;
	(tag) =	ssettag s2;
	_ =	strace s9  }
0x27: {  	s1 =	sld [smem:$0x3F8C]  }
0x28: {  	s2 =	sld [smem:$0x3F8D]  }
0x29: {  	s4 =	sld [smem:$0x3F8F]  }
0x2a: {  	p0 =	seq.s32 s5, $0x0;
	s5 =	sld [smem:$0x3F90]  }
0x2b: {  	s6 =	sld [smem:$0x3F91]  }
0x2c: {  	s7 =	sld [smem:$0x3F92]  }
0x2d: {  	s3 =	simm.s32 $0x108;
	s8 =	sld [smem:$0x3F93]  }
0x2e: {  	s3 =	simm.s32 @!p0 $0x1082;
	s9 =	sld [smem:$0x3F94]  }
0x2f: {  	lr =	sadd.s32 s0, s3;
	s0 =	sld [smem:$0x3F8B]  }
0x30: {  	s3 =	sld [smem:$0x3F8E]  }
0x31: {  	[smem:$0x3F97] =	sst s10  }
0x32: {  	s10 =	sld [smem:$0x3F95];
	_ =	sdelay $0x3  }
0x33: {  	p0 =	seq.s32 s10, $0x1;
	s10 =	sld [smem:$0x3F97];
	_ =	sdelay $0x3  }
0x34: {  	[smem:$0x3F97] =	sst s10  }
0x35: {  	s10 =	sld [smem:$0x3F96];
	_ =	sdelay $0x3  }
0x36: {  	p1 =	seq.s32 s10, $0x1;
	s10 =	sld [smem:$0x3F97];
	_ =	sdelay $0x3  }
0x37: {  	[smem:$0x3F97] =	sst s10  }
0x38: {  	s10 =	sld [smem:$0x3F98]  }
0x39: {  	_ = 	snop;
	(pc) =	sbr.ind lr, $3  }
0x3a: {  	_ = 	snop  }
0x3b: {  	_ = 	snop  }
0x3c: {  	p2 =	seq.s32 s10, $0x1;
	s10 =	sld [smem:$0x3F97]  }
0x3d: {  	_ =	shalt  }
0x3e: {  	_ =	shalt  }
0x3f: {  	_ =	shalt  }
0x40: {  	_ =	shalt  }
0x41: {  	_ =	shalt  }
0x42: {  	_ =	shalt  }
0x43: {  	_ =	shalt  }
0x44: {  	_ =	shalt  }
0x45: {  	_ =	shalt  }
0x46: {  	_ =	shalt  }
0x47: {  	_ =	shalt  }
0x48: {  	_ =	shalt  }
0x49: {  	_ =	shalt  }
0x4a: {  	_ =	shalt  }
0x4b: {  	_ =	shalt  }
0x4c: {  	_ =	shalt  }
0x4d: {  	_ =	shalt  }
0x4e: {  	_ =	shalt  }
0x4f: {  	_ =	shalt  }
0x50: {  	_ =	shalt  }
0x51: {  	_ =	shalt  }
0x52: {  	_ =	shalt  }
0x53: {  	_ =	shalt  }
0x54: {  	_ =	shalt  }
0x55: {  	_ =	shalt  }
0x56: {  	_ =	shalt  }
0x57: {  	_ =	shalt  }
0x58: {  	_ =	shalt  }
0x59: {  	_ =	shalt  }
0x5a: {  	_ =	shalt  }
0x5b: {  	_ =	shalt  }
0x5c: {  	_ =	shalt  }
0x5d: {  	_ =	shalt  }
0x5e: {  	_ =	shalt  }
0x5f: {  	_ =	shalt  }
0x60: {  	_ =	shalt  }
0x61: {  	_ =	shalt  }
0x62: {  	_ =	shalt  }
0x63: {  	_ =	shalt  }
0x64: {  	_ =	shalt  }
0x65: {  	_ =	shalt  }
0x66: {  	_ =	shalt  }
0x67: {  	_ =	shalt  }
0x68: {  	_ =	shalt  }
0x69: {  	_ =	shalt  }
0x6a: {  	_ =	shalt  }
0x6b: {  	_ =	shalt  }
0x6c: {  	_ =	shalt  }
0x6d: {  	_ =	shalt  }
0x6e: {  	_ =	shalt  }
0x6f: {  	_ =	shalt  }
0x70: {  	_ =	shalt  }
0x71: {  	_ =	shalt  }
0x72: {  	_ =	shalt  }
0x73: {  	_ =	shalt  }
0x74: {  	_ =	shalt  }
0x75: {  	_ =	shalt  }
0x76: {  	_ =	shalt  }
0x77: {  	_ =	shalt  }
0x78: {  	_ =	shalt  }
0x79: {  	_ =	shalt  }
0x7a: {  	_ =	shalt  }
0x7b: {  	_ =	shalt  }
0x7c: {  	_ =	shalt  }
0x7d: {  	_ =	shalt  }
0x7e: {  	_ =	shalt  }
0x7f: {  	_ =	shalt  }
0x80: {  	_ =	shalt  }
0x81: {  	_ =	shalt  }
0x82: {  	_ =	shalt  }
0x83: {  	_ =	shalt  }
0x84: {  	_ =	shalt  }
0x85: {  	_ =	shalt  }
0x86: {  	_ =	shalt  }
0x87: {  	_ =	shalt  }
.Lfunc_end0:
.L_simem_size_0:
called_computation.1_lowered:
.L_overlay_start_0:
0x88: {  	s2 =	sld [smem:$0x3FD9]  }
0x89: {  	s3 =	sld [smem:$0x3FFE];
	_ =	sdelay $0x1  }
0x8a: {  	s1 =	srdreg.scid  }
0x8b: {  	s0 =	sand.u32 $0x1, s1  }
0x8c: {  	s14 =	sshll.u32 s0, $0xA;
	s2 =	sadd.s32 s3, s2  }
0x8d: {  	s2 =	sadd.s32 s2, s14  }
0x8e: {  	[smem:$0x3FA3] =	sst s2  }
0x8f: {  	_ = 	snop  }
0x90: {  	s2 =	sld [smem:$0x3FD0];
	_ =	sdelay $0x2  }
0x91: {  	s15 =	simm.s32 $0xA;
	s4 =	simm.s32 $0x10  }
0x92: {  	[smem:s4], [sflag:s15] =	dma.local [hbm:s2], $0x1  }
0x93: {  	_ =	swait.eq [sflag:s15], $0x1  }
0x94: {  	[sflag:s15] =	ssyncset.done $0x0  }
0x95: {  	[sflag:s15] =	ssyncadd.s32 $0xFFFFFFFF  }
0x96: {  	s16 =	sld [smem:$0x10];
	(tm) =	ssettm $0x1  }
0x97: {  	s17 =	sld [smem:$0x3FFB];
	_ =	sdelay $0x3  }
0x98: {  	_ =	strace s17  }
0x99: {  	s3 =	sld [smem:$0x3FFC];
	_ =	sdelay $0x3  }
0x9a: {  	_ =	strace s3  }
0x9b: {  	s3 =	sld [smem:$0x3FFD];
	_ =	sdelay $0x3  }
0x9c: {  	_ =	strace s3  }
0x9d: {  	_ =	strace $0x8FFFFFFF  }
0x9e: {  	s18 =	sld [smem:$0x3FDB];
	_ =	sdelay $0x1  }
0x9f: {  	s19 =	simm.s32 $_scs_section_size  }
0xa0: {  	s5 =	simm.s32 $_size__tile_overlayer_lowered;
	s6 =	simm.s32 $_tile_overlayer_lowered  }
0xa1: {  	s22 =	simm.s32 $0x1BFF;
	s21 =	sshll.u32 s6, $0x1;
	s3 =	sadd.s32 s19, s18  }
0xa2: {  	s7 =	simm.s32 $0x0;
	s20 =	sshll.u32 s5, $0x1;
	s5 =	sadd.s32 s21, s3  }
0xa3: {  	[timem:s7], [sflag:s22] =	dma.local [hbm:s5], s20  }
0xa4: {  	_ =	swait.ge [sflag:s22], s20  }
0xa5: {  	s4 =	ssub.s32 $0x0, s20;
	[sflag:s22] =	ssyncset.done $0x0  }
0xa6: {  	[sflag:s22] =	ssyncadd.s32 s4;
	_ =	sdelay $0x1  }
0xa7: {  	s23 =	simm.s32 $0x1B8B  }
0xa8: {  	_ =	swait.ge [sflag:s23], $0x1  }
0xa9: {  	[sflag:s23] =	ssyncset.done $0x0  }
0xaa: {  	s25 =	simm.s32 $0x1B8E;
	s24 =	sld [smem:$0x3FFE];
	[sflag:s23] =	ssyncadd.s32 $0xFFFFFFFF  }
0xab: {  	s26 =	simm.s32 $execute0_lowered;
	[smem:$0x3FD2] =	sst s25  }
0xac: {  	s5 =	sshll.u32 s26, $0x1;
	_ =	strace $0x80000049;
	[dreg:$0x1] =	wrdreg $0xFFFFFFFF  }
0xad: {  	s28 =	simm.s32 $_size_execute0_lowered;
	s3 =	sadd.s32 s3, s5;
	[dreg:$0x0] =	wrdreg $0x0  }
0xae: {  	s5 =	sshll.u32 s28, $0x1;
	[dreg:$0x2] =	wrdreg s3  }
0xaf: {  	[dreg:$0x3] =	wrdreg s5  }
0xb0: {  	[dreg:$0x4] =	wrdreg $0xC0  }
0xb1: {  	_ =	task [dreg:s7], $0x5FFFF  }
0xb2: {  	[dreg:$0x1] =	wrdreg $0xFFFFFFFF  }
0xb3: {  	[dreg:$0x0] =	wrdreg $0x60  }
0xb4: {  	[dreg:$0x2] =	wrdreg s24  }
0xb5: {  	[dreg:$0x3] =	wrdreg s16  }
0xb6: {  	[dreg:$0x4] =	wrdreg $0xDE000  }
0xb7: {  	[dreg:$0x5] =	wrdreg $0x9  }
0xb8: {  	_ =	task.clear_ibuf [dreg:s7], $0x6FFFF;
	_ =	strace $0x90000049  }
0xb9: {  	s29 =	simm.s32 $0x9;
	_ =	strace $0x8000004B  }
0xba: {  	_ =	swait.ge [sflag:s29], $0x1  }
0xbb: {  	[sflag:s29] =	ssyncadd.s32 $0xFFFFFFFF  }
0xbc: {  	_ =	strace $0x9000004B  }
0xbd: {  	_ =	sfence  }
0xbe: {  	s30 =	sld [smem:$0x0];
	_ =	sdelay $0x2  }
0xbf: {  	s31 =	sshll.u32 s1, $0xD;
	s1 =	sshrl.u32 s1, $0x2  }
0xc0: {  	s3 =	sand.u32 $0x4000, s31;
	s1 =	sadd.s32 s1, s30  }
0xc1: {  	s0 =	sor.u32 s3, s0;
	s1 =	sshll.u32 s1, $0x11  }
0xc2: {  	s0 =	sor.u32 s1, s0  }
0xc3: {  	s0 =	sadd.s32 $0x8F2B, s0  }
0xc4: {  	[sflag:s0] =	ssyncadd.remote.s32 $0x1  }
0xc5: {  	_ =	sfence.sel $0xFFFF  }
0xc6: {  	[dreg:$0x0] =	wrdreg $0xFFFFFFFF;
	(pc) =	sbr.abs _section_cstart, $3  }
0xc7: {  	[dreg:$0x1] =	wrdreg $0xFFFFFFFF  }
0xc8: {  	_ =	task.clear_ibuf [dreg:s7], $0x2FFFF;
	_ =	strace $0x9FFFFFFF  }
0xc9: {  	(tm) =	ssettm $0x7FFFFFFF  }
tec
execute0_lowered:
.L_overlay_start_1:
0x0: {  	(tag) =	ssettag $0x1  }
0x1: {  	s6 =	rddreg [dreg:$0x0]  }
0x2: {  	s7 =	rddreg [dreg:$0x1]  }
0x3: {  	s1 =	rddreg [dreg:$0x2]  }
0x4: {  	s0 =	rddreg [dreg:$0x3];
	s3 =	simm.s32 $0x0  }
0x5: {  	s2 =	stileid.u32;
	s8 =	srdreg.scid;
	s20 =	simm.s32 $0x2  }
0x6: {  	s21 =	simm.s32 $0x4E80;
	s22 =	simm.s32 $0x9D00;
	s23 =	simm.s32 $0x9D80  }
0x7: {  	s24 =	simm.s32 $0x0;
	[smem:$0x7FF] =	sst s3;
	s4 =	sadd.s32 $0x26E00, s6  }
0x8: {  	s5 =	sadd.s32 $0x4EE00, s6;
	s9 =	smul.u32 $0x9E0, s2;
	s10 =	sadd.s32 $0x9400, s6  }
0x9: {  	s11 =	sadd.s32 $0x13200, s6;
	s13 =	sadd.s32 $0x9EE00, s6;
	s8 =	sand.u32 $0x1, s8  }
0xa: {  	s14 =	sadd.s32 $0xB2E00, s6;
	s16 =	smul.u32 $0xA000, s2;
	s17 =	sadd.s32 $0xC6E00, s6  }
0xb: {  	s18 =	sadd.s32 $0xDAE00, s6;
	s31 =	sshll.u32 s2, $0x6;
	_ =	strace $0x8000004A  }
0xc: {  	s15 =	ssub.s32 $0x2, s8;
	p0 =	seq.s32 s8, $0x0;
	s12 =	sadd.s32 s9, s6  }
0xd: {  	s30 =	sshrl.u32 s15, $0x1;
	s19 =	sshrl.u32 s16, $0x3;
	s16 =	sadd.s32 s16, s1  }
0xe: {  	s11 =	smov.u32 @p0 s10;
	s14 =	smov.u32 @p0 s13;
	s18 =	smov.u32 @p0 s17  }
0xf: {  	s13 =	simm.s32 $0x4F00;
	s17 =	simm.s32 $0x9E00;
	s15 =	ssub.s32 s15, s30  }
0x10: {  	s6 =	sadd.s32 $0x1D000, s12;
	s7 =	sadd.s32 s7, s19;
	s9 =	sadd.s32 s11, s9  }
0x11: {  	s10 =	sadd.s32 s14, s19;
	s11 =	sadd.s32 s18, s19;
	s12 =	simm.s32 $0x3  }
0x12: {  	s14 =	sor.u32 $0x1C03, s31;
	s18 =	simm.s32 $0xBE00;
	s19 =	simm.s32 $0x1  }
0x13: {  	s8 =	smax.u32 s15, $0x1;
	s15 =	sshrl.u32 s16, $0x3;
	s16 =	simm.s32 $0x80  }
.LBB2_1:
0x14: {  	[tilespmem:s3], [sflag:$0x3] =	stream.linear.gather [hbm4b:s9+s3], $0x4F00, $0x38;
	[tilespmem:$0x17E00] =	vst v63  }
0x15: {  	_ =	swait.ge [sflag:s12], $0x4F00  }
0x16: {  	[sflag:s12] =	ssyncset.done $0x0  }
0x17: {  	[sflag:s12] =	ssyncadd.s32 $0xFFFFB100  }
0x18: {  	[tilespmem:s13], [sflag:$0x3] =	stream.linear.gather [hbm4b:s6+s3], $0x4F00, $0x38;
	[tilespmem:$0x17E00] =	vst v63  }
0x19: {  	_ =	swait.ge [sflag:s12], $0x4F00  }
0x1a: {  	[sflag:s12] =	ssyncset.done $0x0  }
0x1b: {  	[sflag:s12] =	ssyncadd.s32 $0xFFFFB100  }
0x1c: {  	[spmem:s15], [sflag:s14] =	dma.local [hbm:s7], $0x1400  }
0x1d: {  	_ =	swait.ge [sflag:s12], $0x1400  }
0x1e: {  	[sflag:s12] =	ssyncset.done $0x0  }
0x1f: {  	[sflag:s12] =	ssyncadd.s32 $0xFFFFEC00  }
0x20: {  	[bflag:$0x0] =	sbarrier.arrive $0xFFFF  }
0x21: {  	[tilespmem:s17], [sflag:$0x1] =	stream.indirect.gather [hbm4b:s4+s16], $0x40, s3, s16, $0xb8;
	[tilespmem:$0x17E00] =	vst v63  }
0x22: {  	s25 =	simm.s32 $0x80  }
0x23: {  	[tilespmem:s18], [sflag:$0x2] =	stream.indirect.gather [hbm4b:s4+s16], $0x40, s25, s16, $0xb8;
	[tilespmem:$0x17E00] =	vst v63  }
0x24: {  	_ =	swait.ge [sflag:s19], $0x2000  }
0x25: {  	[sflag:s19] =	ssyncset.done $0x0  }
0x26: {  	s29 =	simm.s32 $0x4F00;
	[sflag:s19] =	ssyncadd.s32 $0xFFFFE000  }
0x27: {  	[spmem:s1] =	stream.indirect.scatter.add.f32 [tilespmem:s17], [sflag:$0x3], $0x40, s29, s16, $0xb8;
	[tilespmem:$0x17E00] =	vst v63  }
0x28: {  	_ =	swait.ge [sflag:s12], $0x2000  }
0x29: {  	[sflag:s12] =	ssyncset.done $0x0  }
0x2a: {  	s30 =	simm.s32 $0x100;
	[sflag:s12] =	ssyncadd.s32 $0xFFFFE000  }
0x2b: {  	[tilespmem:s17], [sflag:$0x1] =	stream.indirect.gather [hbm4b:s4+s16], $0x40, s30, s16, $0xb8;
	[tilespmem:$0x17E00] =	vst v63  }
0x2c: {  	_ =	swait.ge [sflag:s20], $0x2000  }
0x2d: {  	[sflag:s20] =	ssyncset.done $0x0  }
0x2e: {  	s31 =	simm.s32 $0x4F80;
	[sflag:s20] =	ssyncadd.s32 $0xFFFFE000  }
0x2f: {  	[spmem:s1] =	stream.indirect.scatter.add.f32 [tilespmem:s18], [sflag:$0x3], $0x40, s31, s16, $0xb8;
	[tilespmem:$0x17E00] =	vst v63  }
0x30: {  	_ =	swait.ge [sflag:s12], $0x2000  }
0x31: {  	s26 =	simm.s32 $0x800;
	s25 =	simm.s32 $0x100;
	[sflag:s12] =	ssyncset.done $0x0  }
.LBB2_2:
0x32: {  	s28 =	sadd.s32 $0x80, s25  }
0x33: {  	[sflag:s12] =	ssyncadd.s32 $0xFFFFE000;
	s29 =	smov.u32 s26;
	s30 =	sadd.s32 $0x400, s26  }
0x34: {  	[tilespmem:s18], [sflag:$0x2] =	stream.indirect.gather [hbm4b:s4+s16], $0x40, s28, s16, $0xb8;
	[tilespmem:$0x17E00] =	vst v63  }
0x35: {  	p0 =	sne.s32 s26, $0x13400;
	_ =	swait.ge [sflag:s19], $0x2000  }
0x36: {  	[sflag:s19] =	ssyncset.done $0x0  }
0x37: {  	s26 =	sadd.s32 $0x4F00, s25;
	[sflag:s19] =	ssyncadd.s32 $0xFFFFE000  }
0x38: {  	[spmem:s1] =	stream.indirect.scatter.add.f32 [tilespmem:s17], [sflag:$0x3], $0x40, s26, s16, $0xb8;
	[tilespmem:$0x17E00] =	vst v63  }
0x39: {  	_ =	swait.ge [sflag:s12], $0x2000  }
0x3a: {  	[sflag:s12] =	ssyncset.done $0x0  }
0x3b: {  	s26 =	sadd.s32 $0x100, s25;
	[sflag:s12] =	ssyncadd.s32 $0xFFFFE000  }
0x3c: {  	[tilespmem:s17], [sflag:$0x1] =	stream.indirect.gather [hbm4b:s4+s16], $0x40, s26, s16, $0xb8;
	[tilespmem:$0x17E00] =	vst v63  }
0x3d: {  	_ =	swait.ge [sflag:s20], $0x2000  }
.Ltmp0:
0x3e: {  	[sflag:s20] =	ssyncset.done $0x0;
	(pc) =	sbr.rel @p0 .LBB2_2-.Ltmp0, $4  }
0x3f: {  	s25 =	sadd.s32 $0x4F80, s25;
	[sflag:s20] =	ssyncadd.s32 $0xFFFFE000  }
0x40: {  	[spmem:s1] =	stream.indirect.scatter.add.f32 [tilespmem:s18], [sflag:$0x3], $0x40, s25, s16, $0xb8;
	[tilespmem:$0x17E00] =	vst v63  }
0x41: {  	_ =	swait.ge [sflag:s12], $0x2000  }
0x42: {  	s26 =	smov.u32 s30;
	s25 =	sshra.s32 s29, $0x2;
	[sflag:s12] =	ssyncset.done $0x0  }
0x43: {  	s26 =	sadd.s32 $0x80, s25;
	[sflag:s12] =	ssyncadd.s32 $0xFFFFE000  }
0x44: {  	[tilespmem:s18], [sflag:$0x2] =	stream.indirect.gather [hbm4b:s4+s16], $0x40, s26, s16, $0xb8;
	[tilespmem:$0x17E00] =	vst v63  }
0x45: {  	_ =	swait.ge [sflag:s19], $0x2000  }
0x46: {  	[sflag:s19] =	ssyncset.done $0x0  }
0x47: {  	s29 =	sadd.s32 $0x4F00, s25;
	[sflag:s19] =	ssyncadd.s32 $0xFFFFE000  }
0x48: {  	[spmem:s1] =	stream.indirect.scatter.add.f32 [tilespmem:s17], [sflag:$0x3], $0x40, s29, s16, $0xb8;
	[tilespmem:$0x17E00] =	vst v63  }
0x49: {  	_ =	swait.ge [sflag:s12], $0x2000  }
0x4a: {  	[sflag:s12] =	ssyncset.done $0x0  }
0x4b: {  	s30 =	sadd.s32 $0x100, s25;
	[sflag:s12] =	ssyncadd.s32 $0xFFFFE000  }
0x4c: {  	[tilespmem:s17], [sflag:$0x1] =	stream.indirect.gather [hbm4b:s4+s16], $0x40, s30, s16, $0xb8;
	[tilespmem:$0x17E00] =	vst v63  }
0x4d: {  	_ =	swait.ge [sflag:s20], $0x2000  }
0x4e: {  	[sflag:s20] =	ssyncset.done $0x0  }
0x4f: {  	s31 =	sadd.s32 $0x4F80, s25;
	[sflag:s20] =	ssyncadd.s32 $0xFFFFE000  }
0x50: {  	[spmem:s1] =	stream.indirect.scatter.add.f32 [tilespmem:s18], [sflag:$0x3], $0x40, s31, s16, $0xb8;
	[tilespmem:$0x17E00] =	vst v63  }
0x51: {  	_ =	swait.ge [sflag:s12], $0x2000  }
0x52: {  	[sflag:s12] =	ssyncset.done $0x0  }
0x53: {  	[sflag:s12] =	ssyncadd.s32 $0xFFFFE000  }
0x54: {  	[tilespmem:s18], [sflag:$0x2] =	stream.indirect.gather [hbm4b:s4+s16], $0x40, s21, s16, $0xb8;
	[tilespmem:$0x17E00] =	vst v63  }
0x55: {  	_ =	swait.ge [sflag:s19], $0x2000  }
0x56: {  	[sflag:s19] =	ssyncset.done $0x0  }
0x57: {  	[sflag:s19] =	ssyncadd.s32 $0xFFFFE000  }
0x58: {  	[spmem:s1] =	stream.indirect.scatter.add.f32 [tilespmem:s17], [sflag:$0x3], $0x40, s22, s16, $0xb8;
	[tilespmem:$0x17E00] =	vst v63  }
0x59: {  	_ =	swait.ge [sflag:s12], $0x2000  }
0x5a: {  	[sflag:s12] =	ssyncset.done $0x0  }
0x5b: {  	[sflag:s12] =	ssyncadd.s32 $0xFFFFE000  }
0x5c: {  	_ =	swait.ge [sflag:s20], $0x2000  }
0x5d: {  	[sflag:s20] =	ssyncset.done $0x0  }
0x5e: {  	[sflag:s20] =	ssyncadd.s32 $0xFFFFE000  }
0x5f: {  	[spmem:s1] =	stream.indirect.scatter.add.f32 [tilespmem:s18], [sflag:$0x3], $0x40, s23, s16, $0xb8;
	[tilespmem:$0x17E00] =	vst v63  }
0x60: {  	_ =	swait.ge [sflag:s12], $0x2000  }
0x61: {  	[sflag:s12] =	ssyncset.done $0x0  }
0x62: {  	[sflag:s12] =	ssyncadd.s32 $0xFFFFE000  }
0x63: {  	[bflag:$0x0] =	sbarrier.arrive $0xFFFF  }
0x64: {  	[hbm:s10], [sflag:s14] =	dma.local [spmem:s15], $0x1400  }
0x65: {  	_ =	swait.ge [sflag:s12], $0x1400  }
0x66: {  	[sflag:s12] =	ssyncset.done $0x0  }
0x67: {  	[sflag:s12] =	ssyncadd.s32 $0xFFFFEC00  }
0x68: {  	[bflag:$0x0] =	sbarrier.arrive $0xFFFF  }
0x69: {  	[spmem:s15], [sflag:s14] =	dma.local [hbm:s7], $0x1400  }
0x6a: {  	_ =	swait.ge [sflag:s12], $0x1400  }
0x6b: {  	[sflag:s12] =	ssyncset.done $0x0  }
0x6c: {  	[sflag:s12] =	ssyncadd.s32 $0xFFFFEC00  }
0x6d: {  	s26 =	simm.s32 $0x0;
	[bflag:$0x0] =	sbarrier.arrive $0xFFFF  }
0x6e: {  	[tilespmem:s17], [sflag:$0x1] =	stream.indirect.gather [hbm4b:s5+s16], $0x40, s26, s16, $0xb8;
	[tilespmem:$0x17E00] =	vst v63  }
0x6f: {  	s28 =	simm.s32 $0x80  }
0x70: {  	[tilespmem:s18], [sflag:$0x2] =	stream.indirect.gather [hbm4b:s5+s16], $0x40, s28, s16, $0xb8;
	[tilespmem:$0x17E00] =	vst v63  }
0x71: {  	_ =	swait.ge [sflag:s19], $0x2000  }
0x72: {  	[sflag:s19] =	ssyncset.done $0x0  }
0x73: {  	s29 =	simm.s32 $0x4F00;
	[sflag:s19] =	ssyncadd.s32 $0xFFFFE000  }
0x74: {  	[spmem:s1] =	stream.indirect.scatter.add.f32 [tilespmem:s17], [sflag:$0x3], $0x40, s29, s16, $0xb8;
	[tilespmem:$0x17E00] =	vst v63  }
0x75: {  	_ =	swait.ge [sflag:s12], $0x2000  }
0x76: {  	[sflag:s12] =	ssyncset.done $0x0  }
0x77: {  	s30 =	simm.s32 $0x100;
	[sflag:s12] =	ssyncadd.s32 $0xFFFFE000  }
0x78: {  	[tilespmem:s17], [sflag:$0x1] =	stream.indirect.gather [hbm4b:s5+s16], $0x40, s30, s16, $0xb8;
	[tilespmem:$0x17E00] =	vst v63  }
0x79: {  	_ =	swait.ge [sflag:s20], $0x2000  }
0x7a: {  	[sflag:s20] =	ssyncset.done $0x0  }
0x7b: {  	s31 =	simm.s32 $0x4F80;
	[sflag:s20] =	ssyncadd.s32 $0xFFFFE000  }
0x7c: {  	[spmem:s1] =	stream.indirect.scatter.add.f32 [tilespmem:s18], [sflag:$0x3], $0x40, s31, s16, $0xb8;
	[tilespmem:$0x17E00] =	vst v63  }
0x7d: {  	_ =	swait.ge [sflag:s12], $0x2000  }
0x7e: {  	s25 =	simm.s32 $0x100;
	s26 =	simm.s32 $0x800;
	[sflag:s12] =	ssyncset.done $0x0  }
.LBB2_4:
0x7f: {  	s28 =	sadd.s32 $0x80, s25  }
0x80: {  	[sflag:s12] =	ssyncadd.s32 $0xFFFFE000;
	s29 =	smov.u32 s26;
	s30 =	sadd.s32 $0x400, s26  }
0x81: {  	[tilespmem:s18], [sflag:$0x2] =	stream.indirect.gather [hbm4b:s5+s16], $0x40, s28, s16, $0xb8;
	[tilespmem:$0x17E00] =	vst v63  }
0x82: {  	p0 =	sne.s32 s26, $0x13400;
	_ =	swait.ge [sflag:s19], $0x2000  }
0x83: {  	[sflag:s19] =	ssyncset.done $0x0  }
0x84: {  	s26 =	sadd.s32 $0x4F00, s25;
	[sflag:s19] =	ssyncadd.s32 $0xFFFFE000  }
0x85: {  	[spmem:s1] =	stream.indirect.scatter.add.f32 [tilespmem:s17], [sflag:$0x3], $0x40, s26, s16, $0xb8;
	[tilespmem:$0x17E00] =	vst v63  }
0x86: {  	_ =	swait.ge [sflag:s12], $0x2000  }
0x87: {  	[sflag:s12] =	ssyncset.done $0x0  }
0x88: {  	s26 =	sadd.s32 $0x100, s25;
	[sflag:s12] =	ssyncadd.s32 $0xFFFFE000  }
0x89: {  	[tilespmem:s17], [sflag:$0x1] =	stream.indirect.gather [hbm4b:s5+s16], $0x40, s26, s16, $0xb8;
	[tilespmem:$0x17E00] =	vst v63  }
0x8a: {  	_ =	swait.ge [sflag:s20], $0x2000  }
.Ltmp1:
0x8b: {  	[sflag:s20] =	ssyncset.done $0x0;
	(pc) =	sbr.rel @p0 .LBB2_4-.Ltmp1, $4  }
0x8c: {  	s25 =	sadd.s32 $0x4F80, s25;
	[sflag:s20] =	ssyncadd.s32 $0xFFFFE000  }
0x8d: {  	[spmem:s1] =	stream.indirect.scatter.add.f32 [tilespmem:s18], [sflag:$0x3], $0x40, s25, s16, $0xb8;
	[tilespmem:$0x17E00] =	vst v63  }
0x8e: {  	_ =	swait.ge [sflag:s12], $0x2000  }
0x8f: {  	s26 =	smov.u32 s30;
	s25 =	sshra.s32 s29, $0x2;
	[sflag:s12] =	ssyncset.done $0x0  }
0x90: {  	s26 =	sadd.s32 $0x80, s25;
	[sflag:s12] =	ssyncadd.s32 $0xFFFFE000  }
0x91: {  	[tilespmem:s18], [sflag:$0x2] =	stream.indirect.gather [hbm4b:s5+s16], $0x40, s26, s16, $0xb8;
	[tilespmem:$0x17E00] =	vst v63  }
0x92: {  	_ =	swait.ge [sflag:s19], $0x2000  }
0x93: {  	[sflag:s19] =	ssyncset.done $0x0  }
0x94: {  	s29 =	sadd.s32 $0x4F00, s25;
	[sflag:s19] =	ssyncadd.s32 $0xFFFFE000  }
0x95: {  	[spmem:s1] =	stream.indirect.scatter.add.f32 [tilespmem:s17], [sflag:$0x3], $0x40, s29, s16, $0xb8;
	[tilespmem:$0x17E00] =	vst v63  }
0x96: {  	_ =	swait.ge [sflag:s12], $0x2000  }
0x97: {  	[sflag:s12] =	ssyncset.done $0x0  }
0x98: {  	s30 =	sadd.s32 $0x100, s25;
	[sflag:s12] =	ssyncadd.s32 $0xFFFFE000  }
0x99: {  	[tilespmem:s17], [sflag:$0x1] =	stream.indirect.gather [hbm4b:s5+s16], $0x40, s30, s16, $0xb8;
	[tilespmem:$0x17E00] =	vst v63  }
0x9a: {  	_ =	swait.ge [sflag:s20], $0x2000  }
0x9b: {  	[sflag:s20] =	ssyncset.done $0x0  }
0x9c: {  	s31 =	sadd.s32 $0x4F80, s25;
	[sflag:s20] =	ssyncadd.s32 $0xFFFFE000  }
0x9d: {  	[spmem:s1] =	stream.indirect.scatter.add.f32 [tilespmem:s18], [sflag:$0x3], $0x40, s31, s16, $0xb8;
	[tilespmem:$0x17E00] =	vst v63  }
0x9e: {  	_ =	swait.ge [sflag:s12], $0x2000  }
0x9f: {  	[sflag:s12] =	ssyncset.done $0x0  }
0xa0: {  	[sflag:s12] =	ssyncadd.s32 $0xFFFFE000  }
0xa1: {  	[tilespmem:s18], [sflag:$0x2] =	stream.indirect.gather [hbm4b:s5+s16], $0x40, s21, s16, $0xb8;
	[tilespmem:$0x17E00] =	vst v63  }
0xa2: {  	_ =	swait.ge [sflag:s19], $0x2000  }
0xa3: {  	[sflag:s19] =	ssyncset.done $0x0  }
0xa4: {  	[sflag:s19] =	ssyncadd.s32 $0xFFFFE000  }
0xa5: {  	[spmem:s1] =	stream.indirect.scatter.add.f32 [tilespmem:s17], [sflag:$0x3], $0x40, s22, s16, $0xb8;
	[tilespmem:$0x17E00] =	vst v63  }
0xa6: {  	_ =	swait.ge [sflag:s12], $0x2000  }
0xa7: {  	[sflag:s12] =	ssyncset.done $0x0  }
0xa8: {  	[sflag:s12] =	ssyncadd.s32 $0xFFFFE000  }
0xa9: {  	_ =	swait.ge [sflag:s20], $0x2000  }
0xaa: {  	[sflag:s20] =	ssyncset.done $0x0  }
0xab: {  	[sflag:s20] =	ssyncadd.s32 $0xFFFFE000  }
0xac: {  	[spmem:s1] =	stream.indirect.scatter.add.f32 [tilespmem:s18], [sflag:$0x3], $0x40, s23, s16, $0xb8;
	[tilespmem:$0x17E00] =	vst v63  }
0xad: {  	_ =	swait.ge [sflag:s12], $0x2000  }
0xae: {  	s24 =	sadd.s32 $0x1, s24;
	[sflag:s12] =	ssyncset.done $0x0  }
0xaf: {  	p0 =	sne.s32 s24, s8;
	[sflag:s12] =	ssyncadd.s32 $0xFFFFE000  }
.Ltmp2:
0xb0: {  	[bflag:$0x0] =	sbarrier.arrive $0xFFFF;
	(pc) =	sbr.rel @p0 .LBB2_1-.Ltmp2, $4  }
0xb1: {  	[hbm:s11], [sflag:s14] =	dma.local [spmem:s15], $0x1400  }
0xb2: {  	_ =	swait.ge [sflag:s12], $0x1400  }
0xb3: {  	[sflag:s12] =	ssyncset.done $0x0  }
0xb4: {  	[sflag:s12] =	ssyncadd.s32 $0xFFFFEC00  }
0xb5: {  	_ =	sfence.sel $0x180000  }
0xb6: {  	[bflag:$0x0] =	sbarrier.arrive $0xFFFF  }
0xb7: {  	p0 =	sne.s32 s2, $0x0;
	_ =	strace $0x9000004A  }
0xb8: {  	s0 =	sadd.s32 @!p0 $0x100000, s0;
	[bflag:$0x2] =	sbarrier.arrive $0xFFFF  }
0xb9: {  	[sflag:s0] =	ssyncadd.tile.s32 @!p0 $0x1;
	_ =	shalt  }
.Lfunc_end2:
_tile_overlayer_lowered:
.L_overlay_start_2:
0xba: {  	(tag) =	ssettag $0x2  }
0xbb: {  	s0 =	rddreg [dreg:$0x0];
	s2 =	stileid.u32  }
0xbc: {  	s1 =	rddreg [dreg:$0x1];
	p0 =	sne.s32 s2, $0x0  }
0xbd: {  	s3 =	rddreg [dreg:$0x2];
	[bflag:$0x3] =	sbarrier.arrive $0xFFFF;
	s2 =	simm.s32 @!p0 $0x1C03  }
0xbe: {  	[timem:s3], [sflag:s2] =	dma.local @!p0 [hbm:s0], s1  }
0xbf: {  	s0 =	simm.s32 @!p0 $0x3  }
0xc0: {  	_ =	swait.ge @!p0 [sflag:s0], s1  }
0xc1: {  	s1 =	ssub.s32 @!p0 $0x0, s1;
	[sflag:s0] =	ssyncset.done @!p0 $0x0  }
0xc2: {  	[sflag:s0] =	ssyncadd.s32 @!p0 s1  }
0xc3: {  	[bflag:$0x3] =	sbarrier.arrive $0xFFFF  }
0xc4: {  	_ =	shalt  }

// kernel: kernel.14.cloned.1.call-start
scs
__scs_entry_jumppad:
0x0: {  	(pc) =	sbr.rel $0x88, $3  }
0x1: {  	(tag) =	ssettag $0x0;
	lr =	simm.s32 $0x1  }
0x2: {  	[smem:$0x3F7C] =	sst lr;
	_ =	strace $0xD0000000  }
0x3: {  	_ = 	snop  }
0x4: {  	_ = 	snop  }
0x5: {  	_ = 	snop  }
0x6: {  	_ = 	snop  }
0x7: {  	_ = 	snop  }
__scs_overlays_trampoline_lowered:
0x8: {  	[smem:$0x3F8B] =	sst s0  }
0x9: {  	[smem:$0x3F8C] =	sst s1  }
0xa: {  	[smem:$0x3F8D] =	sst s2  }
0xb: {  	[smem:$0x3F8E] =	sst s3  }
0xc: {  	[smem:$0x3F8F] =	sst s4  }
0xd: {  	[smem:$0x3F90] =	sst s5  }
0xe: {  	[smem:$0x3F91] =	sst s6  }
0xf: {  	[smem:$0x3F92] =	sst s7  }
0x10: {  	[smem:$0x3F93] =	sst s8  }
0x11: {  	[smem:$0x3F94] =	sst s9;
	s0 =	simm.s32 @!p0 $0x0  }
0x12: {  	s1 =	sld [smem:$0x3F7A];
	s0 =	simm.s32 @p0 $0x1  }
0x13: {  	[smem:$0x3F95] =	sst s0;
	s0 =	simm.s32 @!p1 $0x0  }
0x14: {  	s2 =	sld [smem:$0x3F79];
	s0 =	simm.s32 @p1 $0x1  }
0x15: {  	[smem:$0x3F96] =	sst s0;
	s0 =	simm.s32 @!p2 $0x0  }
0x16: {  	s3 =	sld [smem:$0x3FDB];
	s0 =	simm.s32 @p2 $0x1  }
0x17: {  	s4 =	simm.s32 $0x1BF5;
	[smem:$0x3F98] =	sst s0  }
0x18: {  	s0 =	sld [smem:$0x3F7B];
	_ =	swait.ge [sflag:s4], $0x0  }
0x19: {  	s7 =	sld [smem:$0x3F7C]  }
0x1a: {  	s8 =	sadd.s32 $0xFFFFE003, lr  }
0x1b: {  	s9 =	sadd.s32 $0xFFFFFEF7, lr;
	s5 =	simm.s32 $0xFFFFFFFF;
	p2 =	slt.u32 s8, $0xFFFFF086  }
0x1c: {  	p1 =	slt.u32 s9, $0xF7A;
	s5 =	simm.s32 @!p2 $0x0  }
0x1d: {  	s5 =	simm.s32 @p1 $0x1;
	p0 =	seq.s32 s7, s2  }
0x1e: {  	s7 =	smul.u32 @!p0 $0xF7A, s2;
	p2 =	seq.s32 @!p0 s5, $0x0  }
0x1f: {  	s9 =	smul.u32 $0xF7A, s1;
	s8 =	simm.s32 @!p0 $0x1BF5;
	p2 =	por !p2, p0  }
0x20: {  	[sflag:s8] =	ssyncset.s32 @!p0 $0xFFFFF086;
	s6 =	sadd.s32 @!p0 s3, s7;
	s7 =	simm.s32 @!p0 $0x108  }
0x21: {  	s3 =	sadd.s32 s3, s9;
	s6 =	sadd.s32 @!p0 $0x88, s6;
	s7 =	simm.s32 @p2 $0x1082  }
0x22: {  	[simem:s7], [sflag:s8] =	dma.local @!p0 [hbm:s6], $0xF7A  }
0x23: {  	s9 =	sor.u32 $0xD0000000, s2;
	s6 =	simm.s32 $0x108;
	_ =	swait.ge @!p0 [sflag:s8], $0x0  }
0x24: {  	s3 =	sadd.s32 $0x88, s3;
	s6 =	simm.s32 @!p1 $0x1082;
	[sflag:s4] =	ssyncset.s32 $0xFFFFF086  }
0x25: {  	[simem:s6], [sflag:s4] =	dma.local [hbm:s3], $0xF7A  }
0x26: {  	[smem:$0x3F7C] =	sst s1;
	(tag) =	ssettag s2;
	_ =	strace s9  }
0x27: {  	s1 =	sld [smem:$0x3F8C]  }
0x28: {  	s2 =	sld [smem:$0x3F8D]  }
0x29: {  	s4 =	sld [smem:$0x3F8F]  }
0x2a: {  	p0 =	seq.s32 s5, $0x0;
	s5 =	sld [smem:$0x3F90]  }
0x2b: {  	s6 =	sld [smem:$0x3F91]  }
0x2c: {  	s7 =	sld [smem:$0x3F92]  }
0x2d: {  	s3 =	simm.s32 $0x108;
	s8 =	sld [smem:$0x3F93]  }
0x2e: {  	s3 =	simm.s32 @!p0 $0x1082;
	s9 =	sld [smem:$0x3F94]  }
0x2f: {  	lr =	sadd.s32 s0, s3;
	s0 =	sld [smem:$0x3F8B]  }
0x30: {  	s3 =	sld [smem:$0x3F8E]  }
0x31: {  	[smem:$0x3F97] =	sst s10  }
0x32: {  	s10 =	sld [smem:$0x3F95];
	_ =	sdelay $0x3  }
0x33: {  	p0 =	seq.s32 s10, $0x1;
	s10 =	sld [smem:$0x3F97];
	_ =	sdelay $0x3  }
0x34: {  	[smem:$0x3F97] =	sst s10  }
0x35: {  	s10 =	sld [smem:$0x3F96];
	_ =	sdelay $0x3  }
0x36: {  	p1 =	seq.s32 s10, $0x1;
	s10 =	sld [smem:$0x3F97];
	_ =	sdelay $0x3  }
0x37: {  	[smem:$0x3F97] =	sst s10  }
0x38: {  	s10 =	sld [smem:$0x3F98]  }
0x39: {  	_ = 	snop;
	(pc) =	sbr.ind lr, $3  }
0x3a: {  	_ = 	snop  }
0x3b: {  	_ = 	snop  }
0x3c: {  	p2 =	seq.s32 s10, $0x1;
	s10 =	sld [smem:$0x3F97]  }
0x3d: {  	_ =	shalt  }
0x3e: {  	_ =	shalt  }
0x3f: {  	_ =	shalt  }
0x40: {  	_ =	shalt  }
0x41: {  	_ =	shalt  }
0x42: {  	_ =	shalt  }
0x43: {  	_ =	shalt  }
0x44: {  	_ =	shalt  }
0x45: {  	_ =	shalt  }
0x46: {  	_ =	shalt  }
0x47: {  	_ =	shalt  }
0x48: {  	_ =	shalt  }
0x49: {  	_ =	shalt  }
0x4a: {  	_ =	shalt  }
0x4b: {  	_ =	shalt  }
0x4c: {  	_ =	shalt  }
0x4d: {  	_ =	shalt  }
0x4e: {  	_ =	shalt  }
0x4f: {  	_ =	shalt  }
0x50: {  	_ =	shalt  }
0x51: {  	_ =	shalt  }
0x52: {  	_ =	shalt  }
0x53: {  	_ =	shalt  }
0x54: {  	_ =	shalt  }
0x55: {  	_ =	shalt  }
0x56: {  	_ =	shalt  }
0x57: {  	_ =	shalt  }
0x58: {  	_ =	shalt  }
0x59: {  	_ =	shalt  }
0x5a: {  	_ =	shalt  }
0x5b: {  	_ =	shalt  }
0x5c: {  	_ =	shalt  }
0x5d: {  	_ =	shalt  }
0x5e: {  	_ =	shalt  }
0x5f: {  	_ =	shalt  }
0x60: {  	_ =	shalt  }
0x61: {  	_ =	shalt  }
0x62: {  	_ =	shalt  }
0x63: {  	_ =	shalt  }
0x64: {  	_ =	shalt  }
0x65: {  	_ =	shalt  }
0x66: {  	_ =	shalt  }
0x67: {  	_ =	shalt  }
0x68: {  	_ =	shalt  }
0x69: {  	_ =	shalt  }
0x6a: {  	_ =	shalt  }
0x6b: {  	_ =	shalt  }
0x6c: {  	_ =	shalt  }
0x6d: {  	_ =	shalt  }
0x6e: {  	_ =	shalt  }
0x6f: {  	_ =	shalt  }
0x70: {  	_ =	shalt  }
0x71: {  	_ =	shalt  }
0x72: {  	_ =	shalt  }
0x73: {  	_ =	shalt  }
0x74: {  	_ =	shalt  }
0x75: {  	_ =	shalt  }
0x76: {  	_ =	shalt  }
0x77: {  	_ =	shalt  }
0x78: {  	_ =	shalt  }
0x79: {  	_ =	shalt  }
0x7a: {  	_ =	shalt  }
0x7b: {  	_ =	shalt  }
0x7c: {  	_ =	shalt  }
0x7d: {  	_ =	shalt  }
0x7e: {  	_ =	shalt  }
0x7f: {  	_ =	shalt  }
0x80: {  	_ =	shalt  }
0x81: {  	_ =	shalt  }
0x82: {  	_ =	shalt  }
0x83: {  	_ =	shalt  }
0x84: {  	_ =	shalt  }
0x85: {  	_ =	shalt  }
0x86: {  	_ =	shalt  }
0x87: {  	_ =	shalt  }
.Lfunc_end0:
.L_simem_size_0:
called_computation.2_lowered:
.L_overlay_start_0:
0x88: {  	s2 =	sld [smem:$0x3FD9]  }
0x89: {  	s3 =	sld [smem:$0x3FFE];
	_ =	sdelay $0x1  }
0x8a: {  	s1 =	srdreg.scid  }
0x8b: {  	s0 =	sand.u32 $0x1, s1  }
0x8c: {  	s14 =	sshll.u32 s0, $0xA;
	s2 =	sadd.s32 s3, s2  }
0x8d: {  	s2 =	sadd.s32 s2, s14  }
0x8e: {  	[smem:$0x3FA3] =	sst s2  }
0x8f: {  	_ = 	snop  }
0x90: {  	s2 =	sld [smem:$0x3FD0];
	_ =	sdelay $0x2  }
0x91: {  	s15 =	simm.s32 $0xA;
	s4 =	simm.s32 $0x10  }
0x92: {  	[smem:s4], [sflag:s15] =	dma.local [hbm:s2], $0x1  }
0x93: {  	_ =	swait.eq [sflag:s15], $0x1  }
0x94: {  	[sflag:s15] =	ssyncset.done $0x0  }
0x95: {  	[sflag:s15] =	ssyncadd.s32 $0xFFFFFFFF  }
0x96: {  	s16 =	sld [smem:$0x10];
	(tm) =	ssettm $0x1  }
0x97: {  	s17 =	sld [smem:$0x3FFB];
	_ =	sdelay $0x3  }
0x98: {  	_ =	strace s17  }
0x99: {  	s3 =	sld [smem:$0x3FFC];
	_ =	sdelay $0x3  }
0x9a: {  	_ =	strace s3  }
0x9b: {  	s3 =	sld [smem:$0x3FFD];
	_ =	sdelay $0x3  }
0x9c: {  	_ =	strace s3  }
0x9d: {  	_ =	strace $0x8FFFFFFF  }
0x9e: {  	s18 =	sld [smem:$0x3FDB];
	_ =	sdelay $0x1  }
0x9f: {  	s19 =	simm.s32 $_scs_section_size  }
0xa0: {  	s5 =	simm.s32 $_size__tile_overlayer_lowered;
	s6 =	simm.s32 $_tile_overlayer_lowered  }
0xa1: {  	s22 =	simm.s32 $0x1BFF;
	s21 =	sshll.u32 s6, $0x1;
	s3 =	sadd.s32 s19, s18  }
0xa2: {  	s7 =	simm.s32 $0x0;
	s20 =	sshll.u32 s5, $0x1;
	s5 =	sadd.s32 s21, s3  }
0xa3: {  	[timem:s7], [sflag:s22] =	dma.local [hbm:s5], s20  }
0xa4: {  	_ =	swait.ge [sflag:s22], s20  }
0xa5: {  	s4 =	ssub.s32 $0x0, s20;
	[sflag:s22] =	ssyncset.done $0x0  }
0xa6: {  	[sflag:s22] =	ssyncadd.s32 s4;
	_ =	sdelay $0x1  }
0xa7: {  	s23 =	simm.s32 $0x1B8B  }
0xa8: {  	_ =	swait.ge [sflag:s23], $0x1  }
0xa9: {  	[sflag:s23] =	ssyncset.done $0x0  }
0xaa: {  	s25 =	simm.s32 $0x1B8E;
	s24 =	sld [smem:$0x3FFE];
	[sflag:s23] =	ssyncadd.s32 $0xFFFFFFFF  }
0xab: {  	s26 =	simm.s32 $execute0_lowered;
	[smem:$0x3FD2] =	sst s25  }
0xac: {  	s5 =	sshll.u32 s26, $0x1;
	_ =	strace $0x8000004C;
	[dreg:$0x1] =	wrdreg $0xFFFFFFFF  }
0xad: {  	s28 =	simm.s32 $_size_execute0_lowered;
	s3 =	sadd.s32 s3, s5;
	[dreg:$0x0] =	wrdreg $0x0  }
0xae: {  	s5 =	sshll.u32 s28, $0x1;
	[dreg:$0x2] =	wrdreg s3  }
0xaf: {  	[dreg:$0x3] =	wrdreg s5  }
0xb0: {  	[dreg:$0x4] =	wrdreg $0xC0  }
0xb1: {  	_ =	task [dreg:s7], $0x5FFFF  }
0xb2: {  	[dreg:$0x1] =	wrdreg $0xFFFFFFFF  }
0xb3: {  	[dreg:$0x0] =	wrdreg $0x60  }
0xb4: {  	[dreg:$0x2] =	wrdreg s24  }
0xb5: {  	[dreg:$0x3] =	wrdreg s16  }
0xb6: {  	[dreg:$0x4] =	wrdreg $0xDE000  }
0xb7: {  	[dreg:$0x5] =	wrdreg $0x9  }
0xb8: {  	_ =	task.clear_ibuf [dreg:s7], $0x6FFFF;
	_ =	strace $0x9000004C  }
0xb9: {  	s29 =	simm.s32 $0x9;
	_ =	strace $0x8000004E  }
0xba: {  	_ =	swait.ge [sflag:s29], $0x1  }
0xbb: {  	[sflag:s29] =	ssyncadd.s32 $0xFFFFFFFF  }
0xbc: {  	_ =	strace $0x9000004E  }
0xbd: {  	_ =	sfence  }
0xbe: {  	s30 =	sld [smem:$0x0];
	_ =	sdelay $0x2  }
0xbf: {  	s31 =	sshll.u32 s1, $0xD;
	s1 =	sshrl.u32 s1, $0x2  }
0xc0: {  	s3 =	sand.u32 $0x4000, s31;
	s1 =	sadd.s32 s1, s30  }
0xc1: {  	s0 =	sor.u32 s3, s0;
	s1 =	sshll.u32 s1, $0x11  }
0xc2: {  	s0 =	sor.u32 s1, s0  }
0xc3: {  	s0 =	sadd.s32 $0x8F2B, s0  }
0xc4: {  	[sflag:s0] =	ssyncadd.remote.s32 $0x1  }
0xc5: {  	_ =	sfence.sel $0xFFFF  }
0xc6: {  	[dreg:$0x0] =	wrdreg $0xFFFFFFFF;
	(pc) =	sbr.abs _section_cstart, $3  }
0xc7: {  	[dreg:$0x1] =	wrdreg $0xFFFFFFFF  }
0xc8: {  	_ =	task.clear_ibuf [dreg:s7], $0x2FFFF;
	_ =	strace $0x9FFFFFFF  }
0xc9: {  	(tm) =	ssettm $0x7FFFFFFF  }
tec
execute0_lowered:
.L_overlay_start_1:
0x0: {  	(tag) =	ssettag $0x1  }
0x1: {  	s5 =	rddreg [dreg:$0x0]  }
0x2: {  	s6 =	rddreg [dreg:$0x1]  }
0x3: {  	s1 =	rddreg [dreg:$0x2]  }
0x4: {  	s0 =	rddreg [dreg:$0x3];
	s3 =	simm.s32 $0x0;
	s2 =	stileid.u32  }
0x5: {  	s7 =	srdreg.scid;
	s18 =	simm.s32 $0x2;
	s19 =	simm.s32 $0x4E80  }
0x6: {  	s20 =	simm.s32 $0x9D00;
	s21 =	simm.s32 $0x9D80;
	s22 =	simm.s32 $0x0  }
0x7: {  	[smem:$0x7FF] =	sst s3;
	s4 =	sadd.s32 $0x26E00, s5;
	s9 =	smul.u32 $0x9E0, s2  }
0x8: {  	s7 =	sand.u32 $0x1, s7;
	s8 =	sadd.s32 $0x9400, s5;
	s10 =	sadd.s32 $0x13200, s5  }
0x9: {  	s14 =	smul.u32 $0xA000, s2;
	s15 =	sadd.s32 $0x4EE00, s5;
	s16 =	sadd.s32 $0x62E00, s5  }
0xa: {  	s17 =	sshll.u32 s2, $0x6;
	_ =	strace $0x8000004D;
	s11 =	ssub.s32 $0x2, s7  }
0xb: {  	p0 =	seq.s32 s7, $0x0;
	s12 =	sadd.s32 s9, s5;
	s13 =	sshrl.u32 s11, $0x1  }
0xc: {  	s31 =	sadd.s32 s14, s1;
	s14 =	sshrl.u32 s14, $0x3;
	s10 =	smov.u32 @p0 s8  }
0xd: {  	s16 =	smov.u32 @p0 s15;
	s15 =	simm.s32 $0x9E00;
	s11 =	ssub.s32 s11, s13  }
0xe: {  	s5 =	sadd.s32 s6, s14;
	s6 =	sor.u32 $0x1C03, s17;
	s7 =	sadd.s32 $0x1D000, s12  }
0xf: {  	s9 =	sadd.s32 s10, s9;
	s10 =	sadd.s32 s16, s14;
	s12 =	simm.s32 $0x3  }
0x10: {  	s13 =	simm.s32 $0x4F00;
	s14 =	simm.s32 $0x80;
	s16 =	simm.s32 $0xBE00  }
0x11: {  	s17 =	simm.s32 $0x1;
	s8 =	smax.u32 s11, $0x1;
	s11 =	sshrl.u32 s31, $0x3  }
.LBB2_1:
0x12: {  	[spmem:s11], [sflag:s6] =	dma.local [hbm:s5], $0x1400  }
0x13: {  	_ =	swait.ge [sflag:s12], $0x1400  }
0x14: {  	[sflag:s12] =	ssyncset.done $0x0  }
0x15: {  	[sflag:s12] =	ssyncadd.s32 $0xFFFFEC00  }
0x16: {  	[tilespmem:s3], [sflag:$0x3] =	stream.linear.gather [hbm4b:s9+s3], $0x4F00, $0x38;
	[tilespmem:$0x17E00] =	vst v63  }
0x17: {  	_ =	swait.ge [sflag:s12], $0x4F00  }
0x18: {  	[sflag:s12] =	ssyncset.done $0x0  }
0x19: {  	[sflag:s12] =	ssyncadd.s32 $0xFFFFB100  }
0x1a: {  	[tilespmem:s13], [sflag:$0x3] =	stream.linear.gather [hbm4b:s7+s3], $0x4F00, $0x38;
	[tilespmem:$0x17E00] =	vst v63  }
0x1b: {  	_ =	swait.ge [sflag:s12], $0x4F00  }
0x1c: {  	[sflag:s12] =	ssyncset.done $0x0  }
0x1d: {  	[sflag:s12] =	ssyncadd.s32 $0xFFFFB100  }
0x1e: {  	[bflag:$0x0] =	sbarrier.arrive $0xFFFF  }
0x1f: {  	[tilespmem:s15], [sflag:$0x1] =	stream.indirect.gather [hbm4b:s4+s14], $0x40, s3, s14, $0xb8;
	[tilespmem:$0x17E00] =	vst v63  }
0x20: {  	s23 =	simm.s32 $0x80  }
0x21: {  	[tilespmem:s16], [sflag:$0x2] =	stream.indirect.gather [hbm4b:s4+s14], $0x40, s23, s14, $0xb8;
	[tilespmem:$0x17E00] =	vst v63  }
0x22: {  	_ =	swait.ge [sflag:s17], $0x2000  }
0x23: {  	[sflag:s17] =	ssyncset.done $0x0  }
0x24: {  	s29 =	simm.s32 $0x4F00;
	[sflag:s17] =	ssyncadd.s32 $0xFFFFE000  }
0x25: {  	[spmem:s1] =	stream.indirect.scatter.add.f32 [tilespmem:s15], [sflag:$0x3], $0x40, s29, s14, $0xb8;
	[tilespmem:$0x17E00] =	vst v63  }
0x26: {  	_ =	swait.ge [sflag:s12], $0x2000  }
0x27: {  	[sflag:s12] =	ssyncset.done $0x0  }
0x28: {  	s30 =	simm.s32 $0x100;
	[sflag:s12] =	ssyncadd.s32 $0xFFFFE000  }
0x29: {  	[tilespmem:s15], [sflag:$0x1] =	stream.indirect.gather [hbm4b:s4+s14], $0x40, s30, s14, $0xb8;
	[tilespmem:$0x17E00] =	vst v63  }
0x2a: {  	_ =	swait.ge [sflag:s18], $0x2000  }
0x2b: {  	[sflag:s18] =	ssyncset.done $0x0  }
0x2c: {  	s31 =	simm.s32 $0x4F80;
	[sflag:s18] =	ssyncadd.s32 $0xFFFFE000  }
0x2d: {  	[spmem:s1] =	stream.indirect.scatter.add.f32 [tilespmem:s16], [sflag:$0x3], $0x40, s31, s14, $0xb8;
	[tilespmem:$0x17E00] =	vst v63  }
0x2e: {  	_ =	swait.ge [sflag:s12], $0x2000  }
0x2f: {  	s24 =	simm.s32 $0x800;
	s23 =	simm.s32 $0x100;
	[sflag:s12] =	ssyncset.done $0x0  }
.LBB2_2:
0x30: {  	s25 =	sadd.s32 $0x80, s23  }
0x31: {  	[sflag:s12] =	ssyncadd.s32 $0xFFFFE000;
	s26 =	smov.u32 s24;
	s28 =	sadd.s32 $0x400, s24  }
0x32: {  	[tilespmem:s16], [sflag:$0x2] =	stream.indirect.gather [hbm4b:s4+s14], $0x40, s25, s14, $0xb8;
	[tilespmem:$0x17E00] =	vst v63  }
0x33: {  	p0 =	sne.s32 s24, $0x13400;
	_ =	swait.ge [sflag:s17], $0x2000  }
0x34: {  	[sflag:s17] =	ssyncset.done $0x0  }
0x35: {  	s24 =	sadd.s32 $0x4F00, s23;
	[sflag:s17] =	ssyncadd.s32 $0xFFFFE000  }
0x36: {  	[spmem:s1] =	stream.indirect.scatter.add.f32 [tilespmem:s15], [sflag:$0x3], $0x40, s24, s14, $0xb8;
	[tilespmem:$0x17E00] =	vst v63  }
0x37: {  	_ =	swait.ge [sflag:s12], $0x2000  }
0x38: {  	[sflag:s12] =	ssyncset.done $0x0  }
0x39: {  	s24 =	sadd.s32 $0x100, s23;
	[sflag:s12] =	ssyncadd.s32 $0xFFFFE000  }
0x3a: {  	[tilespmem:s15], [sflag:$0x1] =	stream.indirect.gather [hbm4b:s4+s14], $0x40, s24, s14, $0xb8;
	[tilespmem:$0x17E00] =	vst v63  }
0x3b: {  	_ =	swait.ge [sflag:s18], $0x2000  }
.Ltmp0:
0x3c: {  	[sflag:s18] =	ssyncset.done $0x0;
	(pc) =	sbr.rel @p0 .LBB2_2-.Ltmp0, $4  }
0x3d: {  	s23 =	sadd.s32 $0x4F80, s23;
	[sflag:s18] =	ssyncadd.s32 $0xFFFFE000  }
0x3e: {  	[spmem:s1] =	stream.indirect.scatter.add.f32 [tilespmem:s16], [sflag:$0x3], $0x40, s23, s14, $0xb8;
	[tilespmem:$0x17E00] =	vst v63  }
0x3f: {  	_ =	swait.ge [sflag:s12], $0x2000  }
0x40: {  	s24 =	smov.u32 s28;
	s23 =	sshra.s32 s26, $0x2;
	[sflag:s12] =	ssyncset.done $0x0  }
0x41: {  	s24 =	sadd.s32 $0x80, s23;
	[sflag:s12] =	ssyncadd.s32 $0xFFFFE000  }
0x42: {  	[tilespmem:s16], [sflag:$0x2] =	stream.indirect.gather [hbm4b:s4+s14], $0x40, s24, s14, $0xb8;
	[tilespmem:$0x17E00] =	vst v63  }
0x43: {  	_ =	swait.ge [sflag:s17], $0x2000  }
0x44: {  	[sflag:s17] =	ssyncset.done $0x0  }
0x45: {  	s29 =	sadd.s32 $0x4F00, s23;
	[sflag:s17] =	ssyncadd.s32 $0xFFFFE000  }
0x46: {  	[spmem:s1] =	stream.indirect.scatter.add.f32 [tilespmem:s15], [sflag:$0x3], $0x40, s29, s14, $0xb8;
	[tilespmem:$0x17E00] =	vst v63  }
0x47: {  	_ =	swait.ge [sflag:s12], $0x2000  }
0x48: {  	[sflag:s12] =	ssyncset.done $0x0  }
0x49: {  	s30 =	sadd.s32 $0x100, s23;
	[sflag:s12] =	ssyncadd.s32 $0xFFFFE000  }
0x4a: {  	[tilespmem:s15], [sflag:$0x1] =	stream.indirect.gather [hbm4b:s4+s14], $0x40, s30, s14, $0xb8;
	[tilespmem:$0x17E00] =	vst v63  }
0x4b: {  	_ =	swait.ge [sflag:s18], $0x2000  }
0x4c: {  	[sflag:s18] =	ssyncset.done $0x0  }
0x4d: {  	s31 =	sadd.s32 $0x4F80, s23;
	[sflag:s18] =	ssyncadd.s32 $0xFFFFE000  }
0x4e: {  	[spmem:s1] =	stream.indirect.scatter.add.f32 [tilespmem:s16], [sflag:$0x3], $0x40, s31, s14, $0xb8;
	[tilespmem:$0x17E00] =	vst v63  }
0x4f: {  	_ =	swait.ge [sflag:s12], $0x2000  }
0x50: {  	[sflag:s12] =	ssyncset.done $0x0  }
0x51: {  	[sflag:s12] =	ssyncadd.s32 $0xFFFFE000  }
0x52: {  	[tilespmem:s16], [sflag:$0x2] =	stream.indirect.gather [hbm4b:s4+s14], $0x40, s19, s14, $0xb8;
	[tilespmem:$0x17E00] =	vst v63  }
0x53: {  	_ =	swait.ge [sflag:s17], $0x2000  }
0x54: {  	[sflag:s17] =	ssyncset.done $0x0  }
0x55: {  	[sflag:s17] =	ssyncadd.s32 $0xFFFFE000  }
0x56: {  	[spmem:s1] =	stream.indirect.scatter.add.f32 [tilespmem:s15], [sflag:$0x3], $0x40, s20, s14, $0xb8;
	[tilespmem:$0x17E00] =	vst v63  }
0x57: {  	_ =	swait.ge [sflag:s12], $0x2000  }
0x58: {  	[sflag:s12] =	ssyncset.done $0x0  }
0x59: {  	[sflag:s12] =	ssyncadd.s32 $0xFFFFE000  }
0x5a: {  	_ =	swait.ge [sflag:s18], $0x2000  }
0x5b: {  	[sflag:s18] =	ssyncset.done $0x0  }
0x5c: {  	[sflag:s18] =	ssyncadd.s32 $0xFFFFE000  }
0x5d: {  	[spmem:s1] =	stream.indirect.scatter.add.f32 [tilespmem:s16], [sflag:$0x3], $0x40, s21, s14, $0xb8;
	[tilespmem:$0x17E00] =	vst v63  }
0x5e: {  	_ =	swait.ge [sflag:s12], $0x2000  }
0x5f: {  	s22 =	sadd.s32 $0x1, s22;
	[sflag:s12] =	ssyncset.done $0x0  }
0x60: {  	p0 =	sne.s32 s22, s8;
	[sflag:s12] =	ssyncadd.s32 $0xFFFFE000  }
.Ltmp1:
0x61: {  	[bflag:$0x0] =	sbarrier.arrive $0xFFFF;
	(pc) =	sbr.rel @p0 .LBB2_1-.Ltmp1, $4  }
0x62: {  	[hbm:s10], [sflag:s6] =	dma.local [spmem:s11], $0x1400  }
0x63: {  	_ =	swait.ge [sflag:s12], $0x1400  }
0x64: {  	[sflag:s12] =	ssyncset.done $0x0  }
0x65: {  	[sflag:s12] =	ssyncadd.s32 $0xFFFFEC00  }
0x66: {  	_ =	sfence.sel $0x180000  }
0x67: {  	[bflag:$0x0] =	sbarrier.arrive $0xFFFF  }
0x68: {  	p0 =	sne.s32 s2, $0x0;
	_ =	strace $0x9000004D  }
0x69: {  	s0 =	sadd.s32 @!p0 $0x100000, s0;
	[bflag:$0x2] =	sbarrier.arrive $0xFFFF  }
0x6a: {  	[sflag:s0] =	ssyncadd.tile.s32 @!p0 $0x1;
	_ =	shalt  }
.Lfunc_end2:
_tile_overlayer_lowered:
.L_overlay_start_2:
0x6b: {  	(tag) =	ssettag $0x2  }
0x6c: {  	s0 =	rddreg [dreg:$0x0];
	s2 =	stileid.u32  }
0x6d: {  	s1 =	rddreg [dreg:$0x1];
	p0 =	sne.s32 s2, $0x0  }
0x6e: {  	s3 =	rddreg [dreg:$0x2];
	[bflag:$0x3] =	sbarrier.arrive $0xFFFF;
	s2 =	simm.s32 @!p0 $0x1C03  }
0x6f: {  	[timem:s3], [sflag:s2] =	dma.local @!p0 [hbm:s0], s1  }
0x70: {  	s0 =	simm.s32 @!p0 $0x3  }
0x71: {  	_ =	swait.ge @!p0 [sflag:s0], s1  }
0x72: {  	s1 =	ssub.s32 @!p0 $0x0, s1;
	[sflag:s0] =	ssyncset.done @!p0 $0x0  }
0x73: {  	[sflag:s0] =	ssyncadd.s32 @!p0 s1  }
0x74: {  	[bflag:$0x3] =	sbarrier.arrive $0xFFFF  }
0x75: {  	_ =	shalt  }

// kernel: kernel.8.cloned.1.call-start
scs
__scs_entry_jumppad:
0x0: {  	(pc) =	sbr.rel $0x88, $3  }
0x1: {  	(tag) =	ssettag $0x0;
	lr =	simm.s32 $0x1  }
0x2: {  	[smem:$0x3F7C] =	sst lr;
	_ =	strace $0xD0000000  }
0x3: {  	_ = 	snop  }
0x4: {  	_ = 	snop  }
0x5: {  	_ = 	snop  }
0x6: {  	_ = 	snop  }
0x7: {  	_ = 	snop  }
__scs_overlays_trampoline_lowered:
0x8: {  	[smem:$0x3F8B] =	sst s0  }
0x9: {  	[smem:$0x3F8C] =	sst s1  }
0xa: {  	[smem:$0x3F8D] =	sst s2  }
0xb: {  	[smem:$0x3F8E] =	sst s3  }
0xc: {  	[smem:$0x3F8F] =	sst s4  }
0xd: {  	[smem:$0x3F90] =	sst s5  }
0xe: {  	[smem:$0x3F91] =	sst s6  }
0xf: {  	[smem:$0x3F92] =	sst s7  }
0x10: {  	[smem:$0x3F93] =	sst s8  }
0x11: {  	[smem:$0x3F94] =	sst s9;
	s0 =	simm.s32 @!p0 $0x0  }
0x12: {  	s1 =	sld [smem:$0x3F7A];
	s0 =	simm.s32 @p0 $0x1  }
0x13: {  	[smem:$0x3F95] =	sst s0;
	s0 =	simm.s32 @!p1 $0x0  }
0x14: {  	s2 =	sld [smem:$0x3F79];
	s0 =	simm.s32 @p1 $0x1  }
0x15: {  	[smem:$0x3F96] =	sst s0;
	s0 =	simm.s32 @!p2 $0x0  }
0x16: {  	s3 =	sld [smem:$0x3FDB];
	s0 =	simm.s32 @p2 $0x1  }
0x17: {  	s4 =	simm.s32 $0x1BF5;
	[smem:$0x3F98] =	sst s0  }
0x18: {  	s0 =	sld [smem:$0x3F7B];
	_ =	swait.ge [sflag:s4], $0x0  }
0x19: {  	s7 =	sld [smem:$0x3F7C]  }
0x1a: {  	s8 =	sadd.s32 $0xFFFFE003, lr  }
0x1b: {  	s9 =	sadd.s32 $0xFFFFFEF7, lr;
	s5 =	simm.s32 $0xFFFFFFFF;
	p2 =	slt.u32 s8, $0xFFFFF086  }
0x1c: {  	p1 =	slt.u32 s9, $0xF7A;
	s5 =	simm.s32 @!p2 $0x0  }
0x1d: {  	s5 =	simm.s32 @p1 $0x1;
	p0 =	seq.s32 s7, s2  }
0x1e: {  	s7 =	smul.u32 @!p0 $0xF7A, s2;
	p2 =	seq.s32 @!p0 s5, $0x0  }
0x1f: {  	s9 =	smul.u32 $0xF7A, s1;
	s8 =	simm.s32 @!p0 $0x1BF5;
	p2 =	por !p2, p0  }
0x20: {  	[sflag:s8] =	ssyncset.s32 @!p0 $0xFFFFF086;
	s6 =	sadd.s32 @!p0 s3, s7;
	s7 =	simm.s32 @!p0 $0x108  }
0x21: {  	s3 =	sadd.s32 s3, s9;
	s6 =	sadd.s32 @!p0 $0x88, s6;
	s7 =	simm.s32 @p2 $0x1082  }
0x22: {  	[simem:s7], [sflag:s8] =	dma.local @!p0 [hbm:s6], $0xF7A  }
0x23: {  	s9 =	sor.u32 $0xD0000000, s2;
	s6 =	simm.s32 $0x108;
	_ =	swait.ge @!p0 [sflag:s8], $0x0  }
0x24: {  	s3 =	sadd.s32 $0x88, s3;
	s6 =	simm.s32 @!p1 $0x1082;
	[sflag:s4] =	ssyncset.s32 $0xFFFFF086  }
0x25: {  	[simem:s6], [sflag:s4] =	dma.local [hbm:s3], $0xF7A  }
0x26: {  	[smem:$0x3F7C] =	sst s1;
	(tag) =	ssettag s2;
	_ =	strace s9  }
0x27: {  	s1 =	sld [smem:$0x3F8C]  }
0x28: {  	s2 =	sld [smem:$0x3F8D]  }
0x29: {  	s4 =	sld [smem:$0x3F8F]  }
0x2a: {  	p0 =	seq.s32 s5, $0x0;
	s5 =	sld [smem:$0x3F90]  }
0x2b: {  	s6 =	sld [smem:$0x3F91]  }
0x2c: {  	s7 =	sld [smem:$0x3F92]  }
0x2d: {  	s3 =	simm.s32 $0x108;
	s8 =	sld [smem:$0x3F93]  }
0x2e: {  	s3 =	simm.s32 @!p0 $0x1082;
	s9 =	sld [smem:$0x3F94]  }
0x2f: {  	lr =	sadd.s32 s0, s3;
	s0 =	sld [smem:$0x3F8B]  }
0x30: {  	s3 =	sld [smem:$0x3F8E]  }
0x31: {  	[smem:$0x3F97] =	sst s10  }
0x32: {  	s10 =	sld [smem:$0x3F95];
	_ =	sdelay $0x3  }
0x33: {  	p0 =	seq.s32 s10, $0x1;
	s10 =	sld [smem:$0x3F97];
	_ =	sdelay $0x3  }
0x34: {  	[smem:$0x3F97] =	sst s10  }
0x35: {  	s10 =	sld [smem:$0x3F96];
	_ =	sdelay $0x3  }
0x36: {  	p1 =	seq.s32 s10, $0x1;
	s10 =	sld [smem:$0x3F97];
	_ =	sdelay $0x3  }
0x37: {  	[smem:$0x3F97] =	sst s10  }
0x38: {  	s10 =	sld [smem:$0x3F98]  }
0x39: {  	_ = 	snop;
	(pc) =	sbr.ind lr, $3  }
0x3a: {  	_ = 	snop  }
0x3b: {  	_ = 	snop  }
0x3c: {  	p2 =	seq.s32 s10, $0x1;
	s10 =	sld [smem:$0x3F97]  }
0x3d: {  	_ =	shalt  }
0x3e: {  	_ =	shalt  }
0x3f: {  	_ =	shalt  }
0x40: {  	_ =	shalt  }
0x41: {  	_ =	shalt  }
0x42: {  	_ =	shalt  }
0x43: {  	_ =	shalt  }
0x44: {  	_ =	shalt  }
0x45: {  	_ =	shalt  }
0x46: {  	_ =	shalt  }
0x47: {  	_ =	shalt  }
0x48: {  	_ =	shalt  }
0x49: {  	_ =	shalt  }
0x4a: {  	_ =	shalt  }
0x4b: {  	_ =	shalt  }
0x4c: {  	_ =	shalt  }
0x4d: {  	_ =	shalt  }
0x4e: {  	_ =	shalt  }
0x4f: {  	_ =	shalt  }
0x50: {  	_ =	shalt  }
0x51: {  	_ =	shalt  }
0x52: {  	_ =	shalt  }
0x53: {  	_ =	shalt  }
0x54: {  	_ =	shalt  }
0x55: {  	_ =	shalt  }
0x56: {  	_ =	shalt  }
0x57: {  	_ =	shalt  }
0x58: {  	_ =	shalt  }
0x59: {  	_ =	shalt  }
0x5a: {  	_ =	shalt  }
0x5b: {  	_ =	shalt  }
0x5c: {  	_ =	shalt  }
0x5d: {  	_ =	shalt  }
0x5e: {  	_ =	shalt  }
0x5f: {  	_ =	shalt  }
0x60: {  	_ =	shalt  }
0x61: {  	_ =	shalt  }
0x62: {  	_ =	shalt  }
0x63: {  	_ =	shalt  }
0x64: {  	_ =	shalt  }
0x65: {  	_ =	shalt  }
0x66: {  	_ =	shalt  }
0x67: {  	_ =	shalt  }
0x68: {  	_ =	shalt  }
0x69: {  	_ =	shalt  }
0x6a: {  	_ =	shalt  }
0x6b: {  	_ =	shalt  }
0x6c: {  	_ =	shalt  }
0x6d: {  	_ =	shalt  }
0x6e: {  	_ =	shalt  }
0x6f: {  	_ =	shalt  }
0x70: {  	_ =	shalt  }
0x71: {  	_ =	shalt  }
0x72: {  	_ =	shalt  }
0x73: {  	_ =	shalt  }
0x74: {  	_ =	shalt  }
0x75: {  	_ =	shalt  }
0x76: {  	_ =	shalt  }
0x77: {  	_ =	shalt  }
0x78: {  	_ =	shalt  }
0x79: {  	_ =	shalt  }
0x7a: {  	_ =	shalt  }
0x7b: {  	_ =	shalt  }
0x7c: {  	_ =	shalt  }
0x7d: {  	_ =	shalt  }
0x7e: {  	_ =	shalt  }
0x7f: {  	_ =	shalt  }
0x80: {  	_ =	shalt  }
0x81: {  	_ =	shalt  }
0x82: {  	_ =	shalt  }
0x83: {  	_ =	shalt  }
0x84: {  	_ =	shalt  }
0x85: {  	_ =	shalt  }
0x86: {  	_ =	shalt  }
0x87: {  	_ =	shalt  }
.Lfunc_end0:
.L_simem_size_0:
called_computation_lowered:
.L_overlay_start_0:
0x88: {  	s2 =	sld [smem:$0x3FD9]  }
0x89: {  	s3 =	sld [smem:$0x3FFE];
	_ =	sdelay $0x1  }
0x8a: {  	s1 =	srdreg.scid  }
0x8b: {  	s0 =	sand.u32 $0x1, s1  }
0x8c: {  	s14 =	sshll.u32 s0, $0xA;
	s2 =	sadd.s32 s3, s2  }
0x8d: {  	s2 =	sadd.s32 s2, s14  }
0x8e: {  	[smem:$0x3FA3] =	sst s2  }
0x8f: {  	_ = 	snop  }
0x90: {  	s2 =	sld [smem:$0x3FD0];
	_ =	sdelay $0x2  }
0x91: {  	s15 =	simm.s32 $0xA;
	s4 =	simm.s32 $0x10  }
0x92: {  	[smem:s4], [sflag:s15] =	dma.local [hbm:s2], $0x1  }
0x93: {  	_ =	swait.eq [sflag:s15], $0x1  }
0x94: {  	[sflag:s15] =	ssyncset.done $0x0  }
0x95: {  	s16 =	sld [smem:$0x10];
	[sflag:s15] =	ssyncadd.s32 $0xFFFFFFFF  }
0x96: {  	s17 =	sld [smem:$0x11];
	(tm) =	ssettm $0x1  }
0x97: {  	s18 =	sld [smem:$0x3FFB];
	_ =	sdelay $0x3  }
0x98: {  	_ =	strace s18  }
0x99: {  	s4 =	sld [smem:$0x3FFC];
	_ =	sdelay $0x3  }
0x9a: {  	_ =	strace s4  }
0x9b: {  	s4 =	sld [smem:$0x3FFD];
	_ =	sdelay $0x3  }
0x9c: {  	_ =	strace s4  }
0x9d: {  	_ =	strace $0x8FFFFFFF  }
0x9e: {  	s19 =	sld [smem:$0x3FDB];
	_ =	sdelay $0x1  }
0x9f: {  	s5 =	simm.s32 $_scs_section_size  }
0xa0: {  	s6 =	simm.s32 $_size__tile_overlayer_lowered;
	s7 =	simm.s32 $_tile_overlayer_lowered  }
0xa1: {  	s22 =	simm.s32 $0x1BFF;
	s21 =	sshll.u32 s7, $0x1;
	s4 =	sadd.s32 s5, s19  }
0xa2: {  	s8 =	simm.s32 $0x0;
	s20 =	sshll.u32 s6, $0x1;
	s6 =	sadd.s32 s21, s4  }
0xa3: {  	[timem:s8], [sflag:s22] =	dma.local [hbm:s6], s20  }
0xa4: {  	_ =	swait.ge [sflag:s22], s20  }
0xa5: {  	s5 =	ssub.s32 $0x0, s20;
	[sflag:s22] =	ssyncset.done $0x0  }
0xa6: {  	[sflag:s22] =	ssyncadd.s32 s5;
	_ =	sdelay $0x1  }
0xa7: {  	s23 =	simm.s32 $0x1B8B  }
0xa8: {  	_ =	swait.ge [sflag:s23], $0x1  }
0xa9: {  	[sflag:s23] =	ssyncset.done $0x0  }
0xaa: {  	s25 =	simm.s32 $0x1B8E;
	s24 =	sld [smem:$0x3FFE];
	[sflag:s23] =	ssyncadd.s32 $0xFFFFFFFF  }
0xab: {  	s26 =	simm.s32 $execute0_lowered;
	[smem:$0x3FD2] =	sst s25  }
0xac: {  	s6 =	sshll.u32 s26, $0x1;
	_ =	strace $0x80000046;
	[dreg:$0x1] =	wrdreg $0xFFFFFFFF  }
0xad: {  	s28 =	simm.s32 $_size_execute0_lowered;
	s4 =	sadd.s32 s4, s6;
	[dreg:$0x0] =	wrdreg $0x0  }
0xae: {  	s6 =	sshll.u32 s28, $0x1;
	[dreg:$0x2] =	wrdreg s4  }
0xaf: {  	[dreg:$0x3] =	wrdreg s6  }
0xb0: {  	[dreg:$0x4] =	wrdreg $0xC0  }
0xb1: {  	_ =	task [dreg:s8], $0x5FFFF  }
0xb2: {  	[dreg:$0x1] =	wrdreg $0xFFFFFFFF  }
0xb3: {  	[dreg:$0x0] =	wrdreg $0x60  }
0xb4: {  	[dreg:$0x2] =	wrdreg s24  }
0xb5: {  	[dreg:$0x3] =	wrdreg s16  }
0xb6: {  	[dreg:$0x4] =	wrdreg s17  }
0xb7: {  	[dreg:$0x5] =	wrdreg $0xDE000  }
0xb8: {  	[dreg:$0x6] =	wrdreg $0x182000  }
0xb9: {  	[dreg:$0x7] =	wrdreg $0x9  }
0xba: {  	_ =	task.clear_ibuf [dreg:s8], $0x8FFFF;
	_ =	strace $0x90000046  }
0xbb: {  	s29 =	simm.s32 $0x9;
	_ =	strace $0x80000048  }
0xbc: {  	_ =	swait.ge [sflag:s29], $0x1  }
0xbd: {  	[sflag:s29] =	ssyncadd.s32 $0xFFFFFFFF  }
0xbe: {  	_ =	strace $0x90000048  }
0xbf: {  	_ =	sfence  }
0xc0: {  	s30 =	sld [smem:$0x0];
	_ =	sdelay $0x2  }
0xc1: {  	s31 =	sshll.u32 s1, $0xD;
	s1 =	sshrl.u32 s1, $0x2  }
0xc2: {  	s3 =	sand.u32 $0x4000, s31;
	s1 =	sadd.s32 s1, s30  }
0xc3: {  	s0 =	sor.u32 s3, s0;
	s1 =	sshll.u32 s1, $0x11  }
0xc4: {  	s0 =	sor.u32 s1, s0  }
0xc5: {  	s0 =	sadd.s32 $0x8F2B, s0  }
0xc6: {  	[sflag:s0] =	ssyncadd.remote.s32 $0x1  }
0xc7: {  	_ =	sfence.sel $0xFFFF  }
0xc8: {  	[dreg:$0x0] =	wrdreg $0xFFFFFFFF;
	(pc) =	sbr.abs _section_cstart, $3  }
0xc9: {  	[dreg:$0x1] =	wrdreg $0xFFFFFFFF  }
0xca: {  	_ =	task.clear_ibuf [dreg:s8], $0x2FFFF;
	_ =	strace $0x9FFFFFFF  }
0xcb: {  	(tm) =	ssettm $0x7FFFFFFF  }
tec
execute0_lowered:
.L_overlay_start_1:
0x0: {  	(tag) =	ssettag $0x1  }
0x1: {  	s0 =	rddreg [dreg:$0x0]  }
0x2: {  	s1 =	rddreg [dreg:$0x1]  }
0x3: {  	s2 =	rddreg [dreg:$0x3]  }
0x4: {  	s4 =	rddreg [dreg:$0x4]  }
0x5: {  	s5 =	simm.s32 $0x0;
	s12 =	stileid.u32;
	s8 =	srdreg.scid  }
0x6: {  	s19 =	simm.s32 $0x4;
	s22 =	simm.s32 $0x80;
	s24 =	simm.s32 $0x9E00  }
0x7: {  	s28 =	simm.s32 $0xBE00;
	s29 =	simm.s32 $0x1;
	s30 =	simm.s32 $0x17E00  }
0x8: {  	s31 =	simm.s32 $0x3;
	[smem:$0x7FF] =	sst s5;
	s3 =	smul.u32 $0x9E0, s12  }
0x9: {  	s6 =	sadd.s32 $0x26E00, s0;
	s7 =	smul.u32 $0x1400, s12;
	s9 =	sadd.s32 $0x51600, s0  }
0xa: {  	s8 =	sand.u32 $0x1, s8;
	s11 =	smul.u32 $0xA000, s12;
	s13 =	sadd.s32 $0x65600, s0  }
0xb: {  	s12 =	sshll.u32 s12, $0x6;
	_ =	strace $0x80000047;
	[dreg:$0x6] =	wrdreg s9  }
0xc: {  	s10 =	ssub.s32 $0x2, s8;
	[dreg:$0x7] =	wrdreg s13;
	p0 =	seq.s32 s8, $0x0  }
0xd: {  	s3 =	sadd.s32 s3, s0;
	s25 =	sshrl.u32 s7, $0x3;
	s26 =	sshrl.u32 s10, $0x1  }
0xe: {  	s9 =	sshrl.u32 s11, $0x3;
	s18 =	sadd.s32 s11, s2;
	s11 =	sor.u32 $0x1C04, s12  }
0xf: {  	s13 =	sadd.s32 s7, s4;
	s0 =	sadd.s32 s25, s0;
	s15 =	ssub.s32 s10, s26  }
.Ltmp0:
0x10: {  	s10 =	sadd.s32 s1, s9;
	s12 =	sadd.s32 $0x1D000, s3;
	(pc) =	sbr.rel .LBB2_1-.Ltmp0, $4  }
0x11: {  	s1 =	simm.s32 $0x9400;
	s18 =	sshrl.u32 s18, $0x3;
	s25 =	simm.s32 $0x2  }
0x12: {  	s14 =	sadd.s32 $0x4EE00, s0;
	s1 =	simm.s32 @!p0 $0x13200;
	s0 =	sadd.s32 $0x79600, s0  }
0x13: {  	s16 =	smax.u32 s15, $0x1;
	p0 =	sne.s32 s8, $0x0;
	[dreg:$0x8] =	wrdreg s0  }
0x14: {  	s17 =	sadd.s32 s1, s3;
	s21 =	sshrl.u32 @!p0 s13, $0x3;
	s0 =	simm.s32 $0x0  }
.LBB2_9:
0x15: {  	_ =	swait.ge [sflag:s31], $0x400  }
0x16: {  	[sflag:s31] =	ssyncset.done $0x0  }
0x17: {  	[sflag:s31] =	ssyncadd.s32 $0xFFFFFC00  }
0x18: {  	_ =	swait.ge [sflag:s31], $0x400  }
0x19: {  	[sflag:s31] =	ssyncset.done $0x0  }
0x1a: {  	s1 =	sshrl.u32 s13, $0x3;
	s3 =	rddreg [dreg:$0x8];
	[sflag:s31] =	ssyncadd.s32 $0xFFFFFC00  }
0x1b: {  	[hbm:s3], [sflag:s11] =	dma.local [spmem:s1], $0x280  }
0x1c: {  	_ =	swait.ge [sflag:s19], $0x280  }
0x1d: {  	[sflag:s19] =	ssyncset.done $0x0  }
0x1e: {  	s1 =	rddreg [dreg:$0x6];
	[sflag:s19] =	ssyncadd.s32 $0xFFFFFD80  }
.LBB2_10:
0x1f: {  	s0 =	sadd.s32 $0x1, s0  }
0x20: {  	p1 =	sne.s32 s0, s16  }
.Ltmp1:
0x21: {  	s1 =	sadd.s32 s1, s9;
	[bflag:$0x0] =	sbarrier.arrive $0xFFFF;
	(pc) =	sbr.rel @!p1 .LBB2_11-.Ltmp1, $4  }
0x22: {  	[hbm:s1], [sflag:s11] =	dma.local [spmem:s18], $0x1400  }
0x23: {  	_ =	swait.ge [sflag:s19], $0x1400  }
0x24: {  	[sflag:s19] =	ssyncset.done $0x0  }
0x25: {  	[sflag:s19] =	ssyncadd.s32 $0xFFFFEC00  }
.LBB2_1:
0x26: {  	[spmem:s18], [sflag:s11] =	dma.local [hbm:s10], $0x1400  }
0x27: {  	_ =	swait.ge [sflag:s19], $0x1400  }
0x28: {  	[sflag:s19] =	ssyncset.done $0x0  }
0x29: {  	[sflag:s19] =	ssyncadd.s32 $0xFFFFEC00  }
0x2a: {  	[tilespmem:s5], [sflag:$0x4] =	stream.linear.gather [hbm4b:s17+s5], $0x4F00, $0x38;
	[tilespmem:$0x19600] =	vst v63  }
0x2b: {  	_ =	swait.ge [sflag:s19], $0x4F00  }
0x2c: {  	[sflag:s19] =	ssyncset.done $0x0  }
0x2d: {  	s1 =	simm.s32 $0x4F00;
	[sflag:s19] =	ssyncadd.s32 $0xFFFFB100  }
0x2e: {  	[tilespmem:s1], [sflag:$0x4] =	stream.linear.gather [hbm4b:s12+s5], $0x4F00, $0x38;
	[tilespmem:$0x19600] =	vst v63  }
0x2f: {  	_ =	swait.ge [sflag:s19], $0x4F00  }
0x30: {  	[sflag:s19] =	ssyncset.done $0x0  }
0x31: {  	s3 =	simm.s32 @p0 $0x0;
	[sflag:s19] =	ssyncadd.s32 $0xFFFFB100  }
0x32: {  	s7 =	simm.s32 @p0 $0x9E00;
	s1 =	simm.s32 @p0 $0x80;
	[bflag:$0x0] =	sbarrier.arrive @p0 $0xFFFF  }
0x33: {  	[tilespmem:s7], [sflag:$0x1] =	stream.indirect.gather @p0 [hbm4b:s6+s1], $0x40, s3, s1, $0xb8;
	[tilespmem:$0x19600] =	vst v63  }
0x34: {  	s3 =	simm.s32 @p0 $0xBE00  }
0x35: {  	[tilespmem:s3], [sflag:$0x2] =	stream.indirect.gather @p0 [hbm4b:s6+s1], $0x40, s1, s1, $0xb8;
	[tilespmem:$0x19600] =	vst v63  }
0x36: {  	s3 =	simm.s32 @p0 $0x1  }
0x37: {  	_ =	swait.ge @p0 [sflag:s3], $0x2000  }
0x38: {  	[sflag:s3] =	ssyncset.done @p0 $0x0  }
0x39: {  	[sflag:s3] =	ssyncadd.s32 @p0 $0xFFFFE000;
	s3 =	simm.s32 @p0 $0x4F00  }
0x3a: {  	[spmem:s2] =	stream.indirect.scatter.add.f32 @p0 [tilespmem:s7], [sflag:$0x4], $0x40, s3, s1, $0xb8;
	[tilespmem:$0x19600] =	vst v63  }
0x3b: {  	s1 =	simm.s32 @p0 $0x4  }
0x3c: {  	_ =	swait.ge @p0 [sflag:s1], $0x2000  }
0x3d: {  	[sflag:s1] =	ssyncset.done @p0 $0x0  }
0x3e: {  	s8 =	simm.s32 @!p0 $0x4;
	[sflag:s1] =	ssyncadd.s32 @p0 $0xFFFFE000  }
0x3f: {  	s7 =	simm.s32 @!p0 $0x0;
	s3 =	simm.s32 @!p0 $0x17E00;
	s1 =	rddreg [dreg:$0x2]  }
0x40: {  	[tilespmem:s3], [sflag:$0x4] =	stream.linear.gather @!p0 [hbm4b:s1+s7], $0x400, $0x38;
	[tilespmem:$0x19600] =	vst v63  }
0x41: {  	_ =	swait.ge @!p0 [sflag:s8], $0x400  }
0x42: {  	[sflag:s8] =	ssyncset.done @!p0 $0x0  }
0x43: {  	[sflag:s8] =	ssyncadd.s32 @!p0 $0xFFFFFC00  }
0x44: {  	[spmem:s21], [sflag:s11] =	dma.local @!p0 [hbm:s14], $0x280  }
0x45: {  	_ =	swait.ge @!p0 [sflag:s8], $0x280  }
0x46: {  	[sflag:s8] =	ssyncset.done @!p0 $0x0  }
0x47: {  	[sflag:s8] =	ssyncadd.s32 @!p0 $0xFFFFFD80  }
0x48: {  	s15 =	simm.s32 @!p0 $0x9E00;
	s1 =	simm.s32 @!p0 $0x80;
	[bflag:$0x0] =	sbarrier.arrive @!p0 $0xFFFF  }
0x49: {  	[tilespmem:s15], [sflag:$0x1] =	stream.indirect.gather @!p0 [hbm4b:s6+s1], $0x40, s7, s1, $0xb8;
	[tilespmem:$0x19600] =	vst v63  }
0x4a: {  	s7 =	simm.s32 @!p0 $0xBE00  }
0x4b: {  	[tilespmem:s7], [sflag:$0x2] =	stream.indirect.gather @!p0 [hbm4b:s6+s1], $0x40, s1, s1, $0xb8;
	[tilespmem:$0x19600] =	vst v63  }
0x4c: {  	s7 =	simm.s32 @!p0 $0x1  }
0x4d: {  	_ =	swait.ge @!p0 [sflag:s7], $0x2000  }
0x4e: {  	[sflag:s7] =	ssyncset.done @!p0 $0x0  }
0x4f: {  	[sflag:s7] =	ssyncadd.s32 @!p0 $0xFFFFE000;
	s7 =	simm.s32 @!p0 $0x4F00  }
0x50: {  	[spmem:s2] =	stream.indirect.scatter.add.f32 @!p0 [tilespmem:s15], [sflag:$0x4], $0x40, s7, s1, $0xb8;
	[tilespmem:$0x19600] =	vst v63  }
0x51: {  	_ =	swait.ge @!p0 [sflag:s8], $0x2000  }
0x52: {  	[sflag:s8] =	ssyncset.done @!p0 $0x0  }
0x53: {  	[sflag:s8] =	ssyncadd.s32 @!p0 $0xFFFFE000  }
0x54: {  	[spmem:s4] =	stream.indirect.scatter.add.f32 @!p0 [tilespmem:s3], [sflag:$0x3], $0x8, s7, s1, $0xb8;
	[tilespmem:$0x19600] =	vst v63  }
0x55: {  	s23 =	simm.s32 $0x100  }
0x56: {  	[tilespmem:s24], [sflag:$0x1] =	stream.indirect.gather [hbm4b:s6+s22], $0x40, s23, s22, $0xb8;
	[tilespmem:$0x19600] =	vst v63  }
0x57: {  	_ =	swait.ge [sflag:s25], $0x2000  }
0x58: {  	[sflag:s25] =	ssyncset.done $0x0  }
0x59: {  	s26 =	simm.s32 $0x4F80;
	[sflag:s25] =	ssyncadd.s32 $0xFFFFE000  }
0x5a: {  	[spmem:s2] =	stream.indirect.scatter.add.f32 [tilespmem:s28], [sflag:$0x4], $0x40, s26, s22, $0xb8;
	[tilespmem:$0x19600] =	vst v63  }
.Ltmp2:
0x5b: {  	_ =	swait.ge [sflag:s19], $0x2000;
	(pc) =	sbr.rel .LBB2_2-.Ltmp2, $4  }
0x5c: {  	[sflag:s19] =	ssyncset.done $0x0  }
0x5d: {  	s20 =	simm.s32 $0x1;
	s7 =	simm.s32 @!p0 $0x4F80;
	[sflag:s19] =	ssyncadd.s32 $0xFFFFE000  }
0x5e: {  	[spmem:s4] =	stream.indirect.scatter.add.f32 @!p0 [tilespmem:s3], [sflag:$0x3], $0x8, s7, s1, $0xb8;
	[tilespmem:$0x19600] =	vst v63  }
0x5f: {  	s15 =	simm.s32 $0x5000;
	s8 =	simm.s32 $0x200;
	s7 =	simm.s32 $0x4D  }
.LBB2_5:
0x60: {  	s7 =	sadd.s32 $0xFFFFFFFF, s7;
	s8 =	sadd.s32 $0x100, s8;
	s15 =	sadd.s32 $0x100, s15  }
.LBB2_2:
0x61: {  	s23 =	sadd.s32 $0xFFFFFF80, s8  }
0x62: {  	[tilespmem:s28], [sflag:$0x2] =	stream.indirect.gather [hbm4b:s6+s22], $0x40, s23, s22, $0xb8;
	[tilespmem:$0x19600] =	vst v63  }
0x63: {  	_ =	swait.ge [sflag:s29], $0x2000  }
0x64: {  	[sflag:s29] =	ssyncset.done $0x0  }
0x65: {  	[sflag:s29] =	ssyncadd.s32 $0xFFFFE000  }
0x66: {  	[spmem:s2] =	stream.indirect.scatter.add.f32 [tilespmem:s24], [sflag:$0x4], $0x40, s15, s22, $0xb8;
	[tilespmem:$0x19600] =	vst v63  }
0x67: {  	_ =	swait.ge [sflag:s19], $0x2000  }
0x68: {  	[sflag:s19] =	ssyncset.done $0x0  }
0x69: {  	s23 =	simm.s32 @!p0 $0x3;
	[sflag:s19] =	ssyncadd.s32 $0xFFFFE000  }
0x6a: {  	[spmem:s4] =	stream.indirect.scatter.add.f32 @!p0 [tilespmem:s3], [sflag:$0x3], $0x8, s15, s1, $0xb8;
	[tilespmem:$0x19600] =	vst v63  }
0x6b: {  	_ =	swait.ge @!p0 [sflag:s23], $0x400  }
0x6c: {  	p1 =	seq.s32 s7, $0x0;
	[sflag:s23] =	ssyncset.done @!p0 $0x0  }
0x6d: {  	s26 =	simm.s32 @!p1 $0x9E00;
	[sflag:s23] =	ssyncadd.s32 @!p0 $0xFFFFFC00;
	s23 =	simm.s32 @!p1 $0x80  }
0x6e: {  	[tilespmem:s26], [sflag:$0x1] =	stream.indirect.gather @!p1 [hbm4b:s6+s23], $0x40, s8, s23, $0xb8;
	[tilespmem:$0x19600] =	vst v63  }
0x6f: {  	_ =	swait.ge [sflag:s25], $0x2000  }
0x70: {  	[sflag:s25] =	ssyncset.done $0x0  }
.Ltmp3:
0x71: {  	s23 =	sadd.s32 $0x80, s15;
	[sflag:s25] =	ssyncadd.s32 $0xFFFFE000;
	(pc) =	sbr.rel @p0 .LBB2_6-.Ltmp3, $4  }
0x72: {  	[spmem:s2] =	stream.indirect.scatter.add.f32 [tilespmem:s28], [sflag:$0x4], $0x40, s23, s22, $0xb8;
	[tilespmem:$0x19600] =	vst v63  }
0x73: {  	_ =	swait.ge [sflag:s19], $0x2000  }
0x74: {  	[sflag:s19] =	ssyncset.done $0x0  }
0x75: {  	[sflag:s19] =	ssyncadd.s32 $0xFFFFE000  }
.Ltmp4:
0x76: {  	(pc) =	sbr.rel @p1 .LBB2_9-.Ltmp4, $4  }
0x77: {  	[spmem:s4] =	stream.indirect.scatter.add.f32 [tilespmem:s30], [sflag:$0x3], $0x8, s23, s22, $0xb8;
	[tilespmem:$0x19600] =	vst v63  }
0x78: {  	_ =	swait.ge [sflag:s31], $0x400  }
0x79: {  	[sflag:s31] =	ssyncset.done $0x0  }
0x7a: {  	[sflag:s31] =	ssyncadd.s32 $0xFFFFFC00  }
.Ltmp5:
0x7b: {  	(pc) =	sbr.rel .LBB2_5-.Ltmp5, $2  }
0x7c: {  	_ =	sdelay $0x2  }
0x7d: {  	s20 =	sadd.s32 $0x1, s20  }
.LBB2_6:
.Ltmp6:
0x7e: {  	(pc) =	sbr.rel @p1 .LBB2_7-.Ltmp6, $1  }
0x7f: {  	_ =	sdelay $0x3  }
.Ltmp7:
0x80: {  	(pc) =	sbr.rel .LBB2_5-.Ltmp7, $2  }
0x81: {  	_ =	sdelay $0x2  }
0x82: {  	s20 =	sadd.s32 $0x1, s20  }
.LBB2_7:
.Ltmp8:
0x83: {  	(pc) =	sbr.rel .LBB2_10-.Ltmp8, $2  }
0x84: {  	_ =	sdelay $0x2  }
0x85: {  	s1 =	rddreg [dreg:$0x7]  }
.LBB2_11:
0x86: {  	_ =	sfence.sel $0x180000  }
0x87: {  	[bflag:$0x0] =	sbarrier.arrive $0xFFFF  }
0x88: {  	_ =	strace $0x90000047  }
0x89: {  	s0 =	stileid.u32;
	[bflag:$0x2] =	sbarrier.arrive $0xFFFF  }
0x8a: {  	p0 =	sne.s32 s0, $0x0;
	s0 =	rddreg [dreg:$0x5]  }
0x8b: {  	s0 =	sadd.s32 @!p0 $0x100000, s0  }
0x8c: {  	[sflag:s0] =	ssyncadd.tile.s32 @!p0 $0x1;
	_ =	shalt  }
.Lfunc_end2:
_tile_overlayer_lowered:
.L_overlay_start_2:
0x8d: {  	(tag) =	ssettag $0x2  }
0x8e: {  	s0 =	rddreg [dreg:$0x0];
	s2 =	stileid.u32  }
0x8f: {  	s1 =	rddreg [dreg:$0x1];
	p0 =	sne.s32 s2, $0x0  }
0x90: {  	s3 =	rddreg [dreg:$0x2];
	[bflag:$0x3] =	sbarrier.arrive $0xFFFF;
	s2 =	simm.s32 @!p0 $0x1C04  }
0x91: {  	[timem:s3], [sflag:s2] =	dma.local @!p0 [hbm:s0], s1  }
0x92: {  	s0 =	simm.s32 @!p0 $0x4  }
0x93: {  	_ =	swait.ge @!p0 [sflag:s0], s1  }
0x94: {  	s1 =	ssub.s32 @!p0 $0x0, s1;
	[sflag:s0] =	ssyncset.done @!p0 $0x0  }
0x95: {  	[sflag:s0] =	ssyncadd.s32 @!p0 s1  }
0x96: {  	[bflag:$0x3] =	sbarrier.arrive $0xFFFF  }
0x97: {  	_ =	shalt  }

</sc_bundles>
